<compile_context>
chip_gen: v7x
topology: tpu7x:2x2x1
jax: 0.10.2.dev20260603
libtpu: 0.0.44.dev20260713+nightly
codegen_flags: <defaults>
</compile_context>

<pallas_src>
import functools

import jax
import jax.numpy as jnp
from jax import lax
from jax.experimental import pallas as pl
from jax.experimental.pallas import tpu as pltpu
from jax.experimental.pallas import tpu_sc as plsc

NC = 2
NS = 16
NW = NC * NS
L = 16

BATCH = 16384
FEAT = 512
NBINS = 10240
BINS_PER_T = NBINS // NS
LABS_PER_T = BATCH // NS
ROWS_PER_W = BATCH // NW
CHUNK = 8
CHUNKS = ROWS_PER_W // CHUNK
RING = 4

_mesh = plsc.VectorSubcoreMesh(
    core_axis_name="c", subcore_axis_name="s", num_cores=NC, num_subcores=NS)
_params = pltpu.CompilerParams(needs_layout_passes=False)


@functools.partial(
    pl.kernel,
    out_type=(jax.ShapeDtypeStruct((NC, NS, NBINS), jnp.float32),
              jax.ShapeDtypeStruct((NC, NBINS), jnp.float32),
              jax.ShapeDtypeStruct((NW, L), jnp.float32)),
    mesh=_mesh,
    scratch_types=[
        pltpu.VMEM((LABS_PER_T,), jnp.float32),
        pltpu.VMEM((BINS_PER_T,), jnp.float32),
        pltpu.VMEM((ROWS_PER_W,), jnp.float32),
        pltpu.VMEM((ROWS_PER_W,), jnp.int32),
        pltpu.VMEM((NBINS,), jnp.float32),
        pltpu.VMEM((ROWS_PER_W,), jnp.float32),
        pltpu.VMEM((CHUNK, FEAT), jnp.float32),
        pltpu.VMEM((CHUNK, FEAT), jnp.float32),
        pltpu.VMEM((CHUNK, FEAT), jnp.float32),
        pltpu.VMEM((CHUNK, FEAT), jnp.float32),
        pltpu.VMEM((CHUNK, FEAT), jnp.float32),
        pltpu.VMEM((CHUNK, FEAT), jnp.float32),
        pltpu.VMEM((CHUNK, FEAT), jnp.float32),
        pltpu.VMEM((CHUNK, FEAT), jnp.float32),
        pltpu.VMEM((L,), jnp.float32),
        pltpu.SemaphoreType.DMA,
        pltpu.SemaphoreType.DMA,
        pltpu.SemaphoreType.DMA,
        pltpu.SemaphoreType.DMA,
        pltpu.SemaphoreType.DMA,
        pltpu.SemaphoreType.DMA,
        pltpu.SemaphoreType.DMA,
        pltpu.SemaphoreType.DMA,
        pltpu.SemaphoreType.DMA,
    ],
    compiler_params=_params,
)
def _fused(f_hbm, lab_hbm, cen_hbm, hpart_hbm, cnt_hbm, out_hbm,
           hl_v, red_v, labf_v, lab_v, cnt_v, w_v,
           fb0, fb1, fb2, fb3, cb0, cb1, cb2, cb3, outb,
           semh,
           semf0, semf1, semf2, semf3, semc0, semc1, semc2, semc3):
    c = lax.axis_index("c")
    s = lax.axis_index("s")
    wid = s * NC + c
    base = wid * ROWS_PER_W
    lo = s * BINS_PER_T

    fbs = (fb0, fb1, fb2, fb3)
    cbs = (cb0, cb1, cb2, cb3)
    semf = (semf0, semf1, semf2, semf3)
    semc = (semc0, semc1, semc2, semc3)

    pltpu.sync_copy(lab_hbm.at[pl.ds(base, ROWS_PER_W)], labf_v)

    def _cv(j, carry):
        sl = pl.ds(j * L, L)
        lab_v[sl] = labf_v[sl].astype(jnp.int32)
        return carry

    lax.fori_loop(0, ROWS_PER_W // L, _cv, 0)

    def _startc(k, i):
        pltpu.async_copy(
            f_hbm.at[pl.ds(base + k * CHUNK, CHUNK)], fbs[i], semf[i])
        pltpu.async_copy(
            cen_hbm.at[lab_v.at[pl.ds(k * CHUNK, CHUNK)]], cbs[i], semc[i])

    for k in range(RING - 1):
        _startc(k, k)

    hd = pltpu.async_copy(
        lab_hbm.at[pl.ds(s * LABS_PER_T, LABS_PER_T)], hl_v, semh)

    def _z(j, carry):
        cnt_v[pl.ds(j * L, L)] = jnp.zeros((L,), jnp.float32)
        return carry

    lax.fori_loop(0, NBINS // L, _z, 0)
    hd.wait()

    ones = jnp.ones((L,), jnp.float32)

    def _h(j, carry):
        lab = hl_v[pl.ds(j * L, L)].astype(jnp.int32)
        plsc.addupdate_scatter(cnt_v, [lab], ones)
        return carry

    lax.fori_loop(0, LABS_PER_T // L, _h, 0, unroll=4)

    pltpu.sync_copy(cnt_v, hpart_hbm.at[c, s])
    plsc.subcore_barrier()

    ds_ = []
    for t in range(NS):
        ds_.append(pltpu.async_copy(
            hpart_hbm.at[c, t, pl.ds(lo, BINS_PER_T)],
            cnt_v.at[pl.ds(t * BINS_PER_T, BINS_PER_T)], semh))
    for t in range(NS):
        ds_[t].wait()

    def _r(j, carry):
        sl = pl.ds(j * L, L)
        acc = None
        for t0 in range(0, NS, 4):
            a = (cnt_v[pl.ds((t0 + 0) * BINS_PER_T + j * L, L)]
                 + cnt_v[pl.ds((t0 + 1) * BINS_PER_T + j * L, L)])
            b = (cnt_v[pl.ds((t0 + 2) * BINS_PER_T + j * L, L)]
                 + cnt_v[pl.ds((t0 + 3) * BINS_PER_T + j * L, L)])
            acc = (a + b) if acc is None else acc + (a + b)
        red_v[sl] = acc
        return carry

    lax.fori_loop(0, BINS_PER_T // L, _r, 0)

    pltpu.sync_copy(red_v, cnt_hbm.at[c, pl.ds(lo, BINS_PER_T)])
    plsc.subcore_barrier()

    pltpu.sync_copy(cnt_hbm.at[c], cnt_v)

    def _w(j, carry):
        cnt = plsc.load_gather(cnt_v, [lab_v[pl.ds(j * L, L)]])
        w_v[pl.ds(j * L, L)] = 1.0 / cnt
        return carry

    lax.fori_loop(0, ROWS_PER_W // L, _w, 0)

    def _grp(g, gacc):
        for i in range(RING):
            k = g * RING + i
            q = k + RING - 1

            @pl.when(q < CHUNKS)
            def _():
                _startc(q, (i - 1) % RING)

            pltpu.make_async_copy(
                f_hbm.at[pl.ds(base, CHUNK)], fbs[i], semf[i]).wait()
            pltpu.make_async_copy(
                cen_hbm.at[lab_v.at[pl.ds(0, CHUNK)]], cbs[i], semc[i]).wait()
            fbuf = fbs[i]
            cbuf = cbs[i]

            def _row(r, gacc):
                accs = [jnp.zeros((L,), jnp.float32) for _ in range(4)]
                for j in range(FEAT // L):
                    dd = fbuf[r, pl.ds(j * L, L)] - cbuf[r, pl.ds(j * L, L)]
                    accs[j % 4] = accs[j % 4] + dd * dd
                acc = (accs[0] + accs[1]) + (accs[2] + accs[3])
                w = plsc.load_gather(
                    w_v, [jnp.full((L,), k * CHUNK, jnp.int32) + r])
                return gacc + acc * w

            gacc = lax.fori_loop(0, CHUNK, _row, gacc)
        return gacc

    gacc = lax.fori_loop(0, CHUNKS // RING, _grp,
                         jnp.zeros((L,), jnp.float32))

    outb[...] = gacc
    pltpu.sync_copy(outb, out_hbm.at[wid])


def kernel(feature, labels, center, lamda):
    _, _, out = _fused(feature, labels, center)
    loss = (lamda / 2) * (jnp.sum(out) / BATCH)
    return (loss, center)

# --- scband reference (transcript-rebuilt; emitter-appended) ---
"""Pipeline reference for scband-center-loss-33389075759591 (READ-ONLY COPY).

The authoritative reference and input builder live on the scoring server;
editing this copy changes nothing except your own understanding.
"""

import jax, jax.numpy as jnp
import numpy as np

LABEL_NUM = 10000
FEATURE_NUM = 512
BATCH = 16384

def setup_inputs(seed: int = 0) -> dict:
    key = jax.random.key(seed)
    k1, k2, k3 = jax.random.split(key, 3)
    feature = jax.random.normal(k1, (BATCH, FEATURE_NUM), dtype=jnp.float32)
    # torch.histc requires float labels; values are integer-valued floats in [0, LABEL_NUM)
    labels = jax.random.randint(k2, (BATCH,), 0, LABEL_NUM).astype(jnp.float32)
    center = jax.random.normal(k3, (LABEL_NUM, FEATURE_NUM), dtype=jnp.float32)
    lamda = jnp.float32(2)
    return {"feature": feature, "labels": labels, "center": center, "lamda": lamda}

def reference(feature, labels, center, lamda=2):
    lab = labels.astype(jnp.int32)
    # center.index_select(0, labels.long())
    center_exp = jnp.take(center, lab, axis=0)
    # torch.histc(labels, bins=max+1, min=0, max=max) == bincount for integer-valued labels
    nbins = center.shape[0]
    count = jnp.bincount(lab, length=nbins).astype(jnp.float32)
    count_exp = jnp.take(count, lab, axis=0)
    loss = (lamda / 2) * jnp.mean(jnp.sum(jnp.square(feature - center_exp), axis=1) / count_exp)
    return (loss, center)

if __name__ == "__main__":
    import jax
    _d = setup_inputs()
    print(jax.jit(kernel)(*tuple(_d.values())))

</pallas_src>

<mosaic_0001>
#map = affine_map<(d0, d1) -> (0, 0)>
#map1 = affine_map<(d0, d1) -> (0)>
#map2 = affine_map<(d0, d1) -> (0, 0, 0)>
module attributes {stable_mosaic.version = 14 : i64} {
  func.func @_fused(%arg0: i32, %arg1: i32, %arg2: memref<16384x512xf32, #tpu.memory_space<hbm>>, %arg3: memref<16384xf32, #tpu.memory_space<hbm>>, %arg4: memref<10000x512xf32, #tpu.memory_space<hbm>>, %arg5: memref<2x16x10240xf32, #tpu.memory_space<hbm>>, %arg6: memref<2x10240xf32, #tpu.memory_space<hbm>>, %arg7: memref<32x16xf32, #tpu.memory_space<hbm>>, %arg8: memref<1024xf32, #tpu.memory_space<vmem>>, %arg9: memref<640xf32, #tpu.memory_space<vmem>>, %arg10: memref<512xf32, #tpu.memory_space<vmem>>, %arg11: memref<512xi32, #tpu.memory_space<vmem>>, %arg12: memref<10240xf32, #tpu.memory_space<vmem>>, %arg13: memref<512xf32, #tpu.memory_space<vmem>>, %arg14: memref<8x512xf32, #tpu.memory_space<vmem>>, %arg15: memref<8x512xf32, #tpu.memory_space<vmem>>, %arg16: memref<8x512xf32, #tpu.memory_space<vmem>>, %arg17: memref<8x512xf32, #tpu.memory_space<vmem>>, %arg18: memref<8x512xf32, #tpu.memory_space<vmem>>, %arg19: memref<8x512xf32, #tpu.memory_space<vmem>>, %arg20: memref<8x512xf32, #tpu.memory_space<vmem>>, %arg21: memref<8x512xf32, #tpu.memory_space<vmem>>, %arg22: memref<16xf32, #tpu.memory_space<vmem>>, %arg23: memref<!tpu.dma_semaphore, #tpu.memory_space<semaphore_mem>>, %arg24: memref<!tpu.dma_semaphore, #tpu.memory_space<semaphore_mem>>, %arg25: memref<!tpu.dma_semaphore, #tpu.memory_space<semaphore_mem>>, %arg26: memref<!tpu.dma_semaphore, #tpu.memory_space<semaphore_mem>>, %arg27: memref<!tpu.dma_semaphore, #tpu.memory_space<semaphore_mem>>, %arg28: memref<!tpu.dma_semaphore, #tpu.memory_space<semaphore_mem>>, %arg29: memref<!tpu.dma_semaphore, #tpu.memory_space<semaphore_mem>>, %arg30: memref<!tpu.dma_semaphore, #tpu.memory_space<semaphore_mem>>, %arg31: memref<!tpu.dma_semaphore, #tpu.memory_space<semaphore_mem>>) attributes {dimension_semantics = [#tpu.dimension_semantics<core_parallel>, #tpu.dimension_semantics<subcore_parallel>], iteration_bounds = array<i64: 2, 16>, scalar_prefetch = 0 : i64, scratch_operands = 24 : i64, tpu.core_type = #tpu.core_type<sc_vector_subcore>, window_params = [{transform_indices = #map}, {transform_indices = #map1}, {transform_indices = #map}, {transform_indices = #map2}, {transform_indices = #map}, {transform_indices = #map}]} {
    %mul3A = arith.constant 2 : i32
    %mul3A_0 = arith.muli %arg1, %mul3A : i32
    %add3A = arith.addi %mul3A_0, %arg0 : i32
    %mul3A_1 = arith.constant 512 : i32
    %mul3A_2 = arith.muli %add3A, %mul3A_1 : i32
    %mul3A_3 = arith.constant 640 : i32
    %mul3A_4 = arith.muli %arg1, %mul3A_3 : i32
    "tpu.region"() ({
      %run_scoped3A = tpu.sem_alloc : memref<!tpu.dma_semaphore, #tpu.memory_space<semaphore_mem>>
      %dma_start3A_370 = tpu.memref_slice %arg3[%mul3A_2] : memref<16384xf32, #tpu.memory_space<hbm>> -> memref<512xf32, #tpu.memory_space<hbm>>
      %dma_start3A_371 = tpu.memref_slice %arg3[%mul3A_2] : memref<16384xf32, #tpu.memory_space<hbm>> -> memref<512xf32, #tpu.memory_space<hbm>>
      tpu.enqueue_dma source(%dma_start3A_371 : memref<512xf32, #tpu.memory_space<hbm>>) target(%arg10 : memref<512xf32, #tpu.memory_space<vmem>>) target_semaphore(%run_scoped3A : memref<!tpu.dma_semaphore, #tpu.memory_space<semaphore_mem>>)
      %dma_wait3A_372 = tpu.memref_slice %arg3[%mul3A_2] : memref<16384xf32, #tpu.memory_space<hbm>> -> memref<512xf32, #tpu.memory_space<hbm>>
      %dma_wait3A_373 = tpu.memref_slice %arg3[%mul3A_2] : memref<16384xf32, #tpu.memory_space<hbm>> -> memref<512xf32, #tpu.memory_space<hbm>>
      tpu.wait_dma2 semaphore(%run_scoped3A : memref<!tpu.dma_semaphore, #tpu.memory_space<semaphore_mem>>) src(%dma_wait3A_373 : memref<512xf32, #tpu.memory_space<hbm>>) dst(%arg10 : memref<512xf32, #tpu.memory_space<vmem>>)
      tpu.yield
    }) : () -> ()
    %scan3A = arith.constant 0 : i32
    %scan3A_5 = arith.constant 0 : i32
    %scan3A_6 = arith.constant 32 : i32
    %scan3A_7 = arith.addi %scan3A_5, %scan3A_6 : i32
    %scan3A_8 = arith.constant 1 : i32
    scf.for %scan3A_370 = %scan3A_5 to %scan3A_7 step %scan3A_8  : i32 {
      %mul3A_371 = arith.constant 16 : i32
      %mul3A_372 = arith.muli %scan3A_370, %mul3A_371 : i32
      %get3A = arith.index_cast %mul3A_372 : i32 to index
      %get3A_373 = tpu.vector_load %arg10[%get3A] {strides = array<i32>} : memref<512xf32, #tpu.memory_space<vmem>>, vector<16xf32>,
      %convert_element_type3A = arith.fptosi %get3A_373 : vector<16xf32> to vector<16xi32>
      %swap3A_374 = arith.index_cast %mul3A_372 : i32 to index
      %swap3A_375 = tpu.vector_load %arg11[%swap3A_374] {strides = array<i32>} : memref<512xi32, #tpu.memory_space<vmem>>, vector<16xi32>,
      tpu.vector_store %arg11[%swap3A_374], %convert_element_type3A {strides = array<i32>} : memref<512xi32, #tpu.memory_space<vmem>>, vector<16xi32>,
    }
    %scan3A_9 = arith.constant 32 : i32
    %add3A_10 = arith.constant 0 : i32
    %add3A_11 = arith.addi %mul3A_2, %add3A_10 : i32
    %dma_start3A = arith.constant 0 : i32
    %dma_start3A_12 = tpu.memref_slice %arg2[%add3A_11, %dma_start3A] : memref<16384x512xf32, #tpu.memory_space<hbm>> -> memref<8x512xf32, #tpu.memory_space<hbm>>
    %dma_start3A_13 = arith.constant 0 : i32
    %dma_start3A_14 = tpu.memref_slice %arg2[%add3A_11, %dma_start3A_13] : memref<16384x512xf32, #tpu.memory_space<hbm>> -> memref<8x512xf32, #tpu.memory_space<hbm>>
    tpu.enqueue_dma source(%dma_start3A_14 : memref<8x512xf32, #tpu.memory_space<hbm>>) target(%arg14 : memref<8x512xf32, #tpu.memory_space<vmem>>) target_semaphore(%arg24 : memref<!tpu.dma_semaphore, #tpu.memory_space<semaphore_mem>>)
    %dma_start3A_15 = arith.constant 0 : i32
    %dma_start3A_16 = tpu.memref_slice %arg11[%dma_start3A_15] : memref<512xi32, #tpu.memory_space<vmem>> -> memref<8xi32, #tpu.memory_space<vmem>>
    %dma_start3A_17 = arith.constant 0 : i32
    %dma_start3A_18 = arith.constant 0 : i32
    %dma_start3A_19 = tpu.memref_slice %arg4[%dma_start3A_17, %dma_start3A_18] : memref<10000x512xf32, #tpu.memory_space<hbm>> -> memref<10000x512xf32, #tpu.memory_space<hbm>>
    tpu.enqueue_indirect_dma source(%dma_start3A_19 : memref<10000x512xf32, #tpu.memory_space<hbm>>) target(%arg18 : memref<8x512xf32, #tpu.memory_space<vmem>>) offsets(%dma_start3A_16 : memref<8xi32, #tpu.memory_space<vmem>>) semaphore(%arg28 : memref<!tpu.dma_semaphore, #tpu.memory_space<semaphore_mem>>)
    %add3A_20 = arith.constant 8 : i32
    %add3A_21 = arith.addi %mul3A_2, %add3A_20 : i32
    %dma_start3A_22 = arith.constant 0 : i32
    %dma_start3A_23 = tpu.memref_slice %arg2[%add3A_21, %dma_start3A_22] : memref<16384x512xf32, #tpu.memory_space<hbm>> -> memref<8x512xf32, #tpu.memory_space<hbm>>
    %dma_start3A_24 = arith.constant 0 : i32
    %dma_start3A_25 = tpu.memref_slice %arg2[%add3A_21, %dma_start3A_24] : memref<16384x512xf32, #tpu.memory_space<hbm>> -> memref<8x512xf32, #tpu.memory_space<hbm>>
    tpu.enqueue_dma source(%dma_start3A_25 : memref<8x512xf32, #tpu.memory_space<hbm>>) target(%arg15 : memref<8x512xf32, #tpu.memory_space<vmem>>) target_semaphore(%arg25 : memref<!tpu.dma_semaphore, #tpu.memory_space<semaphore_mem>>)
    %dma_start3A_26 = arith.constant 8 : i32
    %dma_start3A_27 = tpu.memref_slice %arg11[%dma_start3A_26] : memref<512xi32, #tpu.memory_space<vmem>> -> memref<8xi32, #tpu.memory_space<vmem>>
    %dma_start3A_28 = arith.constant 0 : i32
    %dma_start3A_29 = arith.constant 0 : i32
    %dma_start3A_30 = tpu.memref_slice %arg4[%dma_start3A_28, %dma_start3A_29] : memref<10000x512xf32, #tpu.memory_space<hbm>> -> memref<10000x512xf32, #tpu.memory_space<hbm>>
    tpu.enqueue_indirect_dma source(%dma_start3A_30 : memref<10000x512xf32, #tpu.memory_space<hbm>>) target(%arg19 : memref<8x512xf32, #tpu.memory_space<vmem>>) offsets(%dma_start3A_27 : memref<8xi32, #tpu.memory_space<vmem>>) semaphore(%arg29 : memref<!tpu.dma_semaphore, #tpu.memory_space<semaphore_mem>>)
    %add3A_31 = arith.constant 16 : i32
    %add3A_32 = arith.addi %mul3A_2, %add3A_31 : i32
    %dma_start3A_33 = arith.constant 0 : i32
    %dma_start3A_34 = tpu.memref_slice %arg2[%add3A_32, %dma_start3A_33] : memref<16384x512xf32, #tpu.memory_space<hbm>> -> memref<8x512xf32, #tpu.memory_space<hbm>>
    %dma_start3A_35 = arith.constant 0 : i32
    %dma_start3A_36 = tpu.memref_slice %arg2[%add3A_32, %dma_start3A_35] : memref<16384x512xf32, #tpu.memory_space<hbm>> -> memref<8x512xf32, #tpu.memory_space<hbm>>
    tpu.enqueue_dma source(%dma_start3A_36 : memref<8x512xf32, #tpu.memory_space<hbm>>) target(%arg16 : memref<8x512xf32, #tpu.memory_space<vmem>>) target_semaphore(%arg26 : memref<!tpu.dma_semaphore, #tpu.memory_space<semaphore_mem>>)
    %dma_start3A_37 = arith.constant 16 : i32
    %dma_start3A_38 = tpu.memref_slice %arg11[%dma_start3A_37] : memref<512xi32, #tpu.memory_space<vmem>> -> memref<8xi32, #tpu.memory_space<vmem>>
    %dma_start3A_39 = arith.constant 0 : i32
    %dma_start3A_40 = arith.constant 0 : i32
    %dma_start3A_41 = tpu.memref_slice %arg4[%dma_start3A_39, %dma_start3A_40] : memref<10000x512xf32, #tpu.memory_space<hbm>> -> memref<10000x512xf32, #tpu.memory_space<hbm>>
    tpu.enqueue_indirect_dma source(%dma_start3A_41 : memref<10000x512xf32, #tpu.memory_space<hbm>>) target(%arg20 : memref<8x512xf32, #tpu.memory_space<vmem>>) offsets(%dma_start3A_38 : memref<8xi32, #tpu.memory_space<vmem>>) semaphore(%arg30 : memref<!tpu.dma_semaphore, #tpu.memory_space<semaphore_mem>>)
    %mul3A_42 = arith.constant 1024 : i32
    %mul3A_43 = arith.muli %arg1, %mul3A_42 : i32
    %dma_start3A_44 = tpu.memref_slice %arg3[%mul3A_43] : memref<16384xf32, #tpu.memory_space<hbm>> -> memref<1024xf32, #tpu.memory_space<hbm>>
    %dma_start3A_45 = tpu.memref_slice %arg3[%mul3A_43] : memref<16384xf32, #tpu.memory_space<hbm>> -> memref<1024xf32, #tpu.memory_space<hbm>>
    tpu.enqueue_dma source(%dma_start3A_45 : memref<1024xf32, #tpu.memory_space<hbm>>) target(%arg8 : memref<1024xf32, #tpu.memory_space<vmem>>) target_semaphore(%arg23 : memref<!tpu.dma_semaphore, #tpu.memory_space<semaphore_mem>>)
    %scan3A_46 = arith.constant 0 : i32
    %scan3A_47 = arith.constant 0 : i32
    %scan3A_48 = arith.constant 640 : i32
    %scan3A_49 = arith.addi %scan3A_47, %scan3A_48 : i32
    %scan3A_50 = arith.constant 1 : i32
    scf.for %scan3A_370 = %scan3A_47 to %scan3A_49 step %scan3A_50  : i32 {
      %broadcast_in_dim3A_371 = arith.constant 0.000000e+00 : f32
      %broadcast_in_dim3A_372 = vector.broadcast %broadcast_in_dim3A_371 : f32 to vector<16xf32>
      %mul3A_373 = arith.constant 16 : i32
      %mul3A_374 = arith.muli %scan3A_370, %mul3A_373 : i32
      %swap3A_375 = arith.index_cast %mul3A_374 : i32 to index
      %swap3A_376 = tpu.vector_load %arg12[%swap3A_375] {strides = array<i32>} : memref<10240xf32, #tpu.memory_space<vmem>>, vector<16xf32>,
      tpu.vector_store %arg12[%swap3A_375], %broadcast_in_dim3A_372 {strides = array<i32>} : memref<10240xf32, #tpu.memory_space<vmem>>, vector<16xf32>,
    }
    %scan3A_51 = arith.constant 640 : i32
    %dma_wait3A = tpu.memref_slice %arg3[%mul3A_43] : memref<16384xf32, #tpu.memory_space<hbm>> -> memref<1024xf32, #tpu.memory_space<hbm>>
    %dma_wait3A_52 = tpu.memref_slice %arg3[%mul3A_43] : memref<16384xf32, #tpu.memory_space<hbm>> -> memref<1024xf32, #tpu.memory_space<hbm>>
    tpu.wait_dma2 semaphore(%arg23 : memref<!tpu.dma_semaphore, #tpu.memory_space<semaphore_mem>>) src(%dma_wait3A_52 : memref<1024xf32, #tpu.memory_space<hbm>>) dst(%arg8 : memref<1024xf32, #tpu.memory_space<vmem>>)
    %broadcast_in_dim3A = arith.constant 1.000000e+00 : f32
    %broadcast_in_dim3A_53 = vector.broadcast %broadcast_in_dim3A : f32 to vector<16xf32>
    %scan3A_54 = arith.constant 0 : i32
    %scan3A_55 = arith.constant 0 : i32
    %scan3A_56 = arith.constant 64 : i32
    %scan3A_57 = arith.addi %scan3A_55, %scan3A_56 : i32
    %scan3A_58 = arith.constant 4 : i32
    scf.for %scan3A_370 = %scan3A_55 to %scan3A_57 step %scan3A_58  : i32 {
      %mul3A_371 = arith.constant 16 : i32
      %mul3A_372 = arith.muli %scan3A_370, %mul3A_371 : i32
      %get3A = arith.index_cast %mul3A_372 : i32 to index
      %get3A_373 = tpu.vector_load %arg8[%get3A] {strides = array<i32>} : memref<1024xf32, #tpu.memory_space<vmem>>, vector<16xf32>,
      %convert_element_type3A = arith.fptosi %get3A_373 : vector<16xf32> to vector<16xi32>
      tpu.vector_store_idx %arg12[%convert_element_type3A], %broadcast_in_dim3A_53 {add = true} : memref<10240xf32, #tpu.memory_space<vmem>>[vector<16xi32>], vector<16xf32>,
      %scan3A_374 = arith.constant 1 : i32
      %scan3A_375 = arith.addi %scan3A_370, %scan3A_374 : i32
      %mul3A_376 = arith.constant 16 : i32
      %mul3A_377 = arith.muli %scan3A_375, %mul3A_376 : i32
      %get3A_378 = arith.index_cast %mul3A_377 : i32 to index
      %get3A_379 = tpu.vector_load %arg8[%get3A_378] {strides = array<i32>} : memref<1024xf32, #tpu.memory_space<vmem>>, vector<16xf32>,
      %convert_element_type3A_380 = arith.fptosi %get3A_379 : vector<16xf32> to vector<16xi32>
      tpu.vector_store_idx %arg12[%convert_element_type3A_380], %broadcast_in_dim3A_53 {add = true} : memref<10240xf32, #tpu.memory_space<vmem>>[vector<16xi32>], vector<16xf32>,
      %scan3A_381 = arith.constant 2 : i32
      %scan3A_382 = arith.addi %scan3A_370, %scan3A_381 : i32
      %mul3A_383 = arith.constant 16 : i32
      %mul3A_384 = arith.muli %scan3A_382, %mul3A_383 : i32
      %get3A_385 = arith.index_cast %mul3A_384 : i32 to index
      %get3A_386 = tpu.vector_load %arg8[%get3A_385] {strides = array<i32>} : memref<1024xf32, #tpu.memory_space<vmem>>, vector<16xf32>,
      %convert_element_type3A_387 = arith.fptosi %get3A_386 : vector<16xf32> to vector<16xi32>
      tpu.vector_store_idx %arg12[%convert_element_type3A_387], %broadcast_in_dim3A_53 {add = true} : memref<10240xf32, #tpu.memory_space<vmem>>[vector<16xi32>], vector<16xf32>,
      %scan3A_388 = arith.constant 3 : i32
      %scan3A_389 = arith.addi %scan3A_370, %scan3A_388 : i32
      %mul3A_390 = arith.constant 16 : i32
      %mul3A_391 = arith.muli %scan3A_389, %mul3A_390 : i32
      %get3A_392 = arith.index_cast %mul3A_391 : i32 to index
      %get3A_393 = tpu.vector_load %arg8[%get3A_392] {strides = array<i32>} : memref<1024xf32, #tpu.memory_space<vmem>>, vector<16xf32>,
      %convert_element_type3A_394 = arith.fptosi %get3A_393 : vector<16xf32> to vector<16xi32>
      tpu.vector_store_idx %arg12[%convert_element_type3A_394], %broadcast_in_dim3A_53 {add = true} : memref<10240xf32, #tpu.memory_space<vmem>>[vector<16xi32>], vector<16xf32>,
    }
    %scan3A_59 = arith.constant 64 : i32
    "tpu.region"() ({
      %run_scoped3A = tpu.sem_alloc : memref<!tpu.dma_semaphore, #tpu.memory_space<semaphore_mem>>
      %dma_start3A_370 = arith.constant 0 : i32
      %dma_start3A_371 = tpu.memref_slice %arg5[%arg0, %arg1, %dma_start3A_370] : memref<2x16x10240xf32, #tpu.memory_space<hbm>> -> memref<1x1x10240xf32, #tpu.memory_space<hbm>>
      %dma_start3A_372 = tpu.memref_squeeze %dma_start3A_371 : memref<1x1x10240xf32, #tpu.memory_space<hbm>> -> memref<10240xf32, #tpu.memory_space<hbm>>
      %dma_start3A_373 = arith.constant 0 : i32
      %dma_start3A_374 = tpu.memref_slice %arg5[%arg0, %arg1, %dma_start3A_373] : memref<2x16x10240xf32, #tpu.memory_space<hbm>> -> memref<1x1x10240xf32, #tpu.memory_space<hbm>>
      %dma_start3A_375 = tpu.memref_squeeze %dma_start3A_374 : memref<1x1x10240xf32, #tpu.memory_space<hbm>> -> memref<10240xf32, #tpu.memory_space<hbm>>
      tpu.enqueue_dma source(%arg12 : memref<10240xf32, #tpu.memory_space<vmem>>) target(%dma_start3A_375 : memref<10240xf32, #tpu.memory_space<hbm>>) target_semaphore(%run_scoped3A : memref<!tpu.dma_semaphore, #tpu.memory_space<semaphore_mem>>)
      %dma_wait3A_376 = arith.constant 0 : i32
      %dma_wait3A_377 = tpu.memref_slice %arg5[%arg0, %arg1, %dma_wait3A_376] : memref<2x16x10240xf32, #tpu.memory_space<hbm>> -> memref<1x1x10240xf32, #tpu.memory_space<hbm>>
      %dma_wait3A_378 = tpu.memref_squeeze %dma_wait3A_377 : memref<1x1x10240xf32, #tpu.memory_space<hbm>> -> memref<10240xf32, #tpu.memory_space<hbm>>
      %dma_wait3A_379 = arith.constant 0 : i32
      %dma_wait3A_380 = tpu.memref_slice %arg5[%arg0, %arg1, %dma_wait3A_379] : memref<2x16x10240xf32, #tpu.memory_space<hbm>> -> memref<1x1x10240xf32, #tpu.memory_space<hbm>>
      %dma_wait3A_381 = tpu.memref_squeeze %dma_wait3A_380 : memref<1x1x10240xf32, #tpu.memory_space<hbm>> -> memref<10240xf32, #tpu.memory_space<hbm>>
      tpu.wait_dma2 semaphore(%run_scoped3A : memref<!tpu.dma_semaphore, #tpu.memory_space<semaphore_mem>>) src(%arg12 : memref<10240xf32, #tpu.memory_space<vmem>>) dst(%dma_wait3A_381 : memref<10240xf32, #tpu.memory_space<hbm>>)
      tpu.yield
    }) : () -> ()
    %barrier3A = arith.constant 0 : index
    tpu.barrier barrier_id(%barrier3A)
    %dma_start3A_60 = arith.constant 0 : i32
    %dma_start3A_61 = arith.constant 0 : i32
    %dma_start3A_62 = tpu.memref_slice %arg12[%dma_start3A_61] : memref<10240xf32, #tpu.memory_space<vmem>> -> memref<640xf32, #tpu.memory_space<vmem>>
    %dma_start3A_63 = tpu.memref_slice %arg5[%arg0, %dma_start3A_60, %mul3A_4] : memref<2x16x10240xf32, #tpu.memory_space<hbm>> -> memref<1x1x640xf32, #tpu.memory_space<hbm>>
    %dma_start3A_64 = tpu.memref_squeeze %dma_start3A_63 : memref<1x1x640xf32, #tpu.memory_space<hbm>> -> memref<640xf32, #tpu.memory_space<hbm>>
    %dma_start3A_65 = arith.constant 0 : i32
    %dma_start3A_66 = tpu.memref_slice %arg12[%dma_start3A_65] : memref<10240xf32, #tpu.memory_space<vmem>> -> memref<640xf32, #tpu.memory_space<vmem>>
    %dma_start3A_67 = tpu.memref_slice %arg5[%arg0, %dma_start3A_60, %mul3A_4] : memref<2x16x10240xf32, #tpu.memory_space<hbm>> -> memref<1x1x640xf32, #tpu.memory_space<hbm>>
    %dma_start3A_68 = tpu.memref_squeeze %dma_start3A_67 : memref<1x1x640xf32, #tpu.memory_space<hbm>> -> memref<640xf32, #tpu.memory_space<hbm>>
    tpu.enqueue_dma source(%dma_start3A_68 : memref<640xf32, #tpu.memory_space<hbm>>) target(%dma_start3A_66 : memref<640xf32, #tpu.memory_space<vmem>>) target_semaphore(%arg23 : memref<!tpu.dma_semaphore, #tpu.memory_space<semaphore_mem>>)
    %dma_start3A_69 = arith.constant 1 : i32
    %dma_start3A_70 = arith.constant 640 : i32
    %dma_start3A_71 = tpu.memref_slice %arg12[%dma_start3A_70] : memref<10240xf32, #tpu.memory_space<vmem>> -> memref<640xf32, #tpu.memory_space<vmem>>
    %dma_start3A_72 = tpu.memref_slice %arg5[%arg0, %dma_start3A_69, %mul3A_4] : memref<2x16x10240xf32, #tpu.memory_space<hbm>> -> memref<1x1x640xf32, #tpu.memory_space<hbm>>
    %dma_start3A_73 = tpu.memref_squeeze %dma_start3A_72 : memref<1x1x640xf32, #tpu.memory_space<hbm>> -> memref<640xf32, #tpu.memory_space<hbm>>
    %dma_start3A_74 = arith.constant 640 : i32
    %dma_start3A_75 = tpu.memref_slice %arg12[%dma_start3A_74] : memref<10240xf32, #tpu.memory_space<vmem>> -> memref<640xf32, #tpu.memory_space<vmem>>
    %dma_start3A_76 = tpu.memref_slice %arg5[%arg0, %dma_start3A_69, %mul3A_4] : memref<2x16x10240xf32, #tpu.memory_space<hbm>> -> memref<1x1x640xf32, #tpu.memory_space<hbm>>
    %dma_start3A_77 = tpu.memref_squeeze %dma_start3A_76 : memref<1x1x640xf32, #tpu.memory_space<hbm>> -> memref<640xf32, #tpu.memory_space<hbm>>
    tpu.enqueue_dma source(%dma_start3A_77 : memref<640xf32, #tpu.memory_space<hbm>>) target(%dma_start3A_75 : memref<640xf32, #tpu.memory_space<vmem>>) target_semaphore(%arg23 : memref<!tpu.dma_semaphore, #tpu.memory_space<semaphore_mem>>)
    %dma_start3A_78 = arith.constant 2 : i32
    %dma_start3A_79 = arith.constant 1280 : i32
    %dma_start3A_80 = tpu.memref_slice %arg12[%dma_start3A_79] : memref<10240xf32, #tpu.memory_space<vmem>> -> memref<640xf32, #tpu.memory_space<vmem>>
    %dma_start3A_81 = tpu.memref_slice %arg5[%arg0, %dma_start3A_78, %mul3A_4] : memref<2x16x10240xf32, #tpu.memory_space<hbm>> -> memref<1x1x640xf32, #tpu.memory_space<hbm>>
    %dma_start3A_82 = tpu.memref_squeeze %dma_start3A_81 : memref<1x1x640xf32, #tpu.memory_space<hbm>> -> memref<640xf32, #tpu.memory_space<hbm>>
    %dma_start3A_83 = arith.constant 1280 : i32
    %dma_start3A_84 = tpu.memref_slice %arg12[%dma_start3A_83] : memref<10240xf32, #tpu.memory_space<vmem>> -> memref<640xf32, #tpu.memory_space<vmem>>
    %dma_start3A_85 = tpu.memref_slice %arg5[%arg0, %dma_start3A_78, %mul3A_4] : memref<2x16x10240xf32, #tpu.memory_space<hbm>> -> memref<1x1x640xf32, #tpu.memory_space<hbm>>
    %dma_start3A_86 = tpu.memref_squeeze %dma_start3A_85 : memref<1x1x640xf32, #tpu.memory_space<hbm>> -> memref<640xf32, #tpu.memory_space<hbm>>
    tpu.enqueue_dma source(%dma_start3A_86 : memref<640xf32, #tpu.memory_space<hbm>>) target(%dma_start3A_84 : memref<640xf32, #tpu.memory_space<vmem>>) target_semaphore(%arg23 : memref<!tpu.dma_semaphore, #tpu.memory_space<semaphore_mem>>)
    %dma_start3A_87 = arith.constant 3 : i32
    %dma_start3A_88 = arith.constant 1920 : i32
    %dma_start3A_89 = tpu.memref_slice %arg12[%dma_start3A_88] : memref<10240xf32, #tpu.memory_space<vmem>> -> memref<640xf32, #tpu.memory_space<vmem>>
    %dma_start3A_90 = tpu.memref_slice %arg5[%arg0, %dma_start3A_87, %mul3A_4] : memref<2x16x10240xf32, #tpu.memory_space<hbm>> -> memref<1x1x640xf32, #tpu.memory_space<hbm>>
    %dma_start3A_91 = tpu.memref_squeeze %dma_start3A_90 : memref<1x1x640xf32, #tpu.memory_space<hbm>> -> memref<640xf32, #tpu.memory_space<hbm>>
    %dma_start3A_92 = arith.constant 1920 : i32
    %dma_start3A_93 = tpu.memref_slice %arg12[%dma_start3A_92] : memref<10240xf32, #tpu.memory_space<vmem>> -> memref<640xf32, #tpu.memory_space<vmem>>
    %dma_start3A_94 = tpu.memref_slice %arg5[%arg0, %dma_start3A_87, %mul3A_4] : memref<2x16x10240xf32, #tpu.memory_space<hbm>> -> memref<1x1x640xf32, #tpu.memory_space<hbm>>
    %dma_start3A_95 = tpu.memref_squeeze %dma_start3A_94 : memref<1x1x640xf32, #tpu.memory_space<hbm>> -> memref<640xf32, #tpu.memory_space<hbm>>
    tpu.enqueue_dma source(%dma_start3A_95 : memref<640xf32, #tpu.memory_space<hbm>>) target(%dma_start3A_93 : memref<640xf32, #tpu.memory_space<vmem>>) target_semaphore(%arg23 : memref<!tpu.dma_semaphore, #tpu.memory_space<semaphore_mem>>)
    %dma_start3A_96 = arith.constant 4 : i32
    %dma_start3A_97 = arith.constant 2560 : i32
    %dma_start3A_98 = tpu.memref_slice %arg12[%dma_start3A_97] : memref<10240xf32, #tpu.memory_space<vmem>> -> memref<640xf32, #tpu.memory_space<vmem>>
    %dma_start3A_99 = tpu.memref_slice %arg5[%arg0, %dma_start3A_96, %mul3A_4] : memref<2x16x10240xf32, #tpu.memory_space<hbm>> -> memref<1x1x640xf32, #tpu.memory_space<hbm>>
    %dma_start3A_100 = tpu.memref_squeeze %dma_start3A_99 : memref<1x1x640xf32, #tpu.memory_space<hbm>> -> memref<640xf32, #tpu.memory_space<hbm>>
    %dma_start3A_101 = arith.constant 2560 : i32
    %dma_start3A_102 = tpu.memref_slice %arg12[%dma_start3A_101] : memref<10240xf32, #tpu.memory_space<vmem>> -> memref<640xf32, #tpu.memory_space<vmem>>
    %dma_start3A_103 = tpu.memref_slice %arg5[%arg0, %dma_start3A_96, %mul3A_4] : memref<2x16x10240xf32, #tpu.memory_space<hbm>> -> memref<1x1x640xf32, #tpu.memory_space<hbm>>
    %dma_start3A_104 = tpu.memref_squeeze %dma_start3A_103 : memref<1x1x640xf32, #tpu.memory_space<hbm>> -> memref<640xf32, #tpu.memory_space<hbm>>
    tpu.enqueue_dma source(%dma_start3A_104 : memref<640xf32, #tpu.memory_space<hbm>>) target(%dma_start3A_102 : memref<640xf32, #tpu.memory_space<vmem>>) target_semaphore(%arg23 : memref<!tpu.dma_semaphore, #tpu.memory_space<semaphore_mem>>)
    %dma_start3A_105 = arith.constant 5 : i32
    %dma_start3A_106 = arith.constant 3200 : i32
    %dma_start3A_107 = tpu.memref_slice %arg12[%dma_start3A_106] : memref<10240xf32, #tpu.memory_space<vmem>> -> memref<640xf32, #tpu.memory_space<vmem>>
    %dma_start3A_108 = tpu.memref_slice %arg5[%arg0, %dma_start3A_105, %mul3A_4] : memref<2x16x10240xf32, #tpu.memory_space<hbm>> -> memref<1x1x640xf32, #tpu.memory_space<hbm>>
    %dma_start3A_109 = tpu.memref_squeeze %dma_start3A_108 : memref<1x1x640xf32, #tpu.memory_space<hbm>> -> memref<640xf32, #tpu.memory_space<hbm>>
    %dma_start3A_110 = arith.constant 3200 : i32
    %dma_start3A_111 = tpu.memref_slice %arg12[%dma_start3A_110] : memref<10240xf32, #tpu.memory_space<vmem>> -> memref<640xf32, #tpu.memory_space<vmem>>
    %dma_start3A_112 = tpu.memref_slice %arg5[%arg0, %dma_start3A_105, %mul3A_4] : memref<2x16x10240xf32, #tpu.memory_space<hbm>> -> memref<1x1x640xf32, #tpu.memory_space<hbm>>
    %dma_start3A_113 = tpu.memref_squeeze %dma_start3A_112 : memref<1x1x640xf32, #tpu.memory_space<hbm>> -> memref<640xf32, #tpu.memory_space<hbm>>
    tpu.enqueue_dma source(%dma_start3A_113 : memref<640xf32, #tpu.memory_space<hbm>>) target(%dma_start3A_111 : memref<640xf32, #tpu.memory_space<vmem>>) target_semaphore(%arg23 : memref<!tpu.dma_semaphore, #tpu.memory_space<semaphore_mem>>)
    %dma_start3A_114 = arith.constant 6 : i32
    %dma_start3A_115 = arith.constant 3840 : i32
    %dma_start3A_116 = tpu.memref_slice %arg12[%dma_start3A_115] : memref<10240xf32, #tpu.memory_space<vmem>> -> memref<640xf32, #tpu.memory_space<vmem>>
    %dma_start3A_117 = tpu.memref_slice %arg5[%arg0, %dma_start3A_114, %mul3A_4] : memref<2x16x10240xf32, #tpu.memory_space<hbm>> -> memref<1x1x640xf32, #tpu.memory_space<hbm>>
    %dma_start3A_118 = tpu.memref_squeeze %dma_start3A_117 : memref<1x1x640xf32, #tpu.memory_space<hbm>> -> memref<640xf32, #tpu.memory_space<hbm>>
    %dma_start3A_119 = arith.constant 3840 : i32
    %dma_start3A_120 = tpu.memref_slice %arg12[%dma_start3A_119] : memref<10240xf32, #tpu.memory_space<vmem>> -> memref<640xf32, #tpu.memory_space<vmem>>
    %dma_start3A_121 = tpu.memref_slice %arg5[%arg0, %dma_start3A_114, %mul3A_4] : memref<2x16x10240xf32, #tpu.memory_space<hbm>> -> memref<1x1x640xf32, #tpu.memory_space<hbm>>
    %dma_start3A_122 = tpu.memref_squeeze %dma_start3A_121 : memref<1x1x640xf32, #tpu.memory_space<hbm>> -> memref<640xf32, #tpu.memory_space<hbm>>
    tpu.enqueue_dma source(%dma_start3A_122 : memref<640xf32, #tpu.memory_space<hbm>>) target(%dma_start3A_120 : memref<640xf32, #tpu.memory_space<vmem>>) target_semaphore(%arg23 : memref<!tpu.dma_semaphore, #tpu.memory_space<semaphore_mem>>)
    %dma_start3A_123 = arith.constant 7 : i32
    %dma_start3A_124 = arith.constant 4480 : i32
    %dma_start3A_125 = tpu.memref_slice %arg12[%dma_start3A_124] : memref<10240xf32, #tpu.memory_space<vmem>> -> memref<640xf32, #tpu.memory_space<vmem>>
    %dma_start3A_126 = tpu.memref_slice %arg5[%arg0, %dma_start3A_123, %mul3A_4] : memref<2x16x10240xf32, #tpu.memory_space<hbm>> -> memref<1x1x640xf32, #tpu.memory_space<hbm>>
    %dma_start3A_127 = tpu.memref_squeeze %dma_start3A_126 : memref<1x1x640xf32, #tpu.memory_space<hbm>> -> memref<640xf32, #tpu.memory_space<hbm>>
    %dma_start3A_128 = arith.constant 4480 : i32
    %dma_start3A_129 = tpu.memref_slice %arg12[%dma_start3A_128] : memref<10240xf32, #tpu.memory_space<vmem>> -> memref<640xf32, #tpu.memory_space<vmem>>
    %dma_start3A_130 = tpu.memref_slice %arg5[%arg0, %dma_start3A_123, %mul3A_4] : memref<2x16x10240xf32, #tpu.memory_space<hbm>> -> memref<1x1x640xf32, #tpu.memory_space<hbm>>
    %dma_start3A_131 = tpu.memref_squeeze %dma_start3A_130 : memref<1x1x640xf32, #tpu.memory_space<hbm>> -> memref<640xf32, #tpu.memory_space<hbm>>
    tpu.enqueue_dma source(%dma_start3A_131 : memref<640xf32, #tpu.memory_space<hbm>>) target(%dma_start3A_129 : memref<640xf32, #tpu.memory_space<vmem>>) target_semaphore(%arg23 : memref<!tpu.dma_semaphore, #tpu.memory_space<semaphore_mem>>)
    %dma_start3A_132 = arith.constant 8 : i32
    %dma_start3A_133 = arith.constant 5120 : i32
    %dma_start3A_134 = tpu.memref_slice %arg12[%dma_start3A_133] : memref<10240xf32, #tpu.memory_space<vmem>> -> memref<640xf32, #tpu.memory_space<vmem>>
    %dma_start3A_135 = tpu.memref_slice %arg5[%arg0, %dma_start3A_132, %mul3A_4] : memref<2x16x10240xf32, #tpu.memory_space<hbm>> -> memref<1x1x640xf32, #tpu.memory_space<hbm>>
    %dma_start3A_136 = tpu.memref_squeeze %dma_start3A_135 : memref<1x1x640xf32, #tpu.memory_space<hbm>> -> memref<640xf32, #tpu.memory_space<hbm>>
    %dma_start3A_137 = arith.constant 5120 : i32
    %dma_start3A_138 = tpu.memref_slice %arg12[%dma_start3A_137] : memref<10240xf32, #tpu.memory_space<vmem>> -> memref<640xf32, #tpu.memory_space<vmem>>
    %dma_start3A_139 = tpu.memref_slice %arg5[%arg0, %dma_start3A_132, %mul3A_4] : memref<2x16x10240xf32, #tpu.memory_space<hbm>> -> memref<1x1x640xf32, #tpu.memory_space<hbm>>
    %dma_start3A_140 = tpu.memref_squeeze %dma_start3A_139 : memref<1x1x640xf32, #tpu.memory_space<hbm>> -> memref<640xf32, #tpu.memory_space<hbm>>
    tpu.enqueue_dma source(%dma_start3A_140 : memref<640xf32, #tpu.memory_space<hbm>>) target(%dma_start3A_138 : memref<640xf32, #tpu.memory_space<vmem>>) target_semaphore(%arg23 : memref<!tpu.dma_semaphore, #tpu.memory_space<semaphore_mem>>)
    %dma_start3A_141 = arith.constant 9 : i32
    %dma_start3A_142 = arith.constant 5760 : i32
    %dma_start3A_143 = tpu.memref_slice %arg12[%dma_start3A_142] : memref<10240xf32, #tpu.memory_space<vmem>> -> memref<640xf32, #tpu.memory_space<vmem>>
    %dma_start3A_144 = tpu.memref_slice %arg5[%arg0, %dma_start3A_141, %mul3A_4] : memref<2x16x10240xf32, #tpu.memory_space<hbm>> -> memref<1x1x640xf32, #tpu.memory_space<hbm>>
    %dma_start3A_145 = tpu.memref_squeeze %dma_start3A_144 : memref<1x1x640xf32, #tpu.memory_space<hbm>> -> memref<640xf32, #tpu.memory_space<hbm>>
    %dma_start3A_146 = arith.constant 5760 : i32
    %dma_start3A_147 = tpu.memref_slice %arg12[%dma_start3A_146] : memref<10240xf32, #tpu.memory_space<vmem>> -> memref<640xf32, #tpu.memory_space<vmem>>
    %dma_start3A_148 = tpu.memref_slice %arg5[%arg0, %dma_start3A_141, %mul3A_4] : memref<2x16x10240xf32, #tpu.memory_space<hbm>> -> memref<1x1x640xf32, #tpu.memory_space<hbm>>
    %dma_start3A_149 = tpu.memref_squeeze %dma_start3A_148 : memref<1x1x640xf32, #tpu.memory_space<hbm>> -> memref<640xf32, #tpu.memory_space<hbm>>
    tpu.enqueue_dma source(%dma_start3A_149 : memref<640xf32, #tpu.memory_space<hbm>>) target(%dma_start3A_147 : memref<640xf32, #tpu.memory_space<vmem>>) target_semaphore(%arg23 : memref<!tpu.dma_semaphore, #tpu.memory_space<semaphore_mem>>)
    %dma_start3A_150 = arith.constant 10 : i32
    %dma_start3A_151 = arith.constant 6400 : i32
    %dma_start3A_152 = tpu.memref_slice %arg12[%dma_start3A_151] : memref<10240xf32, #tpu.memory_space<vmem>> -> memref<640xf32, #tpu.memory_space<vmem>>
    %dma_start3A_153 = tpu.memref_slice %arg5[%arg0, %dma_start3A_150, %mul3A_4] : memref<2x16x10240xf32, #tpu.memory_space<hbm>> -> memref<1x1x640xf32, #tpu.memory_space<hbm>>
    %dma_start3A_154 = tpu.memref_squeeze %dma_start3A_153 : memref<1x1x640xf32, #tpu.memory_space<hbm>> -> memref<640xf32, #tpu.memory_space<hbm>>
    %dma_start3A_155 = arith.constant 6400 : i32
    %dma_start3A_156 = tpu.memref_slice %arg12[%dma_start3A_155] : memref<10240xf32, #tpu.memory_space<vmem>> -> memref<640xf32, #tpu.memory_space<vmem>>
    %dma_start3A_157 = tpu.memref_slice %arg5[%arg0, %dma_start3A_150, %mul3A_4] : memref<2x16x10240xf32, #tpu.memory_space<hbm>> -> memref<1x1x640xf32, #tpu.memory_space<hbm>>
    %dma_start3A_158 = tpu.memref_squeeze %dma_start3A_157 : memref<1x1x640xf32, #tpu.memory_space<hbm>> -> memref<640xf32, #tpu.memory_space<hbm>>
    tpu.enqueue_dma source(%dma_start3A_158 : memref<640xf32, #tpu.memory_space<hbm>>) target(%dma_start3A_156 : memref<640xf32, #tpu.memory_space<vmem>>) target_semaphore(%arg23 : memref<!tpu.dma_semaphore, #tpu.memory_space<semaphore_mem>>)
    %dma_start3A_159 = arith.constant 11 : i32
    %dma_start3A_160 = arith.constant 7040 : i32
    %dma_start3A_161 = tpu.memref_slice %arg12[%dma_start3A_160] : memref<10240xf32, #tpu.memory_space<vmem>> -> memref<640xf32, #tpu.memory_space<vmem>>
    %dma_start3A_162 = tpu.memref_slice %arg5[%arg0, %dma_start3A_159, %mul3A_4] : memref<2x16x10240xf32, #tpu.memory_space<hbm>> -> memref<1x1x640xf32, #tpu.memory_space<hbm>>
    %dma_start3A_163 = tpu.memref_squeeze %dma_start3A_162 : memref<1x1x640xf32, #tpu.memory_space<hbm>> -> memref<640xf32, #tpu.memory_space<hbm>>
    %dma_start3A_164 = arith.constant 7040 : i32
    %dma_start3A_165 = tpu.memref_slice %arg12[%dma_start3A_164] : memref<10240xf32, #tpu.memory_space<vmem>> -> memref<640xf32, #tpu.memory_space<vmem>>
    %dma_start3A_166 = tpu.memref_slice %arg5[%arg0, %dma_start3A_159, %mul3A_4] : memref<2x16x10240xf32, #tpu.memory_space<hbm>> -> memref<1x1x640xf32, #tpu.memory_space<hbm>>
    %dma_start3A_167 = tpu.memref_squeeze %dma_start3A_166 : memref<1x1x640xf32, #tpu.memory_space<hbm>> -> memref<640xf32, #tpu.memory_space<hbm>>
    tpu.enqueue_dma source(%dma_start3A_167 : memref<640xf32, #tpu.memory_space<hbm>>) target(%dma_start3A_165 : memref<640xf32, #tpu.memory_space<vmem>>) target_semaphore(%arg23 : memref<!tpu.dma_semaphore, #tpu.memory_space<semaphore_mem>>)
    %dma_start3A_168 = arith.constant 12 : i32
    %dma_start3A_169 = arith.constant 7680 : i32
    %dma_start3A_170 = tpu.memref_slice %arg12[%dma_start3A_169] : memref<10240xf32, #tpu.memory_space<vmem>> -> memref<640xf32, #tpu.memory_space<vmem>>
    %dma_start3A_171 = tpu.memref_slice %arg5[%arg0, %dma_start3A_168, %mul3A_4] : memref<2x16x10240xf32, #tpu.memory_space<hbm>> -> memref<1x1x640xf32, #tpu.memory_space<hbm>>
    %dma_start3A_172 = tpu.memref_squeeze %dma_start3A_171 : memref<1x1x640xf32, #tpu.memory_space<hbm>> -> memref<640xf32, #tpu.memory_space<hbm>>
    %dma_start3A_173 = arith.constant 7680 : i32
    %dma_start3A_174 = tpu.memref_slice %arg12[%dma_start3A_173] : memref<10240xf32, #tpu.memory_space<vmem>> -> memref<640xf32, #tpu.memory_space<vmem>>
    %dma_start3A_175 = tpu.memref_slice %arg5[%arg0, %dma_start3A_168, %mul3A_4] : memref<2x16x10240xf32, #tpu.memory_space<hbm>> -> memref<1x1x640xf32, #tpu.memory_space<hbm>>
    %dma_start3A_176 = tpu.memref_squeeze %dma_start3A_175 : memref<1x1x640xf32, #tpu.memory_space<hbm>> -> memref<640xf32, #tpu.memory_space<hbm>>
    tpu.enqueue_dma source(%dma_start3A_176 : memref<640xf32, #tpu.memory_space<hbm>>) target(%dma_start3A_174 : memref<640xf32, #tpu.memory_space<vmem>>) target_semaphore(%arg23 : memref<!tpu.dma_semaphore, #tpu.memory_space<semaphore_mem>>)
    %dma_start3A_177 = arith.constant 13 : i32
    %dma_start3A_178 = arith.constant 8320 : i32
    %dma_start3A_179 = tpu.memref_slice %arg12[%dma_start3A_178] : memref<10240xf32, #tpu.memory_space<vmem>> -> memref<640xf32, #tpu.memory_space<vmem>>
    %dma_start3A_180 = tpu.memref_slice %arg5[%arg0, %dma_start3A_177, %mul3A_4] : memref<2x16x10240xf32, #tpu.memory_space<hbm>> -> memref<1x1x640xf32, #tpu.memory_space<hbm>>
    %dma_start3A_181 = tpu.memref_squeeze %dma_start3A_180 : memref<1x1x640xf32, #tpu.memory_space<hbm>> -> memref<640xf32, #tpu.memory_space<hbm>>
    %dma_start3A_182 = arith.constant 8320 : i32
    %dma_start3A_183 = tpu.memref_slice %arg12[%dma_start3A_182] : memref<10240xf32, #tpu.memory_space<vmem>> -> memref<640xf32, #tpu.memory_space<vmem>>
    %dma_start3A_184 = tpu.memref_slice %arg5[%arg0, %dma_start3A_177, %mul3A_4] : memref<2x16x10240xf32, #tpu.memory_space<hbm>> -> memref<1x1x640xf32, #tpu.memory_space<hbm>>
    %dma_start3A_185 = tpu.memref_squeeze %dma_start3A_184 : memref<1x1x640xf32, #tpu.memory_space<hbm>> -> memref<640xf32, #tpu.memory_space<hbm>>
    tpu.enqueue_dma source(%dma_start3A_185 : memref<640xf32, #tpu.memory_space<hbm>>) target(%dma_start3A_183 : memref<640xf32, #tpu.memory_space<vmem>>) target_semaphore(%arg23 : memref<!tpu.dma_semaphore, #tpu.memory_space<semaphore_mem>>)
    %dma_start3A_186 = arith.constant 14 : i32
    %dma_start3A_187 = arith.constant 8960 : i32
    %dma_start3A_188 = tpu.memref_slice %arg12[%dma_start3A_187] : memref<10240xf32, #tpu.memory_space<vmem>> -> memref<640xf32, #tpu.memory_space<vmem>>
    %dma_start3A_189 = tpu.memref_slice %arg5[%arg0, %dma_start3A_186, %mul3A_4] : memref<2x16x10240xf32, #tpu.memory_space<hbm>> -> memref<1x1x640xf32, #tpu.memory_space<hbm>>
    %dma_start3A_190 = tpu.memref_squeeze %dma_start3A_189 : memref<1x1x640xf32, #tpu.memory_space<hbm>> -> memref<640xf32, #tpu.memory_space<hbm>>
    %dma_start3A_191 = arith.constant 8960 : i32
    %dma_start3A_192 = tpu.memref_slice %arg12[%dma_start3A_191] : memref<10240xf32, #tpu.memory_space<vmem>> -> memref<640xf32, #tpu.memory_space<vmem>>
    %dma_start3A_193 = tpu.memref_slice %arg5[%arg0, %dma_start3A_186, %mul3A_4] : memref<2x16x10240xf32, #tpu.memory_space<hbm>> -> memref<1x1x640xf32, #tpu.memory_space<hbm>>
    %dma_start3A_194 = tpu.memref_squeeze %dma_start3A_193 : memref<1x1x640xf32, #tpu.memory_space<hbm>> -> memref<640xf32, #tpu.memory_space<hbm>>
    tpu.enqueue_dma source(%dma_start3A_194 : memref<640xf32, #tpu.memory_space<hbm>>) target(%dma_start3A_192 : memref<640xf32, #tpu.memory_space<vmem>>) target_semaphore(%arg23 : memref<!tpu.dma_semaphore, #tpu.memory_space<semaphore_mem>>)
    %dma_start3A_195 = arith.constant 15 : i32
    %dma_start3A_196 = arith.constant 9600 : i32
    %dma_start3A_197 = tpu.memref_slice %arg12[%dma_start3A_196] : memref<10240xf32, #tpu.memory_space<vmem>> -> memref<640xf32, #tpu.memory_space<vmem>>
    %dma_start3A_198 = tpu.memref_slice %arg5[%arg0, %dma_start3A_195, %mul3A_4] : memref<2x16x10240xf32, #tpu.memory_space<hbm>> -> memref<1x1x640xf32, #tpu.memory_space<hbm>>
    %dma_start3A_199 = tpu.memref_squeeze %dma_start3A_198 : memref<1x1x640xf32, #tpu.memory_space<hbm>> -> memref<640xf32, #tpu.memory_space<hbm>>
    %dma_start3A_200 = arith.constant 9600 : i32
    %dma_start3A_201 = tpu.memref_slice %arg12[%dma_start3A_200] : memref<10240xf32, #tpu.memory_space<vmem>> -> memref<640xf32, #tpu.memory_space<vmem>>
    %dma_start3A_202 = tpu.memref_slice %arg5[%arg0, %dma_start3A_195, %mul3A_4] : memref<2x16x10240xf32, #tpu.memory_space<hbm>> -> memref<1x1x640xf32, #tpu.memory_space<hbm>>
    %dma_start3A_203 = tpu.memref_squeeze %dma_start3A_202 : memref<1x1x640xf32, #tpu.memory_space<hbm>> -> memref<640xf32, #tpu.memory_space<hbm>>
    tpu.enqueue_dma source(%dma_start3A_203 : memref<640xf32, #tpu.memory_space<hbm>>) target(%dma_start3A_201 : memref<640xf32, #tpu.memory_space<vmem>>) target_semaphore(%arg23 : memref<!tpu.dma_semaphore, #tpu.memory_space<semaphore_mem>>)
    %dma_wait3A_204 = arith.constant 0 : i32
    %dma_wait3A_205 = arith.constant 0 : i32
    %dma_wait3A_206 = tpu.memref_slice %arg12[%dma_wait3A_205] : memref<10240xf32, #tpu.memory_space<vmem>> -> memref<640xf32, #tpu.memory_space<vmem>>
    %dma_wait3A_207 = tpu.memref_slice %arg5[%arg0, %dma_wait3A_204, %mul3A_4] : memref<2x16x10240xf32, #tpu.memory_space<hbm>> -> memref<1x1x640xf32, #tpu.memory_space<hbm>>
    %dma_wait3A_208 = tpu.memref_squeeze %dma_wait3A_207 : memref<1x1x640xf32, #tpu.memory_space<hbm>> -> memref<640xf32, #tpu.memory_space<hbm>>
    %dma_wait3A_209 = arith.constant 0 : i32
    %dma_wait3A_210 = tpu.memref_slice %arg12[%dma_wait3A_209] : memref<10240xf32, #tpu.memory_space<vmem>> -> memref<640xf32, #tpu.memory_space<vmem>>
    %dma_wait3A_211 = tpu.memref_slice %arg5[%arg0, %dma_wait3A_204, %mul3A_4] : memref<2x16x10240xf32, #tpu.memory_space<hbm>> -> memref<1x1x640xf32, #tpu.memory_space<hbm>>
    %dma_wait3A_212 = tpu.memref_squeeze %dma_wait3A_211 : memref<1x1x640xf32, #tpu.memory_space<hbm>> -> memref<640xf32, #tpu.memory_space<hbm>>
    tpu.wait_dma2 semaphore(%arg23 : memref<!tpu.dma_semaphore, #tpu.memory_space<semaphore_mem>>) src(%dma_wait3A_212 : memref<640xf32, #tpu.memory_space<hbm>>) dst(%dma_wait3A_210 : memref<640xf32, #tpu.memory_space<vmem>>)
    %dma_wait3A_213 = arith.constant 1 : i32
    %dma_wait3A_214 = arith.constant 640 : i32
    %dma_wait3A_215 = tpu.memref_slice %arg12[%dma_wait3A_214] : memref<10240xf32, #tpu.memory_space<vmem>> -> memref<640xf32, #tpu.memory_space<vmem>>
    %dma_wait3A_216 = tpu.memref_slice %arg5[%arg0, %dma_wait3A_213, %mul3A_4] : memref<2x16x10240xf32, #tpu.memory_space<hbm>> -> memref<1x1x640xf32, #tpu.memory_space<hbm>>
    %dma_wait3A_217 = tpu.memref_squeeze %dma_wait3A_216 : memref<1x1x640xf32, #tpu.memory_space<hbm>> -> memref<640xf32, #tpu.memory_space<hbm>>
    %dma_wait3A_218 = arith.constant 640 : i32
    %dma_wait3A_219 = tpu.memref_slice %arg12[%dma_wait3A_218] : memref<10240xf32, #tpu.memory_space<vmem>> -> memref<640xf32, #tpu.memory_space<vmem>>
    %dma_wait3A_220 = tpu.memref_slice %arg5[%arg0, %dma_wait3A_213, %mul3A_4] : memref<2x16x10240xf32, #tpu.memory_space<hbm>> -> memref<1x1x640xf32, #tpu.memory_space<hbm>>
    %dma_wait3A_221 = tpu.memref_squeeze %dma_wait3A_220 : memref<1x1x640xf32, #tpu.memory_space<hbm>> -> memref<640xf32, #tpu.memory_space<hbm>>
    tpu.wait_dma2 semaphore(%arg23 : memref<!tpu.dma_semaphore, #tpu.memory_space<semaphore_mem>>) src(%dma_wait3A_221 : memref<640xf32, #tpu.memory_space<hbm>>) dst(%dma_wait3A_219 : memref<640xf32, #tpu.memory_space<vmem>>)
    %dma_wait3A_222 = arith.constant 2 : i32
    %dma_wait3A_223 = arith.constant 1280 : i32
    %dma_wait3A_224 = tpu.memref_slice %arg12[%dma_wait3A_223] : memref<10240xf32, #tpu.memory_space<vmem>> -> memref<640xf32, #tpu.memory_space<vmem>>
    %dma_wait3A_225 = tpu.memref_slice %arg5[%arg0, %dma_wait3A_222, %mul3A_4] : memref<2x16x10240xf32, #tpu.memory_space<hbm>> -> memref<1x1x640xf32, #tpu.memory_space<hbm>>
    %dma_wait3A_226 = tpu.memref_squeeze %dma_wait3A_225 : memref<1x1x640xf32, #tpu.memory_space<hbm>> -> memref<640xf32, #tpu.memory_space<hbm>>
    %dma_wait3A_227 = arith.constant 1280 : i32
    %dma_wait3A_228 = tpu.memref_slice %arg12[%dma_wait3A_227] : memref<10240xf32, #tpu.memory_space<vmem>> -> memref<640xf32, #tpu.memory_space<vmem>>
    %dma_wait3A_229 = tpu.memref_slice %arg5[%arg0, %dma_wait3A_222, %mul3A_4] : memref<2x16x10240xf32, #tpu.memory_space<hbm>> -> memref<1x1x640xf32, #tpu.memory_space<hbm>>
    %dma_wait3A_230 = tpu.memref_squeeze %dma_wait3A_229 : memref<1x1x640xf32, #tpu.memory_space<hbm>> -> memref<640xf32, #tpu.memory_space<hbm>>
    tpu.wait_dma2 semaphore(%arg23 : memref<!tpu.dma_semaphore, #tpu.memory_space<semaphore_mem>>) src(%dma_wait3A_230 : memref<640xf32, #tpu.memory_space<hbm>>) dst(%dma_wait3A_228 : memref<640xf32, #tpu.memory_space<vmem>>)
    %dma_wait3A_231 = arith.constant 3 : i32
    %dma_wait3A_232 = arith.constant 1920 : i32
    %dma_wait3A_233 = tpu.memref_slice %arg12[%dma_wait3A_232] : memref<10240xf32, #tpu.memory_space<vmem>> -> memref<640xf32, #tpu.memory_space<vmem>>
    %dma_wait3A_234 = tpu.memref_slice %arg5[%arg0, %dma_wait3A_231, %mul3A_4] : memref<2x16x10240xf32, #tpu.memory_space<hbm>> -> memref<1x1x640xf32, #tpu.memory_space<hbm>>
    %dma_wait3A_235 = tpu.memref_squeeze %dma_wait3A_234 : memref<1x1x640xf32, #tpu.memory_space<hbm>> -> memref<640xf32, #tpu.memory_space<hbm>>
    %dma_wait3A_236 = arith.constant 1920 : i32
    %dma_wait3A_237 = tpu.memref_slice %arg12[%dma_wait3A_236] : memref<10240xf32, #tpu.memory_space<vmem>> -> memref<640xf32, #tpu.memory_space<vmem>>
    %dma_wait3A_238 = tpu.memref_slice %arg5[%arg0, %dma_wait3A_231, %mul3A_4] : memref<2x16x10240xf32, #tpu.memory_space<hbm>> -> memref<1x1x640xf32, #tpu.memory_space<hbm>>
    %dma_wait3A_239 = tpu.memref_squeeze %dma_wait3A_238 : memref<1x1x640xf32, #tpu.memory_space<hbm>> -> memref<640xf32, #tpu.memory_space<hbm>>
    tpu.wait_dma2 semaphore(%arg23 : memref<!tpu.dma_semaphore, #tpu.memory_space<semaphore_mem>>) src(%dma_wait3A_239 : memref<640xf32, #tpu.memory_space<hbm>>) dst(%dma_wait3A_237 : memref<640xf32, #tpu.memory_space<vmem>>)
    %dma_wait3A_240 = arith.constant 4 : i32
    %dma_wait3A_241 = arith.constant 2560 : i32
    %dma_wait3A_242 = tpu.memref_slice %arg12[%dma_wait3A_241] : memref<10240xf32, #tpu.memory_space<vmem>> -> memref<640xf32, #tpu.memory_space<vmem>>
    %dma_wait3A_243 = tpu.memref_slice %arg5[%arg0, %dma_wait3A_240, %mul3A_4] : memref<2x16x10240xf32, #tpu.memory_space<hbm>> -> memref<1x1x640xf32, #tpu.memory_space<hbm>>
    %dma_wait3A_244 = tpu.memref_squeeze %dma_wait3A_243 : memref<1x1x640xf32, #tpu.memory_space<hbm>> -> memref<640xf32, #tpu.memory_space<hbm>>
    %dma_wait3A_245 = arith.constant 2560 : i32
    %dma_wait3A_246 = tpu.memref_slice %arg12[%dma_wait3A_245] : memref<10240xf32, #tpu.memory_space<vmem>> -> memref<640xf32, #tpu.memory_space<vmem>>
    %dma_wait3A_247 = tpu.memref_slice %arg5[%arg0, %dma_wait3A_240, %mul3A_4] : memref<2x16x10240xf32, #tpu.memory_space<hbm>> -> memref<1x1x640xf32, #tpu.memory_space<hbm>>
    %dma_wait3A_248 = tpu.memref_squeeze %dma_wait3A_247 : memref<1x1x640xf32, #tpu.memory_space<hbm>> -> memref<640xf32, #tpu.memory_space<hbm>>
    tpu.wait_dma2 semaphore(%arg23 : memref<!tpu.dma_semaphore, #tpu.memory_space<semaphore_mem>>) src(%dma_wait3A_248 : memref<640xf32, #tpu.memory_space<hbm>>) dst(%dma_wait3A_246 : memref<640xf32, #tpu.memory_space<vmem>>)
    %dma_wait3A_249 = arith.constant 5 : i32
    %dma_wait3A_250 = arith.constant 3200 : i32
    %dma_wait3A_251 = tpu.memref_slice %arg12[%dma_wait3A_250] : memref<10240xf32, #tpu.memory_space<vmem>> -> memref<640xf32, #tpu.memory_space<vmem>>
    %dma_wait3A_252 = tpu.memref_slice %arg5[%arg0, %dma_wait3A_249, %mul3A_4] : memref<2x16x10240xf32, #tpu.memory_space<hbm>> -> memref<1x1x640xf32, #tpu.memory_space<hbm>>
    %dma_wait3A_253 = tpu.memref_squeeze %dma_wait3A_252 : memref<1x1x640xf32, #tpu.memory_space<hbm>> -> memref<640xf32, #tpu.memory_space<hbm>>
    %dma_wait3A_254 = arith.constant 3200 : i32
    %dma_wait3A_255 = tpu.memref_slice %arg12[%dma_wait3A_254] : memref<10240xf32, #tpu.memory_space<vmem>> -> memref<640xf32, #tpu.memory_space<vmem>>
    %dma_wait3A_256 = tpu.memref_slice %arg5[%arg0, %dma_wait3A_249, %mul3A_4] : memref<2x16x10240xf32, #tpu.memory_space<hbm>> -> memref<1x1x640xf32, #tpu.memory_space<hbm>>
    %dma_wait3A_257 = tpu.memref_squeeze %dma_wait3A_256 : memref<1x1x640xf32, #tpu.memory_space<hbm>> -> memref<640xf32, #tpu.memory_space<hbm>>
    tpu.wait_dma2 semaphore(%arg23 : memref<!tpu.dma_semaphore, #tpu.memory_space<semaphore_mem>>) src(%dma_wait3A_257 : memref<640xf32, #tpu.memory_space<hbm>>) dst(%dma_wait3A_255 : memref<640xf32, #tpu.memory_space<vmem>>)
    %dma_wait3A_258 = arith.constant 6 : i32
    %dma_wait3A_259 = arith.constant 3840 : i32
    %dma_wait3A_260 = tpu.memref_slice %arg12[%dma_wait3A_259] : memref<10240xf32, #tpu.memory_space<vmem>> -> memref<640xf32, #tpu.memory_space<vmem>>
    %dma_wait3A_261 = tpu.memref_slice %arg5[%arg0, %dma_wait3A_258, %mul3A_4] : memref<2x16x10240xf32, #tpu.memory_space<hbm>> -> memref<1x1x640xf32, #tpu.memory_space<hbm>>
    %dma_wait3A_262 = tpu.memref_squeeze %dma_wait3A_261 : memref<1x1x640xf32, #tpu.memory_space<hbm>> -> memref<640xf32, #tpu.memory_space<hbm>>
    %dma_wait3A_263 = arith.constant 3840 : i32
    %dma_wait3A_264 = tpu.memref_slice %arg12[%dma_wait3A_263] : memref<10240xf32, #tpu.memory_space<vmem>> -> memref<640xf32, #tpu.memory_space<vmem>>
    %dma_wait3A_265 = tpu.memref_slice %arg5[%arg0, %dma_wait3A_258, %mul3A_4] : memref<2x16x10240xf32, #tpu.memory_space<hbm>> -> memref<1x1x640xf32, #tpu.memory_space<hbm>>
    %dma_wait3A_266 = tpu.memref_squeeze %dma_wait3A_265 : memref<1x1x640xf32, #tpu.memory_space<hbm>> -> memref<640xf32, #tpu.memory_space<hbm>>
    tpu.wait_dma2 semaphore(%arg23 : memref<!tpu.dma_semaphore, #tpu.memory_space<semaphore_mem>>) src(%dma_wait3A_266 : memref<640xf32, #tpu.memory_space<hbm>>) dst(%dma_wait3A_264 : memref<640xf32, #tpu.memory_space<vmem>>)
    %dma_wait3A_267 = arith.constant 7 : i32
    %dma_wait3A_268 = arith.constant 4480 : i32
    %dma_wait3A_269 = tpu.memref_slice %arg12[%dma_wait3A_268] : memref<10240xf32, #tpu.memory_space<vmem>> -> memref<640xf32, #tpu.memory_space<vmem>>
    %dma_wait3A_270 = tpu.memref_slice %arg5[%arg0, %dma_wait3A_267, %mul3A_4] : memref<2x16x10240xf32, #tpu.memory_space<hbm>> -> memref<1x1x640xf32, #tpu.memory_space<hbm>>
    %dma_wait3A_271 = tpu.memref_squeeze %dma_wait3A_270 : memref<1x1x640xf32, #tpu.memory_space<hbm>> -> memref<640xf32, #tpu.memory_space<hbm>>
    %dma_wait3A_272 = arith.constant 4480 : i32
    %dma_wait3A_273 = tpu.memref_slice %arg12[%dma_wait3A_272] : memref<10240xf32, #tpu.memory_space<vmem>> -> memref<640xf32, #tpu.memory_space<vmem>>
    %dma_wait3A_274 = tpu.memref_slice %arg5[%arg0, %dma_wait3A_267, %mul3A_4] : memref<2x16x10240xf32, #tpu.memory_space<hbm>> -> memref<1x1x640xf32, #tpu.memory_space<hbm>>
    %dma_wait3A_275 = tpu.memref_squeeze %dma_wait3A_274 : memref<1x1x640xf32, #tpu.memory_space<hbm>> -> memref<640xf32, #tpu.memory_space<hbm>>
    tpu.wait_dma2 semaphore(%arg23 : memref<!tpu.dma_semaphore, #tpu.memory_space<semaphore_mem>>) src(%dma_wait3A_275 : memref<640xf32, #tpu.memory_space<hbm>>) dst(%dma_wait3A_273 : memref<640xf32, #tpu.memory_space<vmem>>)
    %dma_wait3A_276 = arith.constant 8 : i32
    %dma_wait3A_277 = arith.constant 5120 : i32
    %dma_wait3A_278 = tpu.memref_slice %arg12[%dma_wait3A_277] : memref<10240xf32, #tpu.memory_space<vmem>> -> memref<640xf32, #tpu.memory_space<vmem>>
    %dma_wait3A_279 = tpu.memref_slice %arg5[%arg0, %dma_wait3A_276, %mul3A_4] : memref<2x16x10240xf32, #tpu.memory_space<hbm>> -> memref<1x1x640xf32, #tpu.memory_space<hbm>>
    %dma_wait3A_280 = tpu.memref_squeeze %dma_wait3A_279 : memref<1x1x640xf32, #tpu.memory_space<hbm>> -> memref<640xf32, #tpu.memory_space<hbm>>
    %dma_wait3A_281 = arith.constant 5120 : i32
    %dma_wait3A_282 = tpu.memref_slice %arg12[%dma_wait3A_281] : memref<10240xf32, #tpu.memory_space<vmem>> -> memref<640xf32, #tpu.memory_space<vmem>>
    %dma_wait3A_283 = tpu.memref_slice %arg5[%arg0, %dma_wait3A_276, %mul3A_4] : memref<2x16x10240xf32, #tpu.memory_space<hbm>> -> memref<1x1x640xf32, #tpu.memory_space<hbm>>
    %dma_wait3A_284 = tpu.memref_squeeze %dma_wait3A_283 : memref<1x1x640xf32, #tpu.memory_space<hbm>> -> memref<640xf32, #tpu.memory_space<hbm>>
    tpu.wait_dma2 semaphore(%arg23 : memref<!tpu.dma_semaphore, #tpu.memory_space<semaphore_mem>>) src(%dma_wait3A_284 : memref<640xf32, #tpu.memory_space<hbm>>) dst(%dma_wait3A_282 : memref<640xf32, #tpu.memory_space<vmem>>)
    %dma_wait3A_285 = arith.constant 9 : i32
    %dma_wait3A_286 = arith.constant 5760 : i32
    %dma_wait3A_287 = tpu.memref_slice %arg12[%dma_wait3A_286] : memref<10240xf32, #tpu.memory_space<vmem>> -> memref<640xf32, #tpu.memory_space<vmem>>
    %dma_wait3A_288 = tpu.memref_slice %arg5[%arg0, %dma_wait3A_285, %mul3A_4] : memref<2x16x10240xf32, #tpu.memory_space<hbm>> -> memref<1x1x640xf32, #tpu.memory_space<hbm>>
    %dma_wait3A_289 = tpu.memref_squeeze %dma_wait3A_288 : memref<1x1x640xf32, #tpu.memory_space<hbm>> -> memref<640xf32, #tpu.memory_space<hbm>>
    %dma_wait3A_290 = arith.constant 5760 : i32
    %dma_wait3A_291 = tpu.memref_slice %arg12[%dma_wait3A_290] : memref<10240xf32, #tpu.memory_space<vmem>> -> memref<640xf32, #tpu.memory_space<vmem>>
    %dma_wait3A_292 = tpu.memref_slice %arg5[%arg0, %dma_wait3A_285, %mul3A_4] : memref<2x16x10240xf32, #tpu.memory_space<hbm>> -> memref<1x1x640xf32, #tpu.memory_space<hbm>>
    %dma_wait3A_293 = tpu.memref_squeeze %dma_wait3A_292 : memref<1x1x640xf32, #tpu.memory_space<hbm>> -> memref<640xf32, #tpu.memory_space<hbm>>
    tpu.wait_dma2 semaphore(%arg23 : memref<!tpu.dma_semaphore, #tpu.memory_space<semaphore_mem>>) src(%dma_wait3A_293 : memref<640xf32, #tpu.memory_space<hbm>>) dst(%dma_wait3A_291 : memref<640xf32, #tpu.memory_space<vmem>>)
    %dma_wait3A_294 = arith.constant 10 : i32
    %dma_wait3A_295 = arith.constant 6400 : i32
    %dma_wait3A_296 = tpu.memref_slice %arg12[%dma_wait3A_295] : memref<10240xf32, #tpu.memory_space<vmem>> -> memref<640xf32, #tpu.memory_space<vmem>>
    %dma_wait3A_297 = tpu.memref_slice %arg5[%arg0, %dma_wait3A_294, %mul3A_4] : memref<2x16x10240xf32, #tpu.memory_space<hbm>> -> memref<1x1x640xf32, #tpu.memory_space<hbm>>
    %dma_wait3A_298 = tpu.memref_squeeze %dma_wait3A_297 : memref<1x1x640xf32, #tpu.memory_space<hbm>> -> memref<640xf32, #tpu.memory_space<hbm>>
    %dma_wait3A_299 = arith.constant 6400 : i32
    %dma_wait3A_300 = tpu.memref_slice %arg12[%dma_wait3A_299] : memref<10240xf32, #tpu.memory_space<vmem>> -> memref<640xf32, #tpu.memory_space<vmem>>
    %dma_wait3A_301 = tpu.memref_slice %arg5[%arg0, %dma_wait3A_294, %mul3A_4] : memref<2x16x10240xf32, #tpu.memory_space<hbm>> -> memref<1x1x640xf32, #tpu.memory_space<hbm>>
    %dma_wait3A_302 = tpu.memref_squeeze %dma_wait3A_301 : memref<1x1x640xf32, #tpu.memory_space<hbm>> -> memref<640xf32, #tpu.memory_space<hbm>>
    tpu.wait_dma2 semaphore(%arg23 : memref<!tpu.dma_semaphore, #tpu.memory_space<semaphore_mem>>) src(%dma_wait3A_302 : memref<640xf32, #tpu.memory_space<hbm>>) dst(%dma_wait3A_300 : memref<640xf32, #tpu.memory_space<vmem>>)
    %dma_wait3A_303 = arith.constant 11 : i32
    %dma_wait3A_304 = arith.constant 7040 : i32
    %dma_wait3A_305 = tpu.memref_slice %arg12[%dma_wait3A_304] : memref<10240xf32, #tpu.memory_space<vmem>> -> memref<640xf32, #tpu.memory_space<vmem>>
    %dma_wait3A_306 = tpu.memref_slice %arg5[%arg0, %dma_wait3A_303, %mul3A_4] : memref<2x16x10240xf32, #tpu.memory_space<hbm>> -> memref<1x1x640xf32, #tpu.memory_space<hbm>>
    %dma_wait3A_307 = tpu.memref_squeeze %dma_wait3A_306 : memref<1x1x640xf32, #tpu.memory_space<hbm>> -> memref<640xf32, #tpu.memory_space<hbm>>
    %dma_wait3A_308 = arith.constant 7040 : i32
    %dma_wait3A_309 = tpu.memref_slice %arg12[%dma_wait3A_308] : memref<10240xf32, #tpu.memory_space<vmem>> -> memref<640xf32, #tpu.memory_space<vmem>>
    %dma_wait3A_310 = tpu.memref_slice %arg5[%arg0, %dma_wait3A_303, %mul3A_4] : memref<2x16x10240xf32, #tpu.memory_space<hbm>> -> memref<1x1x640xf32, #tpu.memory_space<hbm>>
    %dma_wait3A_311 = tpu.memref_squeeze %dma_wait3A_310 : memref<1x1x640xf32, #tpu.memory_space<hbm>> -> memref<640xf32, #tpu.memory_space<hbm>>
    tpu.wait_dma2 semaphore(%arg23 : memref<!tpu.dma_semaphore, #tpu.memory_space<semaphore_mem>>) src(%dma_wait3A_311 : memref<640xf32, #tpu.memory_space<hbm>>) dst(%dma_wait3A_309 : memref<640xf32, #tpu.memory_space<vmem>>)
    %dma_wait3A_312 = arith.constant 12 : i32
    %dma_wait3A_313 = arith.constant 7680 : i32
    %dma_wait3A_314 = tpu.memref_slice %arg12[%dma_wait3A_313] : memref<10240xf32, #tpu.memory_space<vmem>> -> memref<640xf32, #tpu.memory_space<vmem>>
    %dma_wait3A_315 = tpu.memref_slice %arg5[%arg0, %dma_wait3A_312, %mul3A_4] : memref<2x16x10240xf32, #tpu.memory_space<hbm>> -> memref<1x1x640xf32, #tpu.memory_space<hbm>>
    %dma_wait3A_316 = tpu.memref_squeeze %dma_wait3A_315 : memref<1x1x640xf32, #tpu.memory_space<hbm>> -> memref<640xf32, #tpu.memory_space<hbm>>
    %dma_wait3A_317 = arith.constant 7680 : i32
    %dma_wait3A_318 = tpu.memref_slice %arg12[%dma_wait3A_317] : memref<10240xf32, #tpu.memory_space<vmem>> -> memref<640xf32, #tpu.memory_space<vmem>>
    %dma_wait3A_319 = tpu.memref_slice %arg5[%arg0, %dma_wait3A_312, %mul3A_4] : memref<2x16x10240xf32, #tpu.memory_space<hbm>> -> memref<1x1x640xf32, #tpu.memory_space<hbm>>
    %dma_wait3A_320 = tpu.memref_squeeze %dma_wait3A_319 : memref<1x1x640xf32, #tpu.memory_space<hbm>> -> memref<640xf32, #tpu.memory_space<hbm>>
    tpu.wait_dma2 semaphore(%arg23 : memref<!tpu.dma_semaphore, #tpu.memory_space<semaphore_mem>>) src(%dma_wait3A_320 : memref<640xf32, #tpu.memory_space<hbm>>) dst(%dma_wait3A_318 : memref<640xf32, #tpu.memory_space<vmem>>)
    %dma_wait3A_321 = arith.constant 13 : i32
    %dma_wait3A_322 = arith.constant 8320 : i32
    %dma_wait3A_323 = tpu.memref_slice %arg12[%dma_wait3A_322] : memref<10240xf32, #tpu.memory_space<vmem>> -> memref<640xf32, #tpu.memory_space<vmem>>
    %dma_wait3A_324 = tpu.memref_slice %arg5[%arg0, %dma_wait3A_321, %mul3A_4] : memref<2x16x10240xf32, #tpu.memory_space<hbm>> -> memref<1x1x640xf32, #tpu.memory_space<hbm>>
    %dma_wait3A_325 = tpu.memref_squeeze %dma_wait3A_324 : memref<1x1x640xf32, #tpu.memory_space<hbm>> -> memref<640xf32, #tpu.memory_space<hbm>>
    %dma_wait3A_326 = arith.constant 8320 : i32
    %dma_wait3A_327 = tpu.memref_slice %arg12[%dma_wait3A_326] : memref<10240xf32, #tpu.memory_space<vmem>> -> memref<640xf32, #tpu.memory_space<vmem>>
    %dma_wait3A_328 = tpu.memref_slice %arg5[%arg0, %dma_wait3A_321, %mul3A_4] : memref<2x16x10240xf32, #tpu.memory_space<hbm>> -> memref<1x1x640xf32, #tpu.memory_space<hbm>>
    %dma_wait3A_329 = tpu.memref_squeeze %dma_wait3A_328 : memref<1x1x640xf32, #tpu.memory_space<hbm>> -> memref<640xf32, #tpu.memory_space<hbm>>
    tpu.wait_dma2 semaphore(%arg23 : memref<!tpu.dma_semaphore, #tpu.memory_space<semaphore_mem>>) src(%dma_wait3A_329 : memref<640xf32, #tpu.memory_space<hbm>>) dst(%dma_wait3A_327 : memref<640xf32, #tpu.memory_space<vmem>>)
    %dma_wait3A_330 = arith.constant 14 : i32
    %dma_wait3A_331 = arith.constant 8960 : i32
    %dma_wait3A_332 = tpu.memref_slice %arg12[%dma_wait3A_331] : memref<10240xf32, #tpu.memory_space<vmem>> -> memref<640xf32, #tpu.memory_space<vmem>>
    %dma_wait3A_333 = tpu.memref_slice %arg5[%arg0, %dma_wait3A_330, %mul3A_4] : memref<2x16x10240xf32, #tpu.memory_space<hbm>> -> memref<1x1x640xf32, #tpu.memory_space<hbm>>
    %dma_wait3A_334 = tpu.memref_squeeze %dma_wait3A_333 : memref<1x1x640xf32, #tpu.memory_space<hbm>> -> memref<640xf32, #tpu.memory_space<hbm>>
    %dma_wait3A_335 = arith.constant 8960 : i32
    %dma_wait3A_336 = tpu.memref_slice %arg12[%dma_wait3A_335] : memref<10240xf32, #tpu.memory_space<vmem>> -> memref<640xf32, #tpu.memory_space<vmem>>
    %dma_wait3A_337 = tpu.memref_slice %arg5[%arg0, %dma_wait3A_330, %mul3A_4] : memref<2x16x10240xf32, #tpu.memory_space<hbm>> -> memref<1x1x640xf32, #tpu.memory_space<hbm>>
    %dma_wait3A_338 = tpu.memref_squeeze %dma_wait3A_337 : memref<1x1x640xf32, #tpu.memory_space<hbm>> -> memref<640xf32, #tpu.memory_space<hbm>>
    tpu.wait_dma2 semaphore(%arg23 : memref<!tpu.dma_semaphore, #tpu.memory_space<semaphore_mem>>) src(%dma_wait3A_338 : memref<640xf32, #tpu.memory_space<hbm>>) dst(%dma_wait3A_336 : memref<640xf32, #tpu.memory_space<vmem>>)
    %dma_wait3A_339 = arith.constant 15 : i32
    %dma_wait3A_340 = arith.constant 9600 : i32
    %dma_wait3A_341 = tpu.memref_slice %arg12[%dma_wait3A_340] : memref<10240xf32, #tpu.memory_space<vmem>> -> memref<640xf32, #tpu.memory_space<vmem>>
    %dma_wait3A_342 = tpu.memref_slice %arg5[%arg0, %dma_wait3A_339, %mul3A_4] : memref<2x16x10240xf32, #tpu.memory_space<hbm>> -> memref<1x1x640xf32, #tpu.memory_space<hbm>>
    %dma_wait3A_343 = tpu.memref_squeeze %dma_wait3A_342 : memref<1x1x640xf32, #tpu.memory_space<hbm>> -> memref<640xf32, #tpu.memory_space<hbm>>
    %dma_wait3A_344 = arith.constant 9600 : i32
    %dma_wait3A_345 = tpu.memref_slice %arg12[%dma_wait3A_344] : memref<10240xf32, #tpu.memory_space<vmem>> -> memref<640xf32, #tpu.memory_space<vmem>>
    %dma_wait3A_346 = tpu.memref_slice %arg5[%arg0, %dma_wait3A_339, %mul3A_4] : memref<2x16x10240xf32, #tpu.memory_space<hbm>> -> memref<1x1x640xf32, #tpu.memory_space<hbm>>
    %dma_wait3A_347 = tpu.memref_squeeze %dma_wait3A_346 : memref<1x1x640xf32, #tpu.memory_space<hbm>> -> memref<640xf32, #tpu.memory_space<hbm>>
    tpu.wait_dma2 semaphore(%arg23 : memref<!tpu.dma_semaphore, #tpu.memory_space<semaphore_mem>>) src(%dma_wait3A_347 : memref<640xf32, #tpu.memory_space<hbm>>) dst(%dma_wait3A_345 : memref<640xf32, #tpu.memory_space<vmem>>)
    %scan3A_348 = arith.constant 0 : i32
    %scan3A_349 = arith.constant 0 : i32
    %scan3A_350 = arith.constant 40 : i32
    %scan3A_351 = arith.addi %scan3A_349, %scan3A_350 : i32
    %scan3A_352 = arith.constant 1 : i32
    scf.for %scan3A_370 = %scan3A_349 to %scan3A_351 step %scan3A_352  : i32 {
      %mul3A_371 = arith.constant 16 : i32
      %mul3A_372 = arith.muli %scan3A_370, %mul3A_371 : i32
      %mul3A_373 = arith.constant 16 : i32
      %mul3A_374 = arith.muli %scan3A_370, %mul3A_373 : i32
      %add3A_375 = arith.constant 0 : i32
      %add3A_376 = arith.addi %add3A_375, %mul3A_374 : i32
      %get3A = arith.index_cast %add3A_376 : i32 to index
      %get3A_377 = tpu.vector_load %arg12[%get3A] {strides = array<i32>} : memref<10240xf32, #tpu.memory_space<vmem>>, vector<16xf32>,
      %mul3A_378 = arith.constant 16 : i32
      %mul3A_379 = arith.muli %scan3A_370, %mul3A_378 : i32
      %add3A_380 = arith.constant 640 : i32
      %add3A_381 = arith.addi %add3A_380, %mul3A_379 : i32
      %get3A_382 = arith.index_cast %add3A_381 : i32 to index
      %get3A_383 = tpu.vector_load %arg12[%get3A_382] {strides = array<i32>} : memref<10240xf32, #tpu.memory_space<vmem>>, vector<16xf32>,
      %add3A_384 = arith.addf %get3A_377, %get3A_383 : vector<16xf32>
      %mul3A_385 = arith.constant 16 : i32
      %mul3A_386 = arith.muli %scan3A_370, %mul3A_385 : i32
      %add3A_387 = arith.constant 1280 : i32
      %add3A_388 = arith.addi %add3A_387, %mul3A_386 : i32
      %get3A_389 = arith.index_cast %add3A_388 : i32 to index
      %get3A_390 = tpu.vector_load %arg12[%get3A_389] {strides = array<i32>} : memref<10240xf32, #tpu.memory_space<vmem>>, vector<16xf32>,
      %mul3A_391 = arith.constant 16 : i32
      %mul3A_392 = arith.muli %scan3A_370, %mul3A_391 : i32
      %add3A_393 = arith.constant 1920 : i32
      %add3A_394 = arith.addi %add3A_393, %mul3A_392 : i32
      %get3A_395 = arith.index_cast %add3A_394 : i32 to index
      %get3A_396 = tpu.vector_load %arg12[%get3A_395] {strides = array<i32>} : memref<10240xf32, #tpu.memory_space<vmem>>, vector<16xf32>,
      %add3A_397 = arith.addf %get3A_390, %get3A_396 : vector<16xf32>
      %add3A_398 = arith.addf %add3A_384, %add3A_397 : vector<16xf32>
      %mul3A_399 = arith.constant 16 : i32
      %mul3A_400 = arith.muli %scan3A_370, %mul3A_399 : i32
      %add3A_401 = arith.constant 2560 : i32
      %add3A_402 = arith.addi %add3A_401, %mul3A_400 : i32
      %get3A_403 = arith.index_cast %add3A_402 : i32 to index
      %get3A_404 = tpu.vector_load %arg12[%get3A_403] {strides = array<i32>} : memref<10240xf32, #tpu.memory_space<vmem>>, vector<16xf32>,
      %mul3A_405 = arith.constant 16 : i32
      %mul3A_406 = arith.muli %scan3A_370, %mul3A_405 : i32
      %add3A_407 = arith.constant 3200 : i32
      %add3A_408 = arith.addi %add3A_407, %mul3A_406 : i32
      %get3A_409 = arith.index_cast %add3A_408 : i32 to index
      %get3A_410 = tpu.vector_load %arg12[%get3A_409] {strides = array<i32>} : memref<10240xf32, #tpu.memory_space<vmem>>, vector<16xf32>,
      %add3A_411 = arith.addf %get3A_404, %get3A_410 : vector<16xf32>
      %mul3A_412 = arith.constant 16 : i32
      %mul3A_413 = arith.muli %scan3A_370, %mul3A_412 : i32
      %add3A_414 = arith.constant 3840 : i32
      %add3A_415 = arith.addi %add3A_414, %mul3A_413 : i32
      %get3A_416 = arith.index_cast %add3A_415 : i32 to index
      %get3A_417 = tpu.vector_load %arg12[%get3A_416] {strides = array<i32>} : memref<10240xf32, #tpu.memory_space<vmem>>, vector<16xf32>,
      %mul3A_418 = arith.constant 16 : i32
      %mul3A_419 = arith.muli %scan3A_370, %mul3A_418 : i32
      %add3A_420 = arith.constant 4480 : i32
      %add3A_421 = arith.addi %add3A_420, %mul3A_419 : i32
      %get3A_422 = arith.index_cast %add3A_421 : i32 to index
      %get3A_423 = tpu.vector_load %arg12[%get3A_422] {strides = array<i32>} : memref<10240xf32, #tpu.memory_space<vmem>>, vector<16xf32>,
      %add3A_424 = arith.addf %get3A_417, %get3A_423 : vector<16xf32>
      %add3A_425 = arith.addf %add3A_411, %add3A_424 : vector<16xf32>
      %add3A_426 = arith.addf %add3A_398, %add3A_425 : vector<16xf32>
      %mul3A_427 = arith.constant 16 : i32
      %mul3A_428 = arith.muli %scan3A_370, %mul3A_427 : i32
      %add3A_429 = arith.constant 5120 : i32
      %add3A_430 = arith.addi %add3A_429, %mul3A_428 : i32
      %get3A_431 = arith.index_cast %add3A_430 : i32 to index
      %get3A_432 = tpu.vector_load %arg12[%get3A_431] {strides = array<i32>} : memref<10240xf32, #tpu.memory_space<vmem>>, vector<16xf32>,
      %mul3A_433 = arith.constant 16 : i32
      %mul3A_434 = arith.muli %scan3A_370, %mul3A_433 : i32
      %add3A_435 = arith.constant 5760 : i32
      %add3A_436 = arith.addi %add3A_435, %mul3A_434 : i32
      %get3A_437 = arith.index_cast %add3A_436 : i32 to index
      %get3A_438 = tpu.vector_load %arg12[%get3A_437] {strides = array<i32>} : memref<10240xf32, #tpu.memory_space<vmem>>, vector<16xf32>,
      %add3A_439 = arith.addf %get3A_432, %get3A_438 : vector<16xf32>
      %mul3A_440 = arith.constant 16 : i32
      %mul3A_441 = arith.muli %scan3A_370, %mul3A_440 : i32
      %add3A_442 = arith.constant 6400 : i32
      %add3A_443 = arith.addi %add3A_442, %mul3A_441 : i32
      %get3A_444 = arith.index_cast %add3A_443 : i32 to index
      %get3A_445 = tpu.vector_load %arg12[%get3A_444] {strides = array<i32>} : memref<10240xf32, #tpu.memory_space<vmem>>, vector<16xf32>,
      %mul3A_446 = arith.constant 16 : i32
      %mul3A_447 = arith.muli %scan3A_370, %mul3A_446 : i32
      %add3A_448 = arith.constant 7040 : i32
      %add3A_449 = arith.addi %add3A_448, %mul3A_447 : i32
      %get3A_450 = arith.index_cast %add3A_449 : i32 to index
      %get3A_451 = tpu.vector_load %arg12[%get3A_450] {strides = array<i32>} : memref<10240xf32, #tpu.memory_space<vmem>>, vector<16xf32>,
      %add3A_452 = arith.addf %get3A_445, %get3A_451 : vector<16xf32>
      %add3A_453 = arith.addf %add3A_439, %add3A_452 : vector<16xf32>
      %add3A_454 = arith.addf %add3A_426, %add3A_453 : vector<16xf32>
      %mul3A_455 = arith.constant 16 : i32
      %mul3A_456 = arith.muli %scan3A_370, %mul3A_455 : i32
      %add3A_457 = arith.constant 7680 : i32
      %add3A_458 = arith.addi %add3A_457, %mul3A_456 : i32
      %get3A_459 = arith.index_cast %add3A_458 : i32 to index
      %get3A_460 = tpu.vector_load %arg12[%get3A_459] {strides = array<i32>} : memref<10240xf32, #tpu.memory_space<vmem>>, vector<16xf32>,
      %mul3A_461 = arith.constant 16 : i32
      %mul3A_462 = arith.muli %scan3A_370, %mul3A_461 : i32
      %add3A_463 = arith.constant 8320 : i32
      %add3A_464 = arith.addi %add3A_463, %mul3A_462 : i32
      %get3A_465 = arith.index_cast %add3A_464 : i32 to index
      %get3A_466 = tpu.vector_load %arg12[%get3A_465] {strides = array<i32>} : memref<10240xf32, #tpu.memory_space<vmem>>, vector<16xf32>,
      %add3A_467 = arith.addf %get3A_460, %get3A_466 : vector<16xf32>
      %mul3A_468 = arith.constant 16 : i32
      %mul3A_469 = arith.muli %scan3A_370, %mul3A_468 : i32
      %add3A_470 = arith.constant 8960 : i32
      %add3A_471 = arith.addi %add3A_470, %mul3A_469 : i32
      %get3A_472 = arith.index_cast %add3A_471 : i32 to index
      %get3A_473 = tpu.vector_load %arg12[%get3A_472] {strides = array<i32>} : memref<10240xf32, #tpu.memory_space<vmem>>, vector<16xf32>,
      %mul3A_474 = arith.constant 16 : i32
      %mul3A_475 = arith.muli %scan3A_370, %mul3A_474 : i32
      %add3A_476 = arith.constant 9600 : i32
      %add3A_477 = arith.addi %add3A_476, %mul3A_475 : i32
      %get3A_478 = arith.index_cast %add3A_477 : i32 to index
      %get3A_479 = tpu.vector_load %arg12[%get3A_478] {strides = array<i32>} : memref<10240xf32, #tpu.memory_space<vmem>>, vector<16xf32>,
      %add3A_480 = arith.addf %get3A_473, %get3A_479 : vector<16xf32>
      %add3A_481 = arith.addf %add3A_467, %add3A_480 : vector<16xf32>
      %add3A_482 = arith.addf %add3A_454, %add3A_481 : vector<16xf32>
      %swap3A_483 = arith.index_cast %mul3A_372 : i32 to index
      %swap3A_484 = tpu.vector_load %arg9[%swap3A_483] {strides = array<i32>} : memref<640xf32, #tpu.memory_space<vmem>>, vector<16xf32>,
      tpu.vector_store %arg9[%swap3A_483], %add3A_482 {strides = array<i32>} : memref<640xf32, #tpu.memory_space<vmem>>, vector<16xf32>,
    }
    %scan3A_353 = arith.constant 40 : i32
    "tpu.region"() ({
      %run_scoped3A = tpu.sem_alloc : memref<!tpu.dma_semaphore, #tpu.memory_space<semaphore_mem>>
      %dma_start3A_370 = tpu.memref_slice %arg6[%arg0, %mul3A_4] : memref<2x10240xf32, #tpu.memory_space<hbm>> -> memref<1x640xf32, #tpu.memory_space<hbm>>
      %dma_start3A_371 = tpu.memref_squeeze %dma_start3A_370 : memref<1x640xf32, #tpu.memory_space<hbm>> -> memref<640xf32, #tpu.memory_space<hbm>>
      %dma_start3A_372 = tpu.memref_slice %arg6[%arg0, %mul3A_4] : memref<2x10240xf32, #tpu.memory_space<hbm>> -> memref<1x640xf32, #tpu.memory_space<hbm>>
      %dma_start3A_373 = tpu.memref_squeeze %dma_start3A_372 : memref<1x640xf32, #tpu.memory_space<hbm>> -> memref<640xf32, #tpu.memory_space<hbm>>
      tpu.enqueue_dma source(%arg9 : memref<640xf32, #tpu.memory_space<vmem>>) target(%dma_start3A_373 : memref<640xf32, #tpu.memory_space<hbm>>) target_semaphore(%run_scoped3A : memref<!tpu.dma_semaphore, #tpu.memory_space<semaphore_mem>>)
      %dma_wait3A_374 = tpu.memref_slice %arg6[%arg0, %mul3A_4] : memref<2x10240xf32, #tpu.memory_space<hbm>> -> memref<1x640xf32, #tpu.memory_space<hbm>>
      %dma_wait3A_375 = tpu.memref_squeeze %dma_wait3A_374 : memref<1x640xf32, #tpu.memory_space<hbm>> -> memref<640xf32, #tpu.memory_space<hbm>>
      %dma_wait3A_376 = tpu.memref_slice %arg6[%arg0, %mul3A_4] : memref<2x10240xf32, #tpu.memory_space<hbm>> -> memref<1x640xf32, #tpu.memory_space<hbm>>
      %dma_wait3A_377 = tpu.memref_squeeze %dma_wait3A_376 : memref<1x640xf32, #tpu.memory_space<hbm>> -> memref<640xf32, #tpu.memory_space<hbm>>
      tpu.wait_dma2 semaphore(%run_scoped3A : memref<!tpu.dma_semaphore, #tpu.memory_space<semaphore_mem>>) src(%arg9 : memref<640xf32, #tpu.memory_space<vmem>>) dst(%dma_wait3A_377 : memref<640xf32, #tpu.memory_space<hbm>>)
      tpu.yield
    }) : () -> ()
    %barrier3A_354 = arith.constant 0 : index
    tpu.barrier barrier_id(%barrier3A_354)
    "tpu.region"() ({
      %run_scoped3A = tpu.sem_alloc : memref<!tpu.dma_semaphore, #tpu.memory_space<semaphore_mem>>
      %dma_start3A_370 = arith.constant 0 : i32
      %dma_start3A_371 = tpu.memref_slice %arg6[%arg0, %dma_start3A_370] : memref<2x10240xf32, #tpu.memory_space<hbm>> -> memref<1x10240xf32, #tpu.memory_space<hbm>>
      %dma_start3A_372 = tpu.memref_squeeze %dma_start3A_371 : memref<1x10240xf32, #tpu.memory_space<hbm>> -> memref<10240xf32, #tpu.memory_space<hbm>>
      %dma_start3A_373 = arith.constant 0 : i32
      %dma_start3A_374 = tpu.memref_slice %arg6[%arg0, %dma_start3A_373] : memref<2x10240xf32, #tpu.memory_space<hbm>> -> memref<1x10240xf32, #tpu.memory_space<hbm>>
      %dma_start3A_375 = tpu.memref_squeeze %dma_start3A_374 : memref<1x10240xf32, #tpu.memory_space<hbm>> -> memref<10240xf32, #tpu.memory_space<hbm>>
      tpu.enqueue_dma source(%dma_start3A_375 : memref<10240xf32, #tpu.memory_space<hbm>>) target(%arg12 : memref<10240xf32, #tpu.memory_space<vmem>>) target_semaphore(%run_scoped3A : memref<!tpu.dma_semaphore, #tpu.memory_space<semaphore_mem>>)
      %dma_wait3A_376 = arith.constant 0 : i32
      %dma_wait3A_377 = tpu.memref_slice %arg6[%arg0, %dma_wait3A_376] : memref<2x10240xf32, #tpu.memory_space<hbm>> -> memref<1x10240xf32, #tpu.memory_space<hbm>>
      %dma_wait3A_378 = tpu.memref_squeeze %dma_wait3A_377 : memref<1x10240xf32, #tpu.memory_space<hbm>> -> memref<10240xf32, #tpu.memory_space<hbm>>
      %dma_wait3A_379 = arith.constant 0 : i32
      %dma_wait3A_380 = tpu.memref_slice %arg6[%arg0, %dma_wait3A_379] : memref<2x10240xf32, #tpu.memory_space<hbm>> -> memref<1x10240xf32, #tpu.memory_space<hbm>>
      %dma_wait3A_381 = tpu.memref_squeeze %dma_wait3A_380 : memref<1x10240xf32, #tpu.memory_space<hbm>> -> memref<10240xf32, #tpu.memory_space<hbm>>
      tpu.wait_dma2 semaphore(%run_scoped3A : memref<!tpu.dma_semaphore, #tpu.memory_space<semaphore_mem>>) src(%dma_wait3A_381 : memref<10240xf32, #tpu.memory_space<hbm>>) dst(%arg12 : memref<10240xf32, #tpu.memory_space<vmem>>)
      tpu.yield
    }) : () -> ()
    %scan3A_355 = arith.constant 0 : i32
    %scan3A_356 = arith.constant 0 : i32
    %scan3A_357 = arith.constant 32 : i32
    %scan3A_358 = arith.addi %scan3A_356, %scan3A_357 : i32
    %scan3A_359 = arith.constant 1 : i32
    scf.for %scan3A_370 = %scan3A_356 to %scan3A_358 step %scan3A_359  : i32 {
      %mul3A_371 = arith.constant 16 : i32
      %mul3A_372 = arith.muli %scan3A_370, %mul3A_371 : i32
      %get3A = arith.index_cast %mul3A_372 : i32 to index
      %get3A_373 = tpu.vector_load %arg11[%get3A] {strides = array<i32>} : memref<512xi32, #tpu.memory_space<vmem>>, vector<16xi32>,
      %gather3A = tpu.vector_load_idx %arg12[%get3A_373] : memref<10240xf32, #tpu.memory_space<vmem>>[vector<16xi32>], vector<16xf32>,
      %div3A = arith.constant 1.000000e+00 : f32
      %div3A_374 = vector.broadcast %div3A : f32 to vector<16xf32>
      %div3A_375 = arith.divf %div3A_374, %gather3A : vector<16xf32>
      %mul3A_376 = arith.constant 16 : i32
      %mul3A_377 = arith.muli %scan3A_370, %mul3A_376 : i32
      %swap3A_378 = arith.index_cast %mul3A_377 : i32 to index
      %swap3A_379 = tpu.vector_load %arg13[%swap3A_378] {strides = array<i32>} : memref<512xf32, #tpu.memory_space<vmem>>, vector<16xf32>,
      tpu.vector_store %arg13[%swap3A_378], %div3A_375 {strides = array<i32>} : memref<512xf32, #tpu.memory_space<vmem>>, vector<16xf32>,
    }
    %scan3A_360 = arith.constant 32 : i32
    %broadcast_in_dim3A_361 = arith.constant 0.000000e+00 : f32
    %broadcast_in_dim3A_362 = vector.broadcast %broadcast_in_dim3A_361 : f32 to vector<16xf32>
    %scan3A_363 = arith.constant 0 : i32
    %scan3A_364 = arith.constant 16 : i32
    %scan3A_365 = arith.addi %scan3A_363, %scan3A_364 : i32
    %scan3A_366 = arith.constant 1 : i32
    %scan3A_367 = scf.for %scan3A_370 = %scan3A_363 to %scan3A_365 step %scan3A_366 iter_args(%scan3A_371 = %broadcast_in_dim3A_362) -> (vector<16xf32>)  : i32 {
      %mul3A_372 = arith.constant 4 : i32
      %mul3A_373 = arith.muli %scan3A_370, %mul3A_372 : i32
      %add3A_374 = arith.constant 0 : i32
      %add3A_375 = arith.addi %mul3A_373, %add3A_374 : i32
      %add3A_376 = arith.constant 4 : i32
      %add3A_377 = arith.addi %add3A_375, %add3A_376 : i32
      %sub3A = arith.constant 1 : i32
      %sub3A_378 = arith.subi %add3A_377, %sub3A : i32
      %lt3A = arith.constant 64 : i32
      %lt3A_379 = arith.cmpi slt, %sub3A_378, %lt3A : i32
      %convert_element_type3A = arith.extui %lt3A_379 : i1 to i32
      %cond3A = arith.constant 0 : i32
      %cond3A_380 = arith.cmpi ne, %convert_element_type3A, %cond3A : i32
      scf.if %cond3A_380 {
        %mul3A_480 = arith.constant 8 : i32
        %mul3A_481 = arith.muli %sub3A_378, %mul3A_480 : i32
        %add3A_482 = arith.addi %mul3A_2, %mul3A_481 : i32
        %dma_start3A_483 = arith.constant 0 : i32
        %dma_start3A_484 = tpu.memref_slice %arg2[%add3A_482, %dma_start3A_483] : memref<16384x512xf32, #tpu.memory_space<hbm>> -> memref<8x512xf32, #tpu.memory_space<hbm>>
        %dma_start3A_485 = arith.constant 0 : i32
        %dma_start3A_486 = tpu.memref_slice %arg2[%add3A_482, %dma_start3A_485] : memref<16384x512xf32, #tpu.memory_space<hbm>> -> memref<8x512xf32, #tpu.memory_space<hbm>>
        tpu.enqueue_dma source(%dma_start3A_486 : memref<8x512xf32, #tpu.memory_space<hbm>>) target(%arg17 : memref<8x512xf32, #tpu.memory_space<vmem>>) target_semaphore(%arg27 : memref<!tpu.dma_semaphore, #tpu.memory_space<semaphore_mem>>)
        %mul3A_487 = arith.constant 8 : i32
        %mul3A_488 = arith.muli %sub3A_378, %mul3A_487 : i32
        %dma_start3A_489 = tpu.memref_slice %arg11[%mul3A_488] : memref<512xi32, #tpu.memory_space<vmem>> -> memref<8xi32, #tpu.memory_space<vmem>>
        %dma_start3A_490 = arith.constant 0 : i32
        %dma_start3A_491 = arith.constant 0 : i32
        %dma_start3A_492 = tpu.memref_slice %arg4[%dma_start3A_490, %dma_start3A_491] : memref<10000x512xf32, #tpu.memory_space<hbm>> -> memref<10000x512xf32, #tpu.memory_space<hbm>>
        tpu.enqueue_indirect_dma source(%dma_start3A_492 : memref<10000x512xf32, #tpu.memory_space<hbm>>) target(%arg21 : memref<8x512xf32, #tpu.memory_space<vmem>>) offsets(%dma_start3A_489 : memref<8xi32, #tpu.memory_space<vmem>>) semaphore(%arg31 : memref<!tpu.dma_semaphore, #tpu.memory_space<semaphore_mem>>)
      } else {
      }
      %dma_wait3A_381 = arith.constant 0 : i32
      %dma_wait3A_382 = tpu.memref_slice %arg2[%mul3A_2, %dma_wait3A_381] : memref<16384x512xf32, #tpu.memory_space<hbm>> -> memref<8x512xf32, #tpu.memory_space<hbm>>
      %dma_wait3A_383 = arith.constant 0 : i32
      %dma_wait3A_384 = tpu.memref_slice %arg2[%mul3A_2, %dma_wait3A_383] : memref<16384x512xf32, #tpu.memory_space<hbm>> -> memref<8x512xf32, #tpu.memory_space<hbm>>
      tpu.wait_dma2 semaphore(%arg24 : memref<!tpu.dma_semaphore, #tpu.memory_space<semaphore_mem>>) src(%dma_wait3A_384 : memref<8x512xf32, #tpu.memory_space<hbm>>) dst(%arg14 : memref<8x512xf32, #tpu.memory_space<vmem>>)
      %dma_wait3A_385 = arith.constant 0 : i32
      %dma_wait3A_386 = tpu.memref_slice %arg11[%dma_wait3A_385] : memref<512xi32, #tpu.memory_space<vmem>> -> memref<8xi32, #tpu.memory_space<vmem>>
      %dma_wait3A_387 = arith.constant 0 : i32
      %dma_wait3A_388 = arith.constant 0 : i32
      %dma_wait3A_389 = tpu.memref_slice %arg4[%dma_wait3A_387, %dma_wait3A_388] : memref<10000x512xf32, #tpu.memory_space<hbm>> -> memref<10000x512xf32, #tpu.memory_space<hbm>>
      tpu.wait_indirect_dma semaphore(%arg28 : memref<!tpu.dma_semaphore, #tpu.memory_space<semaphore_mem>>) src(%dma_wait3A_389 : memref<10000x512xf32, #tpu.memory_space<hbm>>) dst(%arg18 : memref<8x512xf32, #tpu.memory_space<vmem>>)
      %scan3A_390 = arith.constant 0 : i32
      %scan3A_391 = arith.constant 8 : i32
      %scan3A_392 = arith.addi %scan3A_390, %scan3A_391 : i32
      %scan3A_393 = arith.constant 1 : i32
      %scan3A_394 = scf.for %scan3A_480 = %scan3A_390 to %scan3A_392 step %scan3A_393 iter_args(%scan3A_481 = %scan3A_371) -> (vector<16xf32>)  : i32 {
        %broadcast_in_dim3A_482 = arith.constant 0.000000e+00 : f32
        %broadcast_in_dim3A_483 = vector.broadcast %broadcast_in_dim3A_482 : f32 to vector<16xf32>
        %broadcast_in_dim3A_484 = arith.constant 0.000000e+00 : f32
        %broadcast_in_dim3A_485 = vector.broadcast %broadcast_in_dim3A_484 : f32 to vector<16xf32>
        %broadcast_in_dim3A_486 = arith.constant 0.000000e+00 : f32
        %broadcast_in_dim3A_487 = vector.broadcast %broadcast_in_dim3A_486 : f32 to vector<16xf32>
        %broadcast_in_dim3A_488 = arith.constant 0.000000e+00 : f32
        %broadcast_in_dim3A_489 = vector.broadcast %broadcast_in_dim3A_488 : f32 to vector<16xf32>
        %get3A = arith.index_cast %scan3A_480 : i32 to index
        %get3A_490 = arith.constant 0 : index
        %get3A_491 = tpu.vector_load %arg14[%get3A, %get3A_490] {strides = array<i32>} : memref<8x512xf32, #tpu.memory_space<vmem>>, vector<16xf32>,
        %get3A_492 = arith.index_cast %scan3A_480 : i32 to index
        %get3A_493 = arith.constant 0 : index
        %get3A_494 = tpu.vector_load %arg18[%get3A_492, %get3A_493] {strides = array<i32>} : memref<8x512xf32, #tpu.memory_space<vmem>>, vector<16xf32>,
        %sub3A_495 = arith.subf %get3A_491, %get3A_494 : vector<16xf32>
        %mul3A_496 = arith.mulf %sub3A_495, %sub3A_495 : vector<16xf32>
        %add3A_497 = arith.addf %broadcast_in_dim3A_483, %mul3A_496 : vector<16xf32>
        %get3A_498 = arith.index_cast %scan3A_480 : i32 to index
        %get3A_499 = arith.constant 16 : index
        %get3A_500 = tpu.vector_load %arg14[%get3A_498, %get3A_499] {strides = array<i32>} : memref<8x512xf32, #tpu.memory_space<vmem>>, vector<16xf32>,
        %get3A_501 = arith.index_cast %scan3A_480 : i32 to index
        %get3A_502 = arith.constant 16 : index
        %get3A_503 = tpu.vector_load %arg18[%get3A_501, %get3A_502] {strides = array<i32>} : memref<8x512xf32, #tpu.memory_space<vmem>>, vector<16xf32>,
        %sub3A_504 = arith.subf %get3A_500, %get3A_503 : vector<16xf32>
        %mul3A_505 = arith.mulf %sub3A_504, %sub3A_504 : vector<16xf32>
        %add3A_506 = arith.addf %broadcast_in_dim3A_485, %mul3A_505 : vector<16xf32>
        %get3A_507 = arith.index_cast %scan3A_480 : i32 to index
        %get3A_508 = arith.constant 32 : index
        %get3A_509 = tpu.vector_load %arg14[%get3A_507, %get3A_508] {strides = array<i32>} : memref<8x512xf32, #tpu.memory_space<vmem>>, vector<16xf32>,
        %get3A_510 = arith.index_cast %scan3A_480 : i32 to index
        %get3A_511 = arith.constant 32 : index
        %get3A_512 = tpu.vector_load %arg18[%get3A_510, %get3A_511] {strides = array<i32>} : memref<8x512xf32, #tpu.memory_space<vmem>>, vector<16xf32>,
        %sub3A_513 = arith.subf %get3A_509, %get3A_512 : vector<16xf32>
        %mul3A_514 = arith.mulf %sub3A_513, %sub3A_513 : vector<16xf32>
        %add3A_515 = arith.addf %broadcast_in_dim3A_487, %mul3A_514 : vector<16xf32>
        %get3A_516 = arith.index_cast %scan3A_480 : i32 to index
        %get3A_517 = arith.constant 48 : index
        %get3A_518 = tpu.vector_load %arg14[%get3A_516, %get3A_517] {strides = array<i32>} : memref<8x512xf32, #tpu.memory_space<vmem>>, vector<16xf32>,
        %get3A_519 = arith.index_cast %scan3A_480 : i32 to index
        %get3A_520 = arith.constant 48 : index
        %get3A_521 = tpu.vector_load %arg18[%get3A_519, %get3A_520] {strides = array<i32>} : memref<8x512xf32, #tpu.memory_space<vmem>>, vector<16xf32>,
        %sub3A_522 = arith.subf %get3A_518, %get3A_521 : vector<16xf32>
        %mul3A_523 = arith.mulf %sub3A_522, %sub3A_522 : vector<16xf32>
        %add3A_524 = arith.addf %broadcast_in_dim3A_489, %mul3A_523 : vector<16xf32>
        %get3A_525 = arith.index_cast %scan3A_480 : i32 to index
        %get3A_526 = arith.constant 64 : index
        %get3A_527 = tpu.vector_load %arg14[%get3A_525, %get3A_526] {strides = array<i32>} : memref<8x512xf32, #tpu.memory_space<vmem>>, vector<16xf32>,
        %get3A_528 = arith.index_cast %scan3A_480 : i32 to index
        %get3A_529 = arith.constant 64 : index
        %get3A_530 = tpu.vector_load %arg18[%get3A_528, %get3A_529] {strides = array<i32>} : memref<8x512xf32, #tpu.memory_space<vmem>>, vector<16xf32>,
        %sub3A_531 = arith.subf %get3A_527, %get3A_530 : vector<16xf32>
        %mul3A_532 = arith.mulf %sub3A_531, %sub3A_531 : vector<16xf32>
        %add3A_533 = arith.addf %add3A_497, %mul3A_532 : vector<16xf32>
        %get3A_534 = arith.index_cast %scan3A_480 : i32 to index
        %get3A_535 = arith.constant 80 : index
        %get3A_536 = tpu.vector_load %arg14[%get3A_534, %get3A_535] {strides = array<i32>} : memref<8x512xf32, #tpu.memory_space<vmem>>, vector<16xf32>,
        %get3A_537 = arith.index_cast %scan3A_480 : i32 to index
        %get3A_538 = arith.constant 80 : index
        %get3A_539 = tpu.vector_load %arg18[%get3A_537, %get3A_538] {strides = array<i32>} : memref<8x512xf32, #tpu.memory_space<vmem>>, vector<16xf32>,
        %sub3A_540 = arith.subf %get3A_536, %get3A_539 : vector<16xf32>
        %mul3A_541 = arith.mulf %sub3A_540, %sub3A_540 : vector<16xf32>
        %add3A_542 = arith.addf %add3A_506, %mul3A_541 : vector<16xf32>
        %get3A_543 = arith.index_cast %scan3A_480 : i32 to index
        %get3A_544 = arith.constant 96 : index
        %get3A_545 = tpu.vector_load %arg14[%get3A_543, %get3A_544] {strides = array<i32>} : memref<8x512xf32, #tpu.memory_space<vmem>>, vector<16xf32>,
        %get3A_546 = arith.index_cast %scan3A_480 : i32 to index
        %get3A_547 = arith.constant 96 : index
        %get3A_548 = tpu.vector_load %arg18[%get3A_546, %get3A_547] {strides = array<i32>} : memref<8x512xf32, #tpu.memory_space<vmem>>, vector<16xf32>,
        %sub3A_549 = arith.subf %get3A_545, %get3A_548 : vector<16xf32>
        %mul3A_550 = arith.mulf %sub3A_549, %sub3A_549 : vector<16xf32>
        %add3A_551 = arith.addf %add3A_515, %mul3A_550 : vector<16xf32>
        %get3A_552 = arith.index_cast %scan3A_480 : i32 to index
        %get3A_553 = arith.constant 112 : index
        %get3A_554 = tpu.vector_load %arg14[%get3A_552, %get3A_553] {strides = array<i32>} : memref<8x512xf32, #tpu.memory_space<vmem>>, vector<16xf32>,
        %get3A_555 = arith.index_cast %scan3A_480 : i32 to index
        %get3A_556 = arith.constant 112 : index
        %get3A_557 = tpu.vector_load %arg18[%get3A_555, %get3A_556] {strides = array<i32>} : memref<8x512xf32, #tpu.memory_space<vmem>>, vector<16xf32>,
        %sub3A_558 = arith.subf %get3A_554, %get3A_557 : vector<16xf32>
        %mul3A_559 = arith.mulf %sub3A_558, %sub3A_558 : vector<16xf32>
        %add3A_560 = arith.addf %add3A_524, %mul3A_559 : vector<16xf32>
        %get3A_561 = arith.index_cast %scan3A_480 : i32 to index
        %get3A_562 = arith.constant 128 : index
        %get3A_563 = tpu.vector_load %arg14[%get3A_561, %get3A_562] {strides = array<i32>} : memref<8x512xf32, #tpu.memory_space<vmem>>, vector<16xf32>,
        %get3A_564 = arith.index_cast %scan3A_480 : i32 to index
        %get3A_565 = arith.constant 128 : index
        %get3A_566 = tpu.vector_load %arg18[%get3A_564, %get3A_565] {strides = array<i32>} : memref<8x512xf32, #tpu.memory_space<vmem>>, vector<16xf32>,
        %sub3A_567 = arith.subf %get3A_563, %get3A_566 : vector<16xf32>
        %mul3A_568 = arith.mulf %sub3A_567, %sub3A_567 : vector<16xf32>
        %add3A_569 = arith.addf %add3A_533, %mul3A_568 : vector<16xf32>
        %get3A_570 = arith.index_cast %scan3A_480 : i32 to index
        %get3A_571 = arith.constant 144 : index
        %get3A_572 = tpu.vector_load %arg14[%get3A_570, %get3A_571] {strides = array<i32>} : memref<8x512xf32, #tpu.memory_space<vmem>>, vector<16xf32>,
        %get3A_573 = arith.index_cast %scan3A_480 : i32 to index
        %get3A_574 = arith.constant 144 : index
        %get3A_575 = tpu.vector_load %arg18[%get3A_573, %get3A_574] {strides = array<i32>} : memref<8x512xf32, #tpu.memory_space<vmem>>, vector<16xf32>,
        %sub3A_576 = arith.subf %get3A_572, %get3A_575 : vector<16xf32>
        %mul3A_577 = arith.mulf %sub3A_576, %sub3A_576 : vector<16xf32>
        %add3A_578 = arith.addf %add3A_542, %mul3A_577 : vector<16xf32>
        %get3A_579 = arith.index_cast %scan3A_480 : i32 to index
        %get3A_580 = arith.constant 160 : index
        %get3A_581 = tpu.vector_load %arg14[%get3A_579, %get3A_580] {strides = array<i32>} : memref<8x512xf32, #tpu.memory_space<vmem>>, vector<16xf32>,
        %get3A_582 = arith.index_cast %scan3A_480 : i32 to index
        %get3A_583 = arith.constant 160 : index
        %get3A_584 = tpu.vector_load %arg18[%get3A_582, %get3A_583] {strides = array<i32>} : memref<8x512xf32, #tpu.memory_space<vmem>>, vector<16xf32>,
        %sub3A_585 = arith.subf %get3A_581, %get3A_584 : vector<16xf32>
        %mul3A_586 = arith.mulf %sub3A_585, %sub3A_585 : vector<16xf32>
        %add3A_587 = arith.addf %add3A_551, %mul3A_586 : vector<16xf32>
        %get3A_588 = arith.index_cast %scan3A_480 : i32 to index
        %get3A_589 = arith.constant 176 : index
        %get3A_590 = tpu.vector_load %arg14[%get3A_588, %get3A_589] {strides = array<i32>} : memref<8x512xf32, #tpu.memory_space<vmem>>, vector<16xf32>,
        %get3A_591 = arith.index_cast %scan3A_480 : i32 to index
        %get3A_592 = arith.constant 176 : index
        %get3A_593 = tpu.vector_load %arg18[%get3A_591, %get3A_592] {strides = array<i32>} : memref<8x512xf32, #tpu.memory_space<vmem>>, vector<16xf32>,
        %sub3A_594 = arith.subf %get3A_590, %get3A_593 : vector<16xf32>
        %mul3A_595 = arith.mulf %sub3A_594, %sub3A_594 : vector<16xf32>
        %add3A_596 = arith.addf %add3A_560, %mul3A_595 : vector<16xf32>
        %get3A_597 = arith.index_cast %scan3A_480 : i32 to index
        %get3A_598 = arith.constant 192 : index
        %get3A_599 = tpu.vector_load %arg14[%get3A_597, %get3A_598] {strides = array<i32>} : memref<8x512xf32, #tpu.memory_space<vmem>>, vector<16xf32>,
        %get3A_600 = arith.index_cast %scan3A_480 : i32 to index
        %get3A_601 = arith.constant 192 : index
        %get3A_602 = tpu.vector_load %arg18[%get3A_600, %get3A_601] {strides = array<i32>} : memref<8x512xf32, #tpu.memory_space<vmem>>, vector<16xf32>,
        %sub3A_603 = arith.subf %get3A_599, %get3A_602 : vector<16xf32>
        %mul3A_604 = arith.mulf %sub3A_603, %sub3A_603 : vector<16xf32>
        %add3A_605 = arith.addf %add3A_569, %mul3A_604 : vector<16xf32>
        %get3A_606 = arith.index_cast %scan3A_480 : i32 to index
        %get3A_607 = arith.constant 208 : index
        %get3A_608 = tpu.vector_load %arg14[%get3A_606, %get3A_607] {strides = array<i32>} : memref<8x512xf32, #tpu.memory_space<vmem>>, vector<16xf32>,
        %get3A_609 = arith.index_cast %scan3A_480 : i32 to index
        %get3A_610 = arith.constant 208 : index
        %get3A_611 = tpu.vector_load %arg18[%get3A_609, %get3A_610] {strides = array<i32>} : memref<8x512xf32, #tpu.memory_space<vmem>>, vector<16xf32>,
        %sub3A_612 = arith.subf %get3A_608, %get3A_611 : vector<16xf32>
        %mul3A_613 = arith.mulf %sub3A_612, %sub3A_612 : vector<16xf32>
        %add3A_614 = arith.addf %add3A_578, %mul3A_613 : vector<16xf32>
        %get3A_615 = arith.index_cast %scan3A_480 : i32 to index
        %get3A_616 = arith.constant 224 : index
        %get3A_617 = tpu.vector_load %arg14[%get3A_615, %get3A_616] {strides = array<i32>} : memref<8x512xf32, #tpu.memory_space<vmem>>, vector<16xf32>,
        %get3A_618 = arith.index_cast %scan3A_480 : i32 to index
        %get3A_619 = arith.constant 224 : index
        %get3A_620 = tpu.vector_load %arg18[%get3A_618, %get3A_619] {strides = array<i32>} : memref<8x512xf32, #tpu.memory_space<vmem>>, vector<16xf32>,
        %sub3A_621 = arith.subf %get3A_617, %get3A_620 : vector<16xf32>
        %mul3A_622 = arith.mulf %sub3A_621, %sub3A_621 : vector<16xf32>
        %add3A_623 = arith.addf %add3A_587, %mul3A_622 : vector<16xf32>
        %get3A_624 = arith.index_cast %scan3A_480 : i32 to index
        %get3A_625 = arith.constant 240 : index
        %get3A_626 = tpu.vector_load %arg14[%get3A_624, %get3A_625] {strides = array<i32>} : memref<8x512xf32, #tpu.memory_space<vmem>>, vector<16xf32>,
        %get3A_627 = arith.index_cast %scan3A_480 : i32 to index
        %get3A_628 = arith.constant 240 : index
        %get3A_629 = tpu.vector_load %arg18[%get3A_627, %get3A_628] {strides = array<i32>} : memref<8x512xf32, #tpu.memory_space<vmem>>, vector<16xf32>,
        %sub3A_630 = arith.subf %get3A_626, %get3A_629 : vector<16xf32>
        %mul3A_631 = arith.mulf %sub3A_630, %sub3A_630 : vector<16xf32>
        %add3A_632 = arith.addf %add3A_596, %mul3A_631 : vector<16xf32>
        %get3A_633 = arith.index_cast %scan3A_480 : i32 to index
        %get3A_634 = arith.constant 256 : index
        %get3A_635 = tpu.vector_load %arg14[%get3A_633, %get3A_634] {strides = array<i32>} : memref<8x512xf32, #tpu.memory_space<vmem>>, vector<16xf32>,
        %get3A_636 = arith.index_cast %scan3A_480 : i32 to index
        %get3A_637 = arith.constant 256 : index
        %get3A_638 = tpu.vector_load %arg18[%get3A_636, %get3A_637] {strides = array<i32>} : memref<8x512xf32, #tpu.memory_space<vmem>>, vector<16xf32>,
        %sub3A_639 = arith.subf %get3A_635, %get3A_638 : vector<16xf32>
        %mul3A_640 = arith.mulf %sub3A_639, %sub3A_639 : vector<16xf32>
        %add3A_641 = arith.addf %add3A_605, %mul3A_640 : vector<16xf32>
        %get3A_642 = arith.index_cast %scan3A_480 : i32 to index
        %get3A_643 = arith.constant 272 : index
        %get3A_644 = tpu.vector_load %arg14[%get3A_642, %get3A_643] {strides = array<i32>} : memref<8x512xf32, #tpu.memory_space<vmem>>, vector<16xf32>,
        %get3A_645 = arith.index_cast %scan3A_480 : i32 to index
        %get3A_646 = arith.constant 272 : index
        %get3A_647 = tpu.vector_load %arg18[%get3A_645, %get3A_646] {strides = array<i32>} : memref<8x512xf32, #tpu.memory_space<vmem>>, vector<16xf32>,
        %sub3A_648 = arith.subf %get3A_644, %get3A_647 : vector<16xf32>
        %mul3A_649 = arith.mulf %sub3A_648, %sub3A_648 : vector<16xf32>
        %add3A_650 = arith.addf %add3A_614, %mul3A_649 : vector<16xf32>
        %get3A_651 = arith.index_cast %scan3A_480 : i32 to index
        %get3A_652 = arith.constant 288 : index
        %get3A_653 = tpu.vector_load %arg14[%get3A_651, %get3A_652] {strides = array<i32>} : memref<8x512xf32, #tpu.memory_space<vmem>>, vector<16xf32>,
        %get3A_654 = arith.index_cast %scan3A_480 : i32 to index
        %get3A_655 = arith.constant 288 : index
        %get3A_656 = tpu.vector_load %arg18[%get3A_654, %get3A_655] {strides = array<i32>} : memref<8x512xf32, #tpu.memory_space<vmem>>, vector<16xf32>,
        %sub3A_657 = arith.subf %get3A_653, %get3A_656 : vector<16xf32>
        %mul3A_658 = arith.mulf %sub3A_657, %sub3A_657 : vector<16xf32>
        %add3A_659 = arith.addf %add3A_623, %mul3A_658 : vector<16xf32>
        %get3A_660 = arith.index_cast %scan3A_480 : i32 to index
        %get3A_661 = arith.constant 304 : index
        %get3A_662 = tpu.vector_load %arg14[%get3A_660, %get3A_661] {strides = array<i32>} : memref<8x512xf32, #tpu.memory_space<vmem>>, vector<16xf32>,
        %get3A_663 = arith.index_cast %scan3A_480 : i32 to index
        %get3A_664 = arith.constant 304 : index
        %get3A_665 = tpu.vector_load %arg18[%get3A_663, %get3A_664] {strides = array<i32>} : memref<8x512xf32, #tpu.memory_space<vmem>>, vector<16xf32>,
        %sub3A_666 = arith.subf %get3A_662, %get3A_665 : vector<16xf32>
        %mul3A_667 = arith.mulf %sub3A_666, %sub3A_666 : vector<16xf32>
        %add3A_668 = arith.addf %add3A_632, %mul3A_667 : vector<16xf32>
        %get3A_669 = arith.index_cast %scan3A_480 : i32 to index
        %get3A_670 = arith.constant 320 : index
        %get3A_671 = tpu.vector_load %arg14[%get3A_669, %get3A_670] {strides = array<i32>} : memref<8x512xf32, #tpu.memory_space<vmem>>, vector<16xf32>,
        %get3A_672 = arith.index_cast %scan3A_480 : i32 to index
        %get3A_673 = arith.constant 320 : index
        %get3A_674 = tpu.vector_load %arg18[%get3A_672, %get3A_673] {strides = array<i32>} : memref<8x512xf32, #tpu.memory_space<vmem>>, vector<16xf32>,
        %sub3A_675 = arith.subf %get3A_671, %get3A_674 : vector<16xf32>
        %mul3A_676 = arith.mulf %sub3A_675, %sub3A_675 : vector<16xf32>
        %add3A_677 = arith.addf %add3A_641, %mul3A_676 : vector<16xf32>
        %get3A_678 = arith.index_cast %scan3A_480 : i32 to index
        %get3A_679 = arith.constant 336 : index
        %get3A_680 = tpu.vector_load %arg14[%get3A_678, %get3A_679] {strides = array<i32>} : memref<8x512xf32, #tpu.memory_space<vmem>>, vector<16xf32>,
        %get3A_681 = arith.index_cast %scan3A_480 : i32 to index
        %get3A_682 = arith.constant 336 : index
        %get3A_683 = tpu.vector_load %arg18[%get3A_681, %get3A_682] {strides = array<i32>} : memref<8x512xf32, #tpu.memory_space<vmem>>, vector<16xf32>,
        %sub3A_684 = arith.subf %get3A_680, %get3A_683 : vector<16xf32>
        %mul3A_685 = arith.mulf %sub3A_684, %sub3A_684 : vector<16xf32>
        %add3A_686 = arith.addf %add3A_650, %mul3A_685 : vector<16xf32>
        %get3A_687 = arith.index_cast %scan3A_480 : i32 to index
        %get3A_688 = arith.constant 352 : index
        %get3A_689 = tpu.vector_load %arg14[%get3A_687, %get3A_688] {strides = array<i32>} : memref<8x512xf32, #tpu.memory_space<vmem>>, vector<16xf32>,
        %get3A_690 = arith.index_cast %scan3A_480 : i32 to index
        %get3A_691 = arith.constant 352 : index
        %get3A_692 = tpu.vector_load %arg18[%get3A_690, %get3A_691] {strides = array<i32>} : memref<8x512xf32, #tpu.memory_space<vmem>>, vector<16xf32>,
        %sub3A_693 = arith.subf %get3A_689, %get3A_692 : vector<16xf32>
        %mul3A_694 = arith.mulf %sub3A_693, %sub3A_693 : vector<16xf32>
        %add3A_695 = arith.addf %add3A_659, %mul3A_694 : vector<16xf32>
        %get3A_696 = arith.index_cast %scan3A_480 : i32 to index
        %get3A_697 = arith.constant 368 : index
        %get3A_698 = tpu.vector_load %arg14[%get3A_696, %get3A_697] {strides = array<i32>} : memref<8x512xf32, #tpu.memory_space<vmem>>, vector<16xf32>,
        %get3A_699 = arith.index_cast %scan3A_480 : i32 to index
        %get3A_700 = arith.constant 368 : index
        %get3A_701 = tpu.vector_load %arg18[%get3A_699, %get3A_700] {strides = array<i32>} : memref<8x512xf32, #tpu.memory_space<vmem>>, vector<16xf32>,
        %sub3A_702 = arith.subf %get3A_698, %get3A_701 : vector<16xf32>
        %mul3A_703 = arith.mulf %sub3A_702, %sub3A_702 : vector<16xf32>
        %add3A_704 = arith.addf %add3A_668, %mul3A_703 : vector<16xf32>
        %get3A_705 = arith.index_cast %scan3A_480 : i32 to index
        %get3A_706 = arith.constant 384 : index
        %get3A_707 = tpu.vector_load %arg14[%get3A_705, %get3A_706] {strides = array<i32>} : memref<8x512xf32, #tpu.memory_space<vmem>>, vector<16xf32>,
        %get3A_708 = arith.index_cast %scan3A_480 : i32 to index
        %get3A_709 = arith.constant 384 : index
        %get3A_710 = tpu.vector_load %arg18[%get3A_708, %get3A_709] {strides = array<i32>} : memref<8x512xf32, #tpu.memory_space<vmem>>, vector<16xf32>,
        %sub3A_711 = arith.subf %get3A_707, %get3A_710 : vector<16xf32>
        %mul3A_712 = arith.mulf %sub3A_711, %sub3A_711 : vector<16xf32>
        %add3A_713 = arith.addf %add3A_677, %mul3A_712 : vector<16xf32>
        %get3A_714 = arith.index_cast %scan3A_480 : i32 to index
        %get3A_715 = arith.constant 400 : index
        %get3A_716 = tpu.vector_load %arg14[%get3A_714, %get3A_715] {strides = array<i32>} : memref<8x512xf32, #tpu.memory_space<vmem>>, vector<16xf32>,
        %get3A_717 = arith.index_cast %scan3A_480 : i32 to index
        %get3A_718 = arith.constant 400 : index
        %get3A_719 = tpu.vector_load %arg18[%get3A_717, %get3A_718] {strides = array<i32>} : memref<8x512xf32, #tpu.memory_space<vmem>>, vector<16xf32>,
        %sub3A_720 = arith.subf %get3A_716, %get3A_719 : vector<16xf32>
        %mul3A_721 = arith.mulf %sub3A_720, %sub3A_720 : vector<16xf32>
        %add3A_722 = arith.addf %add3A_686, %mul3A_721 : vector<16xf32>
        %get3A_723 = arith.index_cast %scan3A_480 : i32 to index
        %get3A_724 = arith.constant 416 : index
        %get3A_725 = tpu.vector_load %arg14[%get3A_723, %get3A_724] {strides = array<i32>} : memref<8x512xf32, #tpu.memory_space<vmem>>, vector<16xf32>,
        %get3A_726 = arith.index_cast %scan3A_480 : i32 to index
        %get3A_727 = arith.constant 416 : index
        %get3A_728 = tpu.vector_load %arg18[%get3A_726, %get3A_727] {strides = array<i32>} : memref<8x512xf32, #tpu.memory_space<vmem>>, vector<16xf32>,
        %sub3A_729 = arith.subf %get3A_725, %get3A_728 : vector<16xf32>
        %mul3A_730 = arith.mulf %sub3A_729, %sub3A_729 : vector<16xf32>
        %add3A_731 = arith.addf %add3A_695, %mul3A_730 : vector<16xf32>
        %get3A_732 = arith.index_cast %scan3A_480 : i32 to index
        %get3A_733 = arith.constant 432 : index
        %get3A_734 = tpu.vector_load %arg14[%get3A_732, %get3A_733] {strides = array<i32>} : memref<8x512xf32, #tpu.memory_space<vmem>>, vector<16xf32>,
        %get3A_735 = arith.index_cast %scan3A_480 : i32 to index
        %get3A_736 = arith.constant 432 : index
        %get3A_737 = tpu.vector_load %arg18[%get3A_735, %get3A_736] {strides = array<i32>} : memref<8x512xf32, #tpu.memory_space<vmem>>, vector<16xf32>,
        %sub3A_738 = arith.subf %get3A_734, %get3A_737 : vector<16xf32>
        %mul3A_739 = arith.mulf %sub3A_738, %sub3A_738 : vector<16xf32>
        %add3A_740 = arith.addf %add3A_704, %mul3A_739 : vector<16xf32>
        %get3A_741 = arith.index_cast %scan3A_480 : i32 to index
        %get3A_742 = arith.constant 448 : index
        %get3A_743 = tpu.vector_load %arg14[%get3A_741, %get3A_742] {strides = array<i32>} : memref<8x512xf32, #tpu.memory_space<vmem>>, vector<16xf32>,
        %get3A_744 = arith.index_cast %scan3A_480 : i32 to index
        %get3A_745 = arith.constant 448 : index
        %get3A_746 = tpu.vector_load %arg18[%get3A_744, %get3A_745] {strides = array<i32>} : memref<8x512xf32, #tpu.memory_space<vmem>>, vector<16xf32>,
        %sub3A_747 = arith.subf %get3A_743, %get3A_746 : vector<16xf32>
        %mul3A_748 = arith.mulf %sub3A_747, %sub3A_747 : vector<16xf32>
        %add3A_749 = arith.addf %add3A_713, %mul3A_748 : vector<16xf32>
        %get3A_750 = arith.index_cast %scan3A_480 : i32 to index
        %get3A_751 = arith.constant 464 : index
        %get3A_752 = tpu.vector_load %arg14[%get3A_750, %get3A_751] {strides = array<i32>} : memref<8x512xf32, #tpu.memory_space<vmem>>, vector<16xf32>,
        %get3A_753 = arith.index_cast %scan3A_480 : i32 to index
        %get3A_754 = arith.constant 464 : index
        %get3A_755 = tpu.vector_load %arg18[%get3A_753, %get3A_754] {strides = array<i32>} : memref<8x512xf32, #tpu.memory_space<vmem>>, vector<16xf32>,
        %sub3A_756 = arith.subf %get3A_752, %get3A_755 : vector<16xf32>
        %mul3A_757 = arith.mulf %sub3A_756, %sub3A_756 : vector<16xf32>
        %add3A_758 = arith.addf %add3A_722, %mul3A_757 : vector<16xf32>
        %get3A_759 = arith.index_cast %scan3A_480 : i32 to index
        %get3A_760 = arith.constant 480 : index
        %get3A_761 = tpu.vector_load %arg14[%get3A_759, %get3A_760] {strides = array<i32>} : memref<8x512xf32, #tpu.memory_space<vmem>>, vector<16xf32>,
        %get3A_762 = arith.index_cast %scan3A_480 : i32 to index
        %get3A_763 = arith.constant 480 : index
        %get3A_764 = tpu.vector_load %arg18[%get3A_762, %get3A_763] {strides = array<i32>} : memref<8x512xf32, #tpu.memory_space<vmem>>, vector<16xf32>,
        %sub3A_765 = arith.subf %get3A_761, %get3A_764 : vector<16xf32>
        %mul3A_766 = arith.mulf %sub3A_765, %sub3A_765 : vector<16xf32>
        %add3A_767 = arith.addf %add3A_731, %mul3A_766 : vector<16xf32>
        %get3A_768 = arith.index_cast %scan3A_480 : i32 to index
        %get3A_769 = arith.constant 496 : index
        %get3A_770 = tpu.vector_load %arg14[%get3A_768, %get3A_769] {strides = array<i32>} : memref<8x512xf32, #tpu.memory_space<vmem>>, vector<16xf32>,
        %get3A_771 = arith.index_cast %scan3A_480 : i32 to index
        %get3A_772 = arith.constant 496 : index
        %get3A_773 = tpu.vector_load %arg18[%get3A_771, %get3A_772] {strides = array<i32>} : memref<8x512xf32, #tpu.memory_space<vmem>>, vector<16xf32>,
        %sub3A_774 = arith.subf %get3A_770, %get3A_773 : vector<16xf32>
        %mul3A_775 = arith.mulf %sub3A_774, %sub3A_774 : vector<16xf32>
        %add3A_776 = arith.addf %add3A_740, %mul3A_775 : vector<16xf32>
        %add3A_777 = arith.addf %add3A_749, %add3A_758 : vector<16xf32>
        %add3A_778 = arith.addf %add3A_767, %add3A_776 : vector<16xf32>
        %add3A_779 = arith.addf %add3A_777, %add3A_778 : vector<16xf32>
        %mul3A_780 = arith.constant 8 : i32
        %mul3A_781 = arith.muli %add3A_375, %mul3A_780 : i32
        %broadcast_in_dim3A_782 = vector.broadcast %mul3A_781 : i32 to vector<16xi32>
        %add3A_783 = vector.broadcast %scan3A_480 : i32 to vector<16xi32>
        %add3A_784 = arith.addi %broadcast_in_dim3A_782, %add3A_783 : vector<16xi32>
        %gather3A = tpu.vector_load_idx %arg13[%add3A_784] : memref<512xf32, #tpu.memory_space<vmem>>[vector<16xi32>], vector<16xf32>,
        %mul3A_785 = arith.mulf %add3A_779, %gather3A : vector<16xf32>
        %add3A_786 = arith.addf %scan3A_481, %mul3A_785 : vector<16xf32>
        scf.yield %add3A_786 : vector<16xf32>
      }
      %scan3A_395 = arith.constant 8 : i32
      %mul3A_396 = arith.constant 4 : i32
      %mul3A_397 = arith.muli %scan3A_370, %mul3A_396 : i32
      %add3A_398 = arith.constant 1 : i32
      %add3A_399 = arith.addi %mul3A_397, %add3A_398 : i32
      %add3A_400 = arith.constant 4 : i32
      %add3A_401 = arith.addi %add3A_399, %add3A_400 : i32
      %sub3A_402 = arith.constant 1 : i32
      %sub3A_403 = arith.subi %add3A_401, %sub3A_402 : i32
      %lt3A_404 = arith.constant 64 : i32
      %lt3A_405 = arith.cmpi slt, %sub3A_403, %lt3A_404 : i32
      %convert_element_type3A_406 = arith.extui %lt3A_405 : i1 to i32
      %cond3A_407 = arith.constant 0 : i32
      %cond3A_408 = arith.cmpi ne, %convert_element_type3A_406, %cond3A_407 : i32
      scf.if %cond3A_408 {
        %mul3A_480 = arith.constant 8 : i32
        %mul3A_481 = arith.muli %sub3A_403, %mul3A_480 : i32
        %add3A_482 = arith.addi %mul3A_2, %mul3A_481 : i32
        %dma_start3A_483 = arith.constant 0 : i32
        %dma_start3A_484 = tpu.memref_slice %arg2[%add3A_482, %dma_start3A_483] : memref<16384x512xf32, #tpu.memory_space<hbm>> -> memref<8x512xf32, #tpu.memory_space<hbm>>
        %dma_start3A_485 = arith.constant 0 : i32
        %dma_start3A_486 = tpu.memref_slice %arg2[%add3A_482, %dma_start3A_485] : memref<16384x512xf32, #tpu.memory_space<hbm>> -> memref<8x512xf32, #tpu.memory_space<hbm>>
        tpu.enqueue_dma source(%dma_start3A_486 : memref<8x512xf32, #tpu.memory_space<hbm>>) target(%arg14 : memref<8x512xf32, #tpu.memory_space<vmem>>) target_semaphore(%arg24 : memref<!tpu.dma_semaphore, #tpu.memory_space<semaphore_mem>>)
        %mul3A_487 = arith.constant 8 : i32
        %mul3A_488 = arith.muli %sub3A_403, %mul3A_487 : i32
        %dma_start3A_489 = tpu.memref_slice %arg11[%mul3A_488] : memref<512xi32, #tpu.memory_space<vmem>> -> memref<8xi32, #tpu.memory_space<vmem>>
        %dma_start3A_490 = arith.constant 0 : i32
        %dma_start3A_491 = arith.constant 0 : i32
        %dma_start3A_492 = tpu.memref_slice %arg4[%dma_start3A_490, %dma_start3A_491] : memref<10000x512xf32, #tpu.memory_space<hbm>> -> memref<10000x512xf32, #tpu.memory_space<hbm>>
        tpu.enqueue_indirect_dma source(%dma_start3A_492 : memref<10000x512xf32, #tpu.memory_space<hbm>>) target(%arg18 : memref<8x512xf32, #tpu.memory_space<vmem>>) offsets(%dma_start3A_489 : memref<8xi32, #tpu.memory_space<vmem>>) semaphore(%arg28 : memref<!tpu.dma_semaphore, #tpu.memory_space<semaphore_mem>>)
      } else {
      }
      %dma_wait3A_409 = arith.constant 0 : i32
      %dma_wait3A_410 = tpu.memref_slice %arg2[%mul3A_2, %dma_wait3A_409] : memref<16384x512xf32, #tpu.memory_space<hbm>> -> memref<8x512xf32, #tpu.memory_space<hbm>>
      %dma_wait3A_411 = arith.constant 0 : i32
      %dma_wait3A_412 = tpu.memref_slice %arg2[%mul3A_2, %dma_wait3A_411] : memref<16384x512xf32, #tpu.memory_space<hbm>> -> memref<8x512xf32, #tpu.memory_space<hbm>>
      tpu.wait_dma2 semaphore(%arg25 : memref<!tpu.dma_semaphore, #tpu.memory_space<semaphore_mem>>) src(%dma_wait3A_412 : memref<8x512xf32, #tpu.memory_space<hbm>>) dst(%arg15 : memref<8x512xf32, #tpu.memory_space<vmem>>)
      %dma_wait3A_413 = arith.constant 0 : i32
      %dma_wait3A_414 = tpu.memref_slice %arg11[%dma_wait3A_413] : memref<512xi32, #tpu.memory_space<vmem>> -> memref<8xi32, #tpu.memory_space<vmem>>
      %dma_wait3A_415 = arith.constant 0 : i32
      %dma_wait3A_416 = arith.constant 0 : i32
      %dma_wait3A_417 = tpu.memref_slice %arg4[%dma_wait3A_415, %dma_wait3A_416] : memref<10000x512xf32, #tpu.memory_space<hbm>> -> memref<10000x512xf32, #tpu.memory_space<hbm>>
      tpu.wait_indirect_dma semaphore(%arg29 : memref<!tpu.dma_semaphore, #tpu.memory_space<semaphore_mem>>) src(%dma_wait3A_417 : memref<10000x512xf32, #tpu.memory_space<hbm>>) dst(%arg19 : memref<8x512xf32, #tpu.memory_space<vmem>>)
      %scan3A_418 = arith.constant 0 : i32
      %scan3A_419 = arith.constant 8 : i32
      %scan3A_420 = arith.addi %scan3A_418, %scan3A_419 : i32
      %scan3A_421 = arith.constant 1 : i32
      %scan3A_422 = scf.for %scan3A_480 = %scan3A_418 to %scan3A_420 step %scan3A_421 iter_args(%scan3A_481 = %scan3A_394) -> (vector<16xf32>)  : i32 {
        %broadcast_in_dim3A_482 = arith.constant 0.000000e+00 : f32
        %broadcast_in_dim3A_483 = vector.broadcast %broadcast_in_dim3A_482 : f32 to vector<16xf32>
        %broadcast_in_dim3A_484 = arith.constant 0.000000e+00 : f32
        %broadcast_in_dim3A_485 = vector.broadcast %broadcast_in_dim3A_484 : f32 to vector<16xf32>
        %broadcast_in_dim3A_486 = arith.constant 0.000000e+00 : f32
        %broadcast_in_dim3A_487 = vector.broadcast %broadcast_in_dim3A_486 : f32 to vector<16xf32>
        %broadcast_in_dim3A_488 = arith.constant 0.000000e+00 : f32
        %broadcast_in_dim3A_489 = vector.broadcast %broadcast_in_dim3A_488 : f32 to vector<16xf32>
        %get3A = arith.index_cast %scan3A_480 : i32 to index
        %get3A_490 = arith.constant 0 : index
        %get3A_491 = tpu.vector_load %arg15[%get3A, %get3A_490] {strides = array<i32>} : memref<8x512xf32, #tpu.memory_space<vmem>>, vector<16xf32>,
        %get3A_492 = arith.index_cast %scan3A_480 : i32 to index
        %get3A_493 = arith.constant 0 : index
        %get3A_494 = tpu.vector_load %arg19[%get3A_492, %get3A_493] {strides = array<i32>} : memref<8x512xf32, #tpu.memory_space<vmem>>, vector<16xf32>,
        %sub3A_495 = arith.subf %get3A_491, %get3A_494 : vector<16xf32>
        %mul3A_496 = arith.mulf %sub3A_495, %sub3A_495 : vector<16xf32>
        %add3A_497 = arith.addf %broadcast_in_dim3A_483, %mul3A_496 : vector<16xf32>
        %get3A_498 = arith.index_cast %scan3A_480 : i32 to index
        %get3A_499 = arith.constant 16 : index
        %get3A_500 = tpu.vector_load %arg15[%get3A_498, %get3A_499] {strides = array<i32>} : memref<8x512xf32, #tpu.memory_space<vmem>>, vector<16xf32>,
        %get3A_501 = arith.index_cast %scan3A_480 : i32 to index
        %get3A_502 = arith.constant 16 : index
        %get3A_503 = tpu.vector_load %arg19[%get3A_501, %get3A_502] {strides = array<i32>} : memref<8x512xf32, #tpu.memory_space<vmem>>, vector<16xf32>,
        %sub3A_504 = arith.subf %get3A_500, %get3A_503 : vector<16xf32>
        %mul3A_505 = arith.mulf %sub3A_504, %sub3A_504 : vector<16xf32>
        %add3A_506 = arith.addf %broadcast_in_dim3A_485, %mul3A_505 : vector<16xf32>
        %get3A_507 = arith.index_cast %scan3A_480 : i32 to index
        %get3A_508 = arith.constant 32 : index
        %get3A_509 = tpu.vector_load %arg15[%get3A_507, %get3A_508] {strides = array<i32>} : memref<8x512xf32, #tpu.memory_space<vmem>>, vector<16xf32>,
        %get3A_510 = arith.index_cast %scan3A_480 : i32 to index
        %get3A_511 = arith.constant 32 : index
        %get3A_512 = tpu.vector_load %arg19[%get3A_510, %get3A_511] {strides = array<i32>} : memref<8x512xf32, #tpu.memory_space<vmem>>, vector<16xf32>,
        %sub3A_513 = arith.subf %get3A_509, %get3A_512 : vector<16xf32>
        %mul3A_514 = arith.mulf %sub3A_513, %sub3A_513 : vector<16xf32>
        %add3A_515 = arith.addf %broadcast_in_dim3A_487, %mul3A_514 : vector<16xf32>
        %get3A_516 = arith.index_cast %scan3A_480 : i32 to index
        %get3A_517 = arith.constant 48 : index
        %get3A_518 = tpu.vector_load %arg15[%get3A_516, %get3A_517] {strides = array<i32>} : memref<8x512xf32, #tpu.memory_space<vmem>>, vector<16xf32>,
        %get3A_519 = arith.index_cast %scan3A_480 : i32 to index
        %get3A_520 = arith.constant 48 : index
        %get3A_521 = tpu.vector_load %arg19[%get3A_519, %get3A_520] {strides = array<i32>} : memref<8x512xf32, #tpu.memory_space<vmem>>, vector<16xf32>,
        %sub3A_522 = arith.subf %get3A_518, %get3A_521 : vector<16xf32>
        %mul3A_523 = arith.mulf %sub3A_522, %sub3A_522 : vector<16xf32>
        %add3A_524 = arith.addf %broadcast_in_dim3A_489, %mul3A_523 : vector<16xf32>
        %get3A_525 = arith.index_cast %scan3A_480 : i32 to index
        %get3A_526 = arith.constant 64 : index
        %get3A_527 = tpu.vector_load %arg15[%get3A_525, %get3A_526] {strides = array<i32>} : memref<8x512xf32, #tpu.memory_space<vmem>>, vector<16xf32>,
        %get3A_528 = arith.index_cast %scan3A_480 : i32 to index
        %get3A_529 = arith.constant 64 : index
        %get3A_530 = tpu.vector_load %arg19[%get3A_528, %get3A_529] {strides = array<i32>} : memref<8x512xf32, #tpu.memory_space<vmem>>, vector<16xf32>,
        %sub3A_531 = arith.subf %get3A_527, %get3A_530 : vector<16xf32>
        %mul3A_532 = arith.mulf %sub3A_531, %sub3A_531 : vector<16xf32>
        %add3A_533 = arith.addf %add3A_497, %mul3A_532 : vector<16xf32>
        %get3A_534 = arith.index_cast %scan3A_480 : i32 to index
        %get3A_535 = arith.constant 80 : index
        %get3A_536 = tpu.vector_load %arg15[%get3A_534, %get3A_535] {strides = array<i32>} : memref<8x512xf32, #tpu.memory_space<vmem>>, vector<16xf32>,
        %get3A_537 = arith.index_cast %scan3A_480 : i32 to index
        %get3A_538 = arith.constant 80 : index
        %get3A_539 = tpu.vector_load %arg19[%get3A_537, %get3A_538] {strides = array<i32>} : memref<8x512xf32, #tpu.memory_space<vmem>>, vector<16xf32>,
        %sub3A_540 = arith.subf %get3A_536, %get3A_539 : vector<16xf32>
        %mul3A_541 = arith.mulf %sub3A_540, %sub3A_540 : vector<16xf32>
        %add3A_542 = arith.addf %add3A_506, %mul3A_541 : vector<16xf32>
        %get3A_543 = arith.index_cast %scan3A_480 : i32 to index
        %get3A_544 = arith.constant 96 : index
        %get3A_545 = tpu.vector_load %arg15[%get3A_543, %get3A_544] {strides = array<i32>} : memref<8x512xf32, #tpu.memory_space<vmem>>, vector<16xf32>,
        %get3A_546 = arith.index_cast %scan3A_480 : i32 to index
        %get3A_547 = arith.constant 96 : index
        %get3A_548 = tpu.vector_load %arg19[%get3A_546, %get3A_547] {strides = array<i32>} : memref<8x512xf32, #tpu.memory_space<vmem>>, vector<16xf32>,
        %sub3A_549 = arith.subf %get3A_545, %get3A_548 : vector<16xf32>
        %mul3A_550 = arith.mulf %sub3A_549, %sub3A_549 : vector<16xf32>
        %add3A_551 = arith.addf %add3A_515, %mul3A_550 : vector<16xf32>
        %get3A_552 = arith.index_cast %scan3A_480 : i32 to index
        %get3A_553 = arith.constant 112 : index
        %get3A_554 = tpu.vector_load %arg15[%get3A_552, %get3A_553] {strides = array<i32>} : memref<8x512xf32, #tpu.memory_space<vmem>>, vector<16xf32>,
        %get3A_555 = arith.index_cast %scan3A_480 : i32 to index
        %get3A_556 = arith.constant 112 : index
        %get3A_557 = tpu.vector_load %arg19[%get3A_555, %get3A_556] {strides = array<i32>} : memref<8x512xf32, #tpu.memory_space<vmem>>, vector<16xf32>,
        %sub3A_558 = arith.subf %get3A_554, %get3A_557 : vector<16xf32>
        %mul3A_559 = arith.mulf %sub3A_558, %sub3A_558 : vector<16xf32>
        %add3A_560 = arith.addf %add3A_524, %mul3A_559 : vector<16xf32>
        %get3A_561 = arith.index_cast %scan3A_480 : i32 to index
        %get3A_562 = arith.constant 128 : index
        %get3A_563 = tpu.vector_load %arg15[%get3A_561, %get3A_562] {strides = array<i32>} : memref<8x512xf32, #tpu.memory_space<vmem>>, vector<16xf32>,
        %get3A_564 = arith.index_cast %scan3A_480 : i32 to index
        %get3A_565 = arith.constant 128 : index
        %get3A_566 = tpu.vector_load %arg19[%get3A_564, %get3A_565] {strides = array<i32>} : memref<8x512xf32, #tpu.memory_space<vmem>>, vector<16xf32>,
        %sub3A_567 = arith.subf %get3A_563, %get3A_566 : vector<16xf32>
        %mul3A_568 = arith.mulf %sub3A_567, %sub3A_567 : vector<16xf32>
        %add3A_569 = arith.addf %add3A_533, %mul3A_568 : vector<16xf32>
        %get3A_570 = arith.index_cast %scan3A_480 : i32 to index
        %get3A_571 = arith.constant 144 : index
        %get3A_572 = tpu.vector_load %arg15[%get3A_570, %get3A_571] {strides = array<i32>} : memref<8x512xf32, #tpu.memory_space<vmem>>, vector<16xf32>,
        %get3A_573 = arith.index_cast %scan3A_480 : i32 to index
        %get3A_574 = arith.constant 144 : index
        %get3A_575 = tpu.vector_load %arg19[%get3A_573, %get3A_574] {strides = array<i32>} : memref<8x512xf32, #tpu.memory_space<vmem>>, vector<16xf32>,
        %sub3A_576 = arith.subf %get3A_572, %get3A_575 : vector<16xf32>
        %mul3A_577 = arith.mulf %sub3A_576, %sub3A_576 : vector<16xf32>
        %add3A_578 = arith.addf %add3A_542, %mul3A_577 : vector<16xf32>
        %get3A_579 = arith.index_cast %scan3A_480 : i32 to index
        %get3A_580 = arith.constant 160 : index
        %get3A_581 = tpu.vector_load %arg15[%get3A_579, %get3A_580] {strides = array<i32>} : memref<8x512xf32, #tpu.memory_space<vmem>>, vector<16xf32>,
        %get3A_582 = arith.index_cast %scan3A_480 : i32 to index
        %get3A_583 = arith.constant 160 : index
        %get3A_584 = tpu.vector_load %arg19[%get3A_582, %get3A_583] {strides = array<i32>} : memref<8x512xf32, #tpu.memory_space<vmem>>, vector<16xf32>,
        %sub3A_585 = arith.subf %get3A_581, %get3A_584 : vector<16xf32>
        %mul3A_586 = arith.mulf %sub3A_585, %sub3A_585 : vector<16xf32>
        %add3A_587 = arith.addf %add3A_551, %mul3A_586 : vector<16xf32>
        %get3A_588 = arith.index_cast %scan3A_480 : i32 to index
        %get3A_589 = arith.constant 176 : index
        %get3A_590 = tpu.vector_load %arg15[%get3A_588, %get3A_589] {strides = array<i32>} : memref<8x512xf32, #tpu.memory_space<vmem>>, vector<16xf32>,
        %get3A_591 = arith.index_cast %scan3A_480 : i32 to index
        %get3A_592 = arith.constant 176 : index
        %get3A_593 = tpu.vector_load %arg19[%get3A_591, %get3A_592] {strides = array<i32>} : memref<8x512xf32, #tpu.memory_space<vmem>>, vector<16xf32>,
        %sub3A_594 = arith.subf %get3A_590, %get3A_593 : vector<16xf32>
        %mul3A_595 = arith.mulf %sub3A_594, %sub3A_594 : vector<16xf32>
        %add3A_596 = arith.addf %add3A_560, %mul3A_595 : vector<16xf32>
        %get3A_597 = arith.index_cast %scan3A_480 : i32 to index
        %get3A_598 = arith.constant 192 : index
        %get3A_599 = tpu.vector_load %arg15[%get3A_597, %get3A_598] {strides = array<i32>} : memref<8x512xf32, #tpu.memory_space<vmem>>, vector<16xf32>,
        %get3A_600 = arith.index_cast %scan3A_480 : i32 to index
        %get3A_601 = arith.constant 192 : index
        %get3A_602 = tpu.vector_load %arg19[%get3A_600, %get3A_601] {strides = array<i32>} : memref<8x512xf32, #tpu.memory_space<vmem>>, vector<16xf32>,
        %sub3A_603 = arith.subf %get3A_599, %get3A_602 : vector<16xf32>
        %mul3A_604 = arith.mulf %sub3A_603, %sub3A_603 : vector<16xf32>
        %add3A_605 = arith.addf %add3A_569, %mul3A_604 : vector<16xf32>
        %get3A_606 = arith.index_cast %scan3A_480 : i32 to index
        %get3A_607 = arith.constant 208 : index
        %get3A_608 = tpu.vector_load %arg15[%get3A_606, %get3A_607] {strides = array<i32>} : memref<8x512xf32, #tpu.memory_space<vmem>>, vector<16xf32>,
        %get3A_609 = arith.index_cast %scan3A_480 : i32 to index
        %get3A_610 = arith.constant 208 : index
        %get3A_611 = tpu.vector_load %arg19[%get3A_609, %get3A_610] {strides = array<i32>} : memref<8x512xf32, #tpu.memory_space<vmem>>, vector<16xf32>,
        %sub3A_612 = arith.subf %get3A_608, %get3A_611 : vector<16xf32>
        %mul3A_613 = arith.mulf %sub3A_612, %sub3A_612 : vector<16xf32>
        %add3A_614 = arith.addf %add3A_578, %mul3A_613 : vector<16xf32>
        %get3A_615 = arith.index_cast %scan3A_480 : i32 to index
        %get3A_616 = arith.constant 224 : index
        %get3A_617 = tpu.vector_load %arg15[%get3A_615, %get3A_616] {strides = array<i32>} : memref<8x512xf32, #tpu.memory_space<vmem>>, vector<16xf32>,
        %get3A_618 = arith.index_cast %scan3A_480 : i32 to index
        %get3A_619 = arith.constant 224 : index
        %get3A_620 = tpu.vector_load %arg19[%get3A_618, %get3A_619] {strides = array<i32>} : memref<8x512xf32, #tpu.memory_space<vmem>>, vector<16xf32>,
        %sub3A_621 = arith.subf %get3A_617, %get3A_620 : vector<16xf32>
        %mul3A_622 = arith.mulf %sub3A_621, %sub3A_621 : vector<16xf32>
        %add3A_623 = arith.addf %add3A_587, %mul3A_622 : vector<16xf32>
        %get3A_624 = arith.index_cast %scan3A_480 : i32 to index
        %get3A_625 = arith.constant 240 : index
        %get3A_626 = tpu.vector_load %arg15[%get3A_624, %get3A_625] {strides = array<i32>} : memref<8x512xf32, #tpu.memory_space<vmem>>, vector<16xf32>,
        %get3A_627 = arith.index_cast %scan3A_480 : i32 to index
        %get3A_628 = arith.constant 240 : index
        %get3A_629 = tpu.vector_load %arg19[%get3A_627, %get3A_628] {strides = array<i32>} : memref<8x512xf32, #tpu.memory_space<vmem>>, vector<16xf32>,
        %sub3A_630 = arith.subf %get3A_626, %get3A_629 : vector<16xf32>
        %mul3A_631 = arith.mulf %sub3A_630, %sub3A_630 : vector<16xf32>
        %add3A_632 = arith.addf %add3A_596, %mul3A_631 : vector<16xf32>
        %get3A_633 = arith.index_cast %scan3A_480 : i32 to index
        %get3A_634 = arith.constant 256 : index
        %get3A_635 = tpu.vector_load %arg15[%get3A_633, %get3A_634] {strides = array<i32>} : memref<8x512xf32, #tpu.memory_space<vmem>>, vector<16xf32>,
        %get3A_636 = arith.index_cast %scan3A_480 : i32 to index
        %get3A_637 = arith.constant 256 : index
        %get3A_638 = tpu.vector_load %arg19[%get3A_636, %get3A_637] {strides = array<i32>} : memref<8x512xf32, #tpu.memory_space<vmem>>, vector<16xf32>,
        %sub3A_639 = arith.subf %get3A_635, %get3A_638 : vector<16xf32>
        %mul3A_640 = arith.mulf %sub3A_639, %sub3A_639 : vector<16xf32>
        %add3A_641 = arith.addf %add3A_605, %mul3A_640 : vector<16xf32>
        %get3A_642 = arith.index_cast %scan3A_480 : i32 to index
        %get3A_643 = arith.constant 272 : index
        %get3A_644 = tpu.vector_load %arg15[%get3A_642, %get3A_643] {strides = array<i32>} : memref<8x512xf32, #tpu.memory_space<vmem>>, vector<16xf32>,
        %get3A_645 = arith.index_cast %scan3A_480 : i32 to index
        %get3A_646 = arith.constant 272 : index
        %get3A_647 = tpu.vector_load %arg19[%get3A_645, %get3A_646] {strides = array<i32>} : memref<8x512xf32, #tpu.memory_space<vmem>>, vector<16xf32>,
        %sub3A_648 = arith.subf %get3A_644, %get3A_647 : vector<16xf32>
        %mul3A_649 = arith.mulf %sub3A_648, %sub3A_648 : vector<16xf32>
        %add3A_650 = arith.addf %add3A_614, %mul3A_649 : vector<16xf32>
        %get3A_651 = arith.index_cast %scan3A_480 : i32 to index
        %get3A_652 = arith.constant 288 : index
        %get3A_653 = tpu.vector_load %arg15[%get3A_651, %get3A_652] {strides = array<i32>} : memref<8x512xf32, #tpu.memory_space<vmem>>, vector<16xf32>,
        %get3A_654 = arith.index_cast %scan3A_480 : i32 to index
        %get3A_655 = arith.constant 288 : index
        %get3A_656 = tpu.vector_load %arg19[%get3A_654, %get3A_655] {strides = array<i32>} : memref<8x512xf32, #tpu.memory_space<vmem>>, vector<16xf32>,
        %sub3A_657 = arith.subf %get3A_653, %get3A_656 : vector<16xf32>
        %mul3A_658 = arith.mulf %sub3A_657, %sub3A_657 : vector<16xf32>
        %add3A_659 = arith.addf %add3A_623, %mul3A_658 : vector<16xf32>
        %get3A_660 = arith.index_cast %scan3A_480 : i32 to index
        %get3A_661 = arith.constant 304 : index
        %get3A_662 = tpu.vector_load %arg15[%get3A_660, %get3A_661] {strides = array<i32>} : memref<8x512xf32, #tpu.memory_space<vmem>>, vector<16xf32>,
        %get3A_663 = arith.index_cast %scan3A_480 : i32 to index
        %get3A_664 = arith.constant 304 : index
        %get3A_665 = tpu.vector_load %arg19[%get3A_663, %get3A_664] {strides = array<i32>} : memref<8x512xf32, #tpu.memory_space<vmem>>, vector<16xf32>,
        %sub3A_666 = arith.subf %get3A_662, %get3A_665 : vector<16xf32>
        %mul3A_667 = arith.mulf %sub3A_666, %sub3A_666 : vector<16xf32>
        %add3A_668 = arith.addf %add3A_632, %mul3A_667 : vector<16xf32>
        %get3A_669 = arith.index_cast %scan3A_480 : i32 to index
        %get3A_670 = arith.constant 320 : index
        %get3A_671 = tpu.vector_load %arg15[%get3A_669, %get3A_670] {strides = array<i32>} : memref<8x512xf32, #tpu.memory_space<vmem>>, vector<16xf32>,
        %get3A_672 = arith.index_cast %scan3A_480 : i32 to index
        %get3A_673 = arith.constant 320 : index
        %get3A_674 = tpu.vector_load %arg19[%get3A_672, %get3A_673] {strides = array<i32>} : memref<8x512xf32, #tpu.memory_space<vmem>>, vector<16xf32>,
        %sub3A_675 = arith.subf %get3A_671, %get3A_674 : vector<16xf32>
        %mul3A_676 = arith.mulf %sub3A_675, %sub3A_675 : vector<16xf32>
        %add3A_677 = arith.addf %add3A_641, %mul3A_676 : vector<16xf32>
        %get3A_678 = arith.index_cast %scan3A_480 : i32 to index
        %get3A_679 = arith.constant 336 : index
        %get3A_680 = tpu.vector_load %arg15[%get3A_678, %get3A_679] {strides = array<i32>} : memref<8x512xf32, #tpu.memory_space<vmem>>, vector<16xf32>,
        %get3A_681 = arith.index_cast %scan3A_480 : i32 to index
        %get3A_682 = arith.constant 336 : index
        %get3A_683 = tpu.vector_load %arg19[%get3A_681, %get3A_682] {strides = array<i32>} : memref<8x512xf32, #tpu.memory_space<vmem>>, vector<16xf32>,
        %sub3A_684 = arith.subf %get3A_680, %get3A_683 : vector<16xf32>
        %mul3A_685 = arith.mulf %sub3A_684, %sub3A_684 : vector<16xf32>
        %add3A_686 = arith.addf %add3A_650, %mul3A_685 : vector<16xf32>
        %get3A_687 = arith.index_cast %scan3A_480 : i32 to index
        %get3A_688 = arith.constant 352 : index
        %get3A_689 = tpu.vector_load %arg15[%get3A_687, %get3A_688] {strides = array<i32>} : memref<8x512xf32, #tpu.memory_space<vmem>>, vector<16xf32>,
        %get3A_690 = arith.index_cast %scan3A_480 : i32 to index
        %get3A_691 = arith.constant 352 : index
        %get3A_692 = tpu.vector_load %arg19[%get3A_690, %get3A_691] {strides = array<i32>} : memref<8x512xf32, #tpu.memory_space<vmem>>, vector<16xf32>,
        %sub3A_693 = arith.subf %get3A_689, %get3A_692 : vector<16xf32>
        %mul3A_694 = arith.mulf %sub3A_693, %sub3A_693 : vector<16xf32>
        %add3A_695 = arith.addf %add3A_659, %mul3A_694 : vector<16xf32>
        %get3A_696 = arith.index_cast %scan3A_480 : i32 to index
        %get3A_697 = arith.constant 368 : index
        %get3A_698 = tpu.vector_load %arg15[%get3A_696, %get3A_697] {strides = array<i32>} : memref<8x512xf32, #tpu.memory_space<vmem>>, vector<16xf32>,
        %get3A_699 = arith.index_cast %scan3A_480 : i32 to index
        %get3A_700 = arith.constant 368 : index
        %get3A_701 = tpu.vector_load %arg19[%get3A_699, %get3A_700] {strides = array<i32>} : memref<8x512xf32, #tpu.memory_space<vmem>>, vector<16xf32>,
        %sub3A_702 = arith.subf %get3A_698, %get3A_701 : vector<16xf32>
        %mul3A_703 = arith.mulf %sub3A_702, %sub3A_702 : vector<16xf32>
        %add3A_704 = arith.addf %add3A_668, %mul3A_703 : vector<16xf32>
        %get3A_705 = arith.index_cast %scan3A_480 : i32 to index
        %get3A_706 = arith.constant 384 : index
        %get3A_707 = tpu.vector_load %arg15[%get3A_705, %get3A_706] {strides = array<i32>} : memref<8x512xf32, #tpu.memory_space<vmem>>, vector<16xf32>,
        %get3A_708 = arith.index_cast %scan3A_480 : i32 to index
        %get3A_709 = arith.constant 384 : index
        %get3A_710 = tpu.vector_load %arg19[%get3A_708, %get3A_709] {strides = array<i32>} : memref<8x512xf32, #tpu.memory_space<vmem>>, vector<16xf32>,
        %sub3A_711 = arith.subf %get3A_707, %get3A_710 : vector<16xf32>
        %mul3A_712 = arith.mulf %sub3A_711, %sub3A_711 : vector<16xf32>
        %add3A_713 = arith.addf %add3A_677, %mul3A_712 : vector<16xf32>
        %get3A_714 = arith.index_cast %scan3A_480 : i32 to index
        %get3A_715 = arith.constant 400 : index
        %get3A_716 = tpu.vector_load %arg15[%get3A_714, %get3A_715] {strides = array<i32>} : memref<8x512xf32, #tpu.memory_space<vmem>>, vector<16xf32>,
        %get3A_717 = arith.index_cast %scan3A_480 : i32 to index
        %get3A_718 = arith.constant 400 : index
        %get3A_719 = tpu.vector_load %arg19[%get3A_717, %get3A_718] {strides = array<i32>} : memref<8x512xf32, #tpu.memory_space<vmem>>, vector<16xf32>,
        %sub3A_720 = arith.subf %get3A_716, %get3A_719 : vector<16xf32>
        %mul3A_721 = arith.mulf %sub3A_720, %sub3A_720 : vector<16xf32>
        %add3A_722 = arith.addf %add3A_686, %mul3A_721 : vector<16xf32>
        %get3A_723 = arith.index_cast %scan3A_480 : i32 to index
        %get3A_724 = arith.constant 416 : index
        %get3A_725 = tpu.vector_load %arg15[%get3A_723, %get3A_724] {strides = array<i32>} : memref<8x512xf32, #tpu.memory_space<vmem>>, vector<16xf32>,
        %get3A_726 = arith.index_cast %scan3A_480 : i32 to index
        %get3A_727 = arith.constant 416 : index
        %get3A_728 = tpu.vector_load %arg19[%get3A_726, %get3A_727] {strides = array<i32>} : memref<8x512xf32, #tpu.memory_space<vmem>>, vector<16xf32>,
        %sub3A_729 = arith.subf %get3A_725, %get3A_728 : vector<16xf32>
        %mul3A_730 = arith.mulf %sub3A_729, %sub3A_729 : vector<16xf32>
        %add3A_731 = arith.addf %add3A_695, %mul3A_730 : vector<16xf32>
        %get3A_732 = arith.index_cast %scan3A_480 : i32 to index
        %get3A_733 = arith.constant 432 : index
        %get3A_734 = tpu.vector_load %arg15[%get3A_732, %get3A_733] {strides = array<i32>} : memref<8x512xf32, #tpu.memory_space<vmem>>, vector<16xf32>,
        %get3A_735 = arith.index_cast %scan3A_480 : i32 to index
        %get3A_736 = arith.constant 432 : index
        %get3A_737 = tpu.vector_load %arg19[%get3A_735, %get3A_736] {strides = array<i32>} : memref<8x512xf32, #tpu.memory_space<vmem>>, vector<16xf32>,
        %sub3A_738 = arith.subf %get3A_734, %get3A_737 : vector<16xf32>
        %mul3A_739 = arith.mulf %sub3A_738, %sub3A_738 : vector<16xf32>
        %add3A_740 = arith.addf %add3A_704, %mul3A_739 : vector<16xf32>
        %get3A_741 = arith.index_cast %scan3A_480 : i32 to index
        %get3A_742 = arith.constant 448 : index
        %get3A_743 = tpu.vector_load %arg15[%get3A_741, %get3A_742] {strides = array<i32>} : memref<8x512xf32, #tpu.memory_space<vmem>>, vector<16xf32>,
        %get3A_744 = arith.index_cast %scan3A_480 : i32 to index
        %get3A_745 = arith.constant 448 : index
        %get3A_746 = tpu.vector_load %arg19[%get3A_744, %get3A_745] {strides = array<i32>} : memref<8x512xf32, #tpu.memory_space<vmem>>, vector<16xf32>,
        %sub3A_747 = arith.subf %get3A_743, %get3A_746 : vector<16xf32>
        %mul3A_748 = arith.mulf %sub3A_747, %sub3A_747 : vector<16xf32>
        %add3A_749 = arith.addf %add3A_713, %mul3A_748 : vector<16xf32>
        %get3A_750 = arith.index_cast %scan3A_480 : i32 to index
        %get3A_751 = arith.constant 464 : index
        %get3A_752 = tpu.vector_load %arg15[%get3A_750, %get3A_751] {strides = array<i32>} : memref<8x512xf32, #tpu.memory_space<vmem>>, vector<16xf32>,
        %get3A_753 = arith.index_cast %scan3A_480 : i32 to index
        %get3A_754 = arith.constant 464 : index
        %get3A_755 = tpu.vector_load %arg19[%get3A_753, %get3A_754] {strides = array<i32>} : memref<8x512xf32, #tpu.memory_space<vmem>>, vector<16xf32>,
        %sub3A_756 = arith.subf %get3A_752, %get3A_755 : vector<16xf32>
        %mul3A_757 = arith.mulf %sub3A_756, %sub3A_756 : vector<16xf32>
        %add3A_758 = arith.addf %add3A_722, %mul3A_757 : vector<16xf32>
        %get3A_759 = arith.index_cast %scan3A_480 : i32 to index
        %get3A_760 = arith.constant 480 : index
        %get3A_761 = tpu.vector_load %arg15[%get3A_759, %get3A_760] {strides = array<i32>} : memref<8x512xf32, #tpu.memory_space<vmem>>, vector<16xf32>,
        %get3A_762 = arith.index_cast %scan3A_480 : i32 to index
        %get3A_763 = arith.constant 480 : index
        %get3A_764 = tpu.vector_load %arg19[%get3A_762, %get3A_763] {strides = array<i32>} : memref<8x512xf32, #tpu.memory_space<vmem>>, vector<16xf32>,
        %sub3A_765 = arith.subf %get3A_761, %get3A_764 : vector<16xf32>
        %mul3A_766 = arith.mulf %sub3A_765, %sub3A_765 : vector<16xf32>
        %add3A_767 = arith.addf %add3A_731, %mul3A_766 : vector<16xf32>
        %get3A_768 = arith.index_cast %scan3A_480 : i32 to index
        %get3A_769 = arith.constant 496 : index
        %get3A_770 = tpu.vector_load %arg15[%get3A_768, %get3A_769] {strides = array<i32>} : memref<8x512xf32, #tpu.memory_space<vmem>>, vector<16xf32>,
        %get3A_771 = arith.index_cast %scan3A_480 : i32 to index
        %get3A_772 = arith.constant 496 : index
        %get3A_773 = tpu.vector_load %arg19[%get3A_771, %get3A_772] {strides = array<i32>} : memref<8x512xf32, #tpu.memory_space<vmem>>, vector<16xf32>,
        %sub3A_774 = arith.subf %get3A_770, %get3A_773 : vector<16xf32>
        %mul3A_775 = arith.mulf %sub3A_774, %sub3A_774 : vector<16xf32>
        %add3A_776 = arith.addf %add3A_740, %mul3A_775 : vector<16xf32>
        %add3A_777 = arith.addf %add3A_749, %add3A_758 : vector<16xf32>
        %add3A_778 = arith.addf %add3A_767, %add3A_776 : vector<16xf32>
        %add3A_779 = arith.addf %add3A_777, %add3A_778 : vector<16xf32>
        %mul3A_780 = arith.constant 8 : i32
        %mul3A_781 = arith.muli %add3A_399, %mul3A_780 : i32
        %broadcast_in_dim3A_782 = vector.broadcast %mul3A_781 : i32 to vector<16xi32>
        %add3A_783 = vector.broadcast %scan3A_480 : i32 to vector<16xi32>
        %add3A_784 = arith.addi %broadcast_in_dim3A_782, %add3A_783 : vector<16xi32>
        %gather3A = tpu.vector_load_idx %arg13[%add3A_784] : memref<512xf32, #tpu.memory_space<vmem>>[vector<16xi32>], vector<16xf32>,
        %mul3A_785 = arith.mulf %add3A_779, %gather3A : vector<16xf32>
        %add3A_786 = arith.addf %scan3A_481, %mul3A_785 : vector<16xf32>
        scf.yield %add3A_786 : vector<16xf32>
      }
      %scan3A_423 = arith.constant 8 : i32
      %mul3A_424 = arith.constant 4 : i32
      %mul3A_425 = arith.muli %scan3A_370, %mul3A_424 : i32
      %add3A_426 = arith.constant 2 : i32
      %add3A_427 = arith.addi %mul3A_425, %add3A_426 : i32
      %add3A_428 = arith.constant 4 : i32
      %add3A_429 = arith.addi %add3A_427, %add3A_428 : i32
      %sub3A_430 = arith.constant 1 : i32
      %sub3A_431 = arith.subi %add3A_429, %sub3A_430 : i32
      %lt3A_432 = arith.constant 64 : i32
      %lt3A_433 = arith.cmpi slt, %sub3A_431, %lt3A_432 : i32
      %convert_element_type3A_434 = arith.extui %lt3A_433 : i1 to i32
      %cond3A_435 = arith.constant 0 : i32
      %cond3A_436 = arith.cmpi ne, %convert_element_type3A_434, %cond3A_435 : i32
      scf.if %cond3A_436 {
        %mul3A_480 = arith.constant 8 : i32
        %mul3A_481 = arith.muli %sub3A_431, %mul3A_480 : i32
        %add3A_482 = arith.addi %mul3A_2, %mul3A_481 : i32
        %dma_start3A_483 = arith.constant 0 : i32
        %dma_start3A_484 = tpu.memref_slice %arg2[%add3A_482, %dma_start3A_483] : memref<16384x512xf32, #tpu.memory_space<hbm>> -> memref<8x512xf32, #tpu.memory_space<hbm>>
        %dma_start3A_485 = arith.constant 0 : i32
        %dma_start3A_486 = tpu.memref_slice %arg2[%add3A_482, %dma_start3A_485] : memref<16384x512xf32, #tpu.memory_space<hbm>> -> memref<8x512xf32, #tpu.memory_space<hbm>>
        tpu.enqueue_dma source(%dma_start3A_486 : memref<8x512xf32, #tpu.memory_space<hbm>>) target(%arg15 : memref<8x512xf32, #tpu.memory_space<vmem>>) target_semaphore(%arg25 : memref<!tpu.dma_semaphore, #tpu.memory_space<semaphore_mem>>)
        %mul3A_487 = arith.constant 8 : i32
        %mul3A_488 = arith.muli %sub3A_431, %mul3A_487 : i32
        %dma_start3A_489 = tpu.memref_slice %arg11[%mul3A_488] : memref<512xi32, #tpu.memory_space<vmem>> -> memref<8xi32, #tpu.memory_space<vmem>>
        %dma_start3A_490 = arith.constant 0 : i32
        %dma_start3A_491 = arith.constant 0 : i32
        %dma_start3A_492 = tpu.memref_slice %arg4[%dma_start3A_490, %dma_start3A_491] : memref<10000x512xf32, #tpu.memory_space<hbm>> -> memref<10000x512xf32, #tpu.memory_space<hbm>>
        tpu.enqueue_indirect_dma source(%dma_start3A_492 : memref<10000x512xf32, #tpu.memory_space<hbm>>) target(%arg19 : memref<8x512xf32, #tpu.memory_space<vmem>>) offsets(%dma_start3A_489 : memref<8xi32, #tpu.memory_space<vmem>>) semaphore(%arg29 : memref<!tpu.dma_semaphore, #tpu.memory_space<semaphore_mem>>)
      } else {
      }
      %dma_wait3A_437 = arith.constant 0 : i32
      %dma_wait3A_438 = tpu.memref_slice %arg2[%mul3A_2, %dma_wait3A_437] : memref<16384x512xf32, #tpu.memory_space<hbm>> -> memref<8x512xf32, #tpu.memory_space<hbm>>
      %dma_wait3A_439 = arith.constant 0 : i32
      %dma_wait3A_440 = tpu.memref_slice %arg2[%mul3A_2, %dma_wait3A_439] : memref<16384x512xf32, #tpu.memory_space<hbm>> -> memref<8x512xf32, #tpu.memory_space<hbm>>
      tpu.wait_dma2 semaphore(%arg26 : memref<!tpu.dma_semaphore, #tpu.memory_space<semaphore_mem>>) src(%dma_wait3A_440 : memref<8x512xf32, #tpu.memory_space<hbm>>) dst(%arg16 : memref<8x512xf32, #tpu.memory_space<vmem>>)
      %dma_wait3A_441 = arith.constant 0 : i32
      %dma_wait3A_442 = tpu.memref_slice %arg11[%dma_wait3A_441] : memref<512xi32, #tpu.memory_space<vmem>> -> memref<8xi32, #tpu.memory_space<vmem>>
      %dma_wait3A_443 = arith.constant 0 : i32
      %dma_wait3A_444 = arith.constant 0 : i32
      %dma_wait3A_445 = tpu.memref_slice %arg4[%dma_wait3A_443, %dma_wait3A_444] : memref<10000x512xf32, #tpu.memory_space<hbm>> -> memref<10000x512xf32, #tpu.memory_space<hbm>>
      tpu.wait_indirect_dma semaphore(%arg30 : memref<!tpu.dma_semaphore, #tpu.memory_space<semaphore_mem>>) src(%dma_wait3A_445 : memref<10000x512xf32, #tpu.memory_space<hbm>>) dst(%arg20 : memref<8x512xf32, #tpu.memory_space<vmem>>)
      %scan3A_446 = arith.constant 0 : i32
      %scan3A_447 = arith.constant 8 : i32
      %scan3A_448 = arith.addi %scan3A_446, %scan3A_447 : i32
      %scan3A_449 = arith.constant 1 : i32
      %scan3A_450 = scf.for %scan3A_480 = %scan3A_446 to %scan3A_448 step %scan3A_449 iter_args(%scan3A_481 = %scan3A_422) -> (vector<16xf32>)  : i32 {
        %broadcast_in_dim3A_482 = arith.constant 0.000000e+00 : f32
        %broadcast_in_dim3A_483 = vector.broadcast %broadcast_in_dim3A_482 : f32 to vector<16xf32>
        %broadcast_in_dim3A_484 = arith.constant 0.000000e+00 : f32
        %broadcast_in_dim3A_485 = vector.broadcast %broadcast_in_dim3A_484 : f32 to vector<16xf32>
        %broadcast_in_dim3A_486 = arith.constant 0.000000e+00 : f32
        %broadcast_in_dim3A_487 = vector.broadcast %broadcast_in_dim3A_486 : f32 to vector<16xf32>
        %broadcast_in_dim3A_488 = arith.constant 0.000000e+00 : f32
        %broadcast_in_dim3A_489 = vector.broadcast %broadcast_in_dim3A_488 : f32 to vector<16xf32>
        %get3A = arith.index_cast %scan3A_480 : i32 to index
        %get3A_490 = arith.constant 0 : index
        %get3A_491 = tpu.vector_load %arg16[%get3A, %get3A_490] {strides = array<i32>} : memref<8x512xf32, #tpu.memory_space<vmem>>, vector<16xf32>,
        %get3A_492 = arith.index_cast %scan3A_480 : i32 to index
        %get3A_493 = arith.constant 0 : index
        %get3A_494 = tpu.vector_load %arg20[%get3A_492, %get3A_493] {strides = array<i32>} : memref<8x512xf32, #tpu.memory_space<vmem>>, vector<16xf32>,
        %sub3A_495 = arith.subf %get3A_491, %get3A_494 : vector<16xf32>
        %mul3A_496 = arith.mulf %sub3A_495, %sub3A_495 : vector<16xf32>
        %add3A_497 = arith.addf %broadcast_in_dim3A_483, %mul3A_496 : vector<16xf32>
        %get3A_498 = arith.index_cast %scan3A_480 : i32 to index
        %get3A_499 = arith.constant 16 : index
        %get3A_500 = tpu.vector_load %arg16[%get3A_498, %get3A_499] {strides = array<i32>} : memref<8x512xf32, #tpu.memory_space<vmem>>, vector<16xf32>,
        %get3A_501 = arith.index_cast %scan3A_480 : i32 to index
        %get3A_502 = arith.constant 16 : index
        %get3A_503 = tpu.vector_load %arg20[%get3A_501, %get3A_502] {strides = array<i32>} : memref<8x512xf32, #tpu.memory_space<vmem>>, vector<16xf32>,
        %sub3A_504 = arith.subf %get3A_500, %get3A_503 : vector<16xf32>
        %mul3A_505 = arith.mulf %sub3A_504, %sub3A_504 : vector<16xf32>
        %add3A_506 = arith.addf %broadcast_in_dim3A_485, %mul3A_505 : vector<16xf32>
        %get3A_507 = arith.index_cast %scan3A_480 : i32 to index
        %get3A_508 = arith.constant 32 : index
        %get3A_509 = tpu.vector_load %arg16[%get3A_507, %get3A_508] {strides = array<i32>} : memref<8x512xf32, #tpu.memory_space<vmem>>, vector<16xf32>,
        %get3A_510 = arith.index_cast %scan3A_480 : i32 to index
        %get3A_511 = arith.constant 32 : index
        %get3A_512 = tpu.vector_load %arg20[%get3A_510, %get3A_511] {strides = array<i32>} : memref<8x512xf32, #tpu.memory_space<vmem>>, vector<16xf32>,
        %sub3A_513 = arith.subf %get3A_509, %get3A_512 : vector<16xf32>
        %mul3A_514 = arith.mulf %sub3A_513, %sub3A_513 : vector<16xf32>
        %add3A_515 = arith.addf %broadcast_in_dim3A_487, %mul3A_514 : vector<16xf32>
        %get3A_516 = arith.index_cast %scan3A_480 : i32 to index
        %get3A_517 = arith.constant 48 : index
        %get3A_518 = tpu.vector_load %arg16[%get3A_516, %get3A_517] {strides = array<i32>} : memref<8x512xf32, #tpu.memory_space<vmem>>, vector<16xf32>,
        %get3A_519 = arith.index_cast %scan3A_480 : i32 to index
        %get3A_520 = arith.constant 48 : index
        %get3A_521 = tpu.vector_load %arg20[%get3A_519, %get3A_520] {strides = array<i32>} : memref<8x512xf32, #tpu.memory_space<vmem>>, vector<16xf32>,
        %sub3A_522 = arith.subf %get3A_518, %get3A_521 : vector<16xf32>
        %mul3A_523 = arith.mulf %sub3A_522, %sub3A_522 : vector<16xf32>
        %add3A_524 = arith.addf %broadcast_in_dim3A_489, %mul3A_523 : vector<16xf32>
        %get3A_525 = arith.index_cast %scan3A_480 : i32 to index
        %get3A_526 = arith.constant 64 : index
        %get3A_527 = tpu.vector_load %arg16[%get3A_525, %get3A_526] {strides = array<i32>} : memref<8x512xf32, #tpu.memory_space<vmem>>, vector<16xf32>,
        %get3A_528 = arith.index_cast %scan3A_480 : i32 to index
        %get3A_529 = arith.constant 64 : index
        %get3A_530 = tpu.vector_load %arg20[%get3A_528, %get3A_529] {strides = array<i32>} : memref<8x512xf32, #tpu.memory_space<vmem>>, vector<16xf32>,
        %sub3A_531 = arith.subf %get3A_527, %get3A_530 : vector<16xf32>
        %mul3A_532 = arith.mulf %sub3A_531, %sub3A_531 : vector<16xf32>
        %add3A_533 = arith.addf %add3A_497, %mul3A_532 : vector<16xf32>
        %get3A_534 = arith.index_cast %scan3A_480 : i32 to index
        %get3A_535 = arith.constant 80 : index
        %get3A_536 = tpu.vector_load %arg16[%get3A_534, %get3A_535] {strides = array<i32>} : memref<8x512xf32, #tpu.memory_space<vmem>>, vector<16xf32>,
        %get3A_537 = arith.index_cast %scan3A_480 : i32 to index
        %get3A_538 = arith.constant 80 : index
        %get3A_539 = tpu.vector_load %arg20[%get3A_537, %get3A_538] {strides = array<i32>} : memref<8x512xf32, #tpu.memory_space<vmem>>, vector<16xf32>,
        %sub3A_540 = arith.subf %get3A_536, %get3A_539 : vector<16xf32>
        %mul3A_541 = arith.mulf %sub3A_540, %sub3A_540 : vector<16xf32>
        %add3A_542 = arith.addf %add3A_506, %mul3A_541 : vector<16xf32>
        %get3A_543 = arith.index_cast %scan3A_480 : i32 to index
        %get3A_544 = arith.constant 96 : index
        %get3A_545 = tpu.vector_load %arg16[%get3A_543, %get3A_544] {strides = array<i32>} : memref<8x512xf32, #tpu.memory_space<vmem>>, vector<16xf32>,
        %get3A_546 = arith.index_cast %scan3A_480 : i32 to index
        %get3A_547 = arith.constant 96 : index
        %get3A_548 = tpu.vector_load %arg20[%get3A_546, %get3A_547] {strides = array<i32>} : memref<8x512xf32, #tpu.memory_space<vmem>>, vector<16xf32>,
        %sub3A_549 = arith.subf %get3A_545, %get3A_548 : vector<16xf32>
        %mul3A_550 = arith.mulf %sub3A_549, %sub3A_549 : vector<16xf32>
        %add3A_551 = arith.addf %add3A_515, %mul3A_550 : vector<16xf32>
        %get3A_552 = arith.index_cast %scan3A_480 : i32 to index
        %get3A_553 = arith.constant 112 : index
        %get3A_554 = tpu.vector_load %arg16[%get3A_552, %get3A_553] {strides = array<i32>} : memref<8x512xf32, #tpu.memory_space<vmem>>, vector<16xf32>,
        %get3A_555 = arith.index_cast %scan3A_480 : i32 to index
        %get3A_556 = arith.constant 112 : index
        %get3A_557 = tpu.vector_load %arg20[%get3A_555, %get3A_556] {strides = array<i32>} : memref<8x512xf32, #tpu.memory_space<vmem>>, vector<16xf32>,
        %sub3A_558 = arith.subf %get3A_554, %get3A_557 : vector<16xf32>
        %mul3A_559 = arith.mulf %sub3A_558, %sub3A_558 : vector<16xf32>
        %add3A_560 = arith.addf %add3A_524, %mul3A_559 : vector<16xf32>
        %get3A_561 = arith.index_cast %scan3A_480 : i32 to index
        %get3A_562 = arith.constant 128 : index
        %get3A_563 = tpu.vector_load %arg16[%get3A_561, %get3A_562] {strides = array<i32>} : memref<8x512xf32, #tpu.memory_space<vmem>>, vector<16xf32>,
        %get3A_564 = arith.index_cast %scan3A_480 : i32 to index
        %get3A_565 = arith.constant 128 : index
        %get3A_566 = tpu.vector_load %arg20[%get3A_564, %get3A_565] {strides = array<i32>} : memref<8x512xf32, #tpu.memory_space<vmem>>, vector<16xf32>,
        %sub3A_567 = arith.subf %get3A_563, %get3A_566 : vector<16xf32>
        %mul3A_568 = arith.mulf %sub3A_567, %sub3A_567 : vector<16xf32>
        %add3A_569 = arith.addf %add3A_533, %mul3A_568 : vector<16xf32>
        %get3A_570 = arith.index_cast %scan3A_480 : i32 to index
        %get3A_571 = arith.constant 144 : index
        %get3A_572 = tpu.vector_load %arg16[%get3A_570, %get3A_571] {strides = array<i32>} : memref<8x512xf32, #tpu.memory_space<vmem>>, vector<16xf32>,
        %get3A_573 = arith.index_cast %scan3A_480 : i32 to index
        %get3A_574 = arith.constant 144 : index
        %get3A_575 = tpu.vector_load %arg20[%get3A_573, %get3A_574] {strides = array<i32>} : memref<8x512xf32, #tpu.memory_space<vmem>>, vector<16xf32>,
        %sub3A_576 = arith.subf %get3A_572, %get3A_575 : vector<16xf32>
        %mul3A_577 = arith.mulf %sub3A_576, %sub3A_576 : vector<16xf32>
        %add3A_578 = arith.addf %add3A_542, %mul3A_577 : vector<16xf32>
        %get3A_579 = arith.index_cast %scan3A_480 : i32 to index
        %get3A_580 = arith.constant 160 : index
        %get3A_581 = tpu.vector_load %arg16[%get3A_579, %get3A_580] {strides = array<i32>} : memref<8x512xf32, #tpu.memory_space<vmem>>, vector<16xf32>,
        %get3A_582 = arith.index_cast %scan3A_480 : i32 to index
        %get3A_583 = arith.constant 160 : index
        %get3A_584 = tpu.vector_load %arg20[%get3A_582, %get3A_583] {strides = array<i32>} : memref<8x512xf32, #tpu.memory_space<vmem>>, vector<16xf32>,
        %sub3A_585 = arith.subf %get3A_581, %get3A_584 : vector<16xf32>
        %mul3A_586 = arith.mulf %sub3A_585, %sub3A_585 : vector<16xf32>
        %add3A_587 = arith.addf %add3A_551, %mul3A_586 : vector<16xf32>
        %get3A_588 = arith.index_cast %scan3A_480 : i32 to index
        %get3A_589 = arith.constant 176 : index
        %get3A_590 = tpu.vector_load %arg16[%get3A_588, %get3A_589] {strides = array<i32>} : memref<8x512xf32, #tpu.memory_space<vmem>>, vector<16xf32>,
        %get3A_591 = arith.index_cast %scan3A_480 : i32 to index
        %get3A_592 = arith.constant 176 : index
        %get3A_593 = tpu.vector_load %arg20[%get3A_591, %get3A_592] {strides = array<i32>} : memref<8x512xf32, #tpu.memory_space<vmem>>, vector<16xf32>,
        %sub3A_594 = arith.subf %get3A_590, %get3A_593 : vector<16xf32>
        %mul3A_595 = arith.mulf %sub3A_594, %sub3A_594 : vector<16xf32>
        %add3A_596 = arith.addf %add3A_560, %mul3A_595 : vector<16xf32>
        %get3A_597 = arith.index_cast %scan3A_480 : i32 to index
        %get3A_598 = arith.constant 192 : index
        %get3A_599 = tpu.vector_load %arg16[%get3A_597, %get3A_598] {strides = array<i32>} : memref<8x512xf32, #tpu.memory_space<vmem>>, vector<16xf32>,
        %get3A_600 = arith.index_cast %scan3A_480 : i32 to index
        %get3A_601 = arith.constant 192 : index
        %get3A_602 = tpu.vector_load %arg20[%get3A_600, %get3A_601] {strides = array<i32>} : memref<8x512xf32, #tpu.memory_space<vmem>>, vector<16xf32>,
        %sub3A_603 = arith.subf %get3A_599, %get3A_602 : vector<16xf32>
        %mul3A_604 = arith.mulf %sub3A_603, %sub3A_603 : vector<16xf32>
        %add3A_605 = arith.addf %add3A_569, %mul3A_604 : vector<16xf32>
        %get3A_606 = arith.index_cast %scan3A_480 : i32 to index
        %get3A_607 = arith.constant 208 : index
        %get3A_608 = tpu.vector_load %arg16[%get3A_606, %get3A_607] {strides = array<i32>} : memref<8x512xf32, #tpu.memory_space<vmem>>, vector<16xf32>,
        %get3A_609 = arith.index_cast %scan3A_480 : i32 to index
        %get3A_610 = arith.constant 208 : index
        %get3A_611 = tpu.vector_load %arg20[%get3A_609, %get3A_610] {strides = array<i32>} : memref<8x512xf32, #tpu.memory_space<vmem>>, vector<16xf32>,
        %sub3A_612 = arith.subf %get3A_608, %get3A_611 : vector<16xf32>
        %mul3A_613 = arith.mulf %sub3A_612, %sub3A_612 : vector<16xf32>
        %add3A_614 = arith.addf %add3A_578, %mul3A_613 : vector<16xf32>
        %get3A_615 = arith.index_cast %scan3A_480 : i32 to index
        %get3A_616 = arith.constant 224 : index
        %get3A_617 = tpu.vector_load %arg16[%get3A_615, %get3A_616] {strides = array<i32>} : memref<8x512xf32, #tpu.memory_space<vmem>>, vector<16xf32>,
        %get3A_618 = arith.index_cast %scan3A_480 : i32 to index
        %get3A_619 = arith.constant 224 : index
        %get3A_620 = tpu.vector_load %arg20[%get3A_618, %get3A_619] {strides = array<i32>} : memref<8x512xf32, #tpu.memory_space<vmem>>, vector<16xf32>,
        %sub3A_621 = arith.subf %get3A_617, %get3A_620 : vector<16xf32>
        %mul3A_622 = arith.mulf %sub3A_621, %sub3A_621 : vector<16xf32>
        %add3A_623 = arith.addf %add3A_587, %mul3A_622 : vector<16xf32>
        %get3A_624 = arith.index_cast %scan3A_480 : i32 to index
        %get3A_625 = arith.constant 240 : index
        %get3A_626 = tpu.vector_load %arg16[%get3A_624, %get3A_625] {strides = array<i32>} : memref<8x512xf32, #tpu.memory_space<vmem>>, vector<16xf32>,
        %get3A_627 = arith.index_cast %scan3A_480 : i32 to index
        %get3A_628 = arith.constant 240 : index
        %get3A_629 = tpu.vector_load %arg20[%get3A_627, %get3A_628] {strides = array<i32>} : memref<8x512xf32, #tpu.memory_space<vmem>>, vector<16xf32>,
        %sub3A_630 = arith.subf %get3A_626, %get3A_629 : vector<16xf32>
        %mul3A_631 = arith.mulf %sub3A_630, %sub3A_630 : vector<16xf32>
        %add3A_632 = arith.addf %add3A_596, %mul3A_631 : vector<16xf32>
        %get3A_633 = arith.index_cast %scan3A_480 : i32 to index
        %get3A_634 = arith.constant 256 : index
        %get3A_635 = tpu.vector_load %arg16[%get3A_633, %get3A_634] {strides = array<i32>} : memref<8x512xf32, #tpu.memory_space<vmem>>, vector<16xf32>,
        %get3A_636 = arith.index_cast %scan3A_480 : i32 to index
        %get3A_637 = arith.constant 256 : index
        %get3A_638 = tpu.vector_load %arg20[%get3A_636, %get3A_637] {strides = array<i32>} : memref<8x512xf32, #tpu.memory_space<vmem>>, vector<16xf32>,
        %sub3A_639 = arith.subf %get3A_635, %get3A_638 : vector<16xf32>
        %mul3A_640 = arith.mulf %sub3A_639, %sub3A_639 : vector<16xf32>
        %add3A_641 = arith.addf %add3A_605, %mul3A_640 : vector<16xf32>
        %get3A_642 = arith.index_cast %scan3A_480 : i32 to index
        %get3A_643 = arith.constant 272 : index
        %get3A_644 = tpu.vector_load %arg16[%get3A_642, %get3A_643] {strides = array<i32>} : memref<8x512xf32, #tpu.memory_space<vmem>>, vector<16xf32>,
        %get3A_645 = arith.index_cast %scan3A_480 : i32 to index
        %get3A_646 = arith.constant 272 : index
        %get3A_647 = tpu.vector_load %arg20[%get3A_645, %get3A_646] {strides = array<i32>} : memref<8x512xf32, #tpu.memory_space<vmem>>, vector<16xf32>,
        %sub3A_648 = arith.subf %get3A_644, %get3A_647 : vector<16xf32>
        %mul3A_649 = arith.mulf %sub3A_648, %sub3A_648 : vector<16xf32>
        %add3A_650 = arith.addf %add3A_614, %mul3A_649 : vector<16xf32>
        %get3A_651 = arith.index_cast %scan3A_480 : i32 to index
        %get3A_652 = arith.constant 288 : index
        %get3A_653 = tpu.vector_load %arg16[%get3A_651, %get3A_652] {strides = array<i32>} : memref<8x512xf32, #tpu.memory_space<vmem>>, vector<16xf32>,
        %get3A_654 = arith.index_cast %scan3A_480 : i32 to index
        %get3A_655 = arith.constant 288 : index
        %get3A_656 = tpu.vector_load %arg20[%get3A_654, %get3A_655] {strides = array<i32>} : memref<8x512xf32, #tpu.memory_space<vmem>>, vector<16xf32>,
        %sub3A_657 = arith.subf %get3A_653, %get3A_656 : vector<16xf32>
        %mul3A_658 = arith.mulf %sub3A_657, %sub3A_657 : vector<16xf32>
        %add3A_659 = arith.addf %add3A_623, %mul3A_658 : vector<16xf32>
        %get3A_660 = arith.index_cast %scan3A_480 : i32 to index
        %get3A_661 = arith.constant 304 : index
        %get3A_662 = tpu.vector_load %arg16[%get3A_660, %get3A_661] {strides = array<i32>} : memref<8x512xf32, #tpu.memory_space<vmem>>, vector<16xf32>,
        %get3A_663 = arith.index_cast %scan3A_480 : i32 to index
        %get3A_664 = arith.constant 304 : index
        %get3A_665 = tpu.vector_load %arg20[%get3A_663, %get3A_664] {strides = array<i32>} : memref<8x512xf32, #tpu.memory_space<vmem>>, vector<16xf32>,
        %sub3A_666 = arith.subf %get3A_662, %get3A_665 : vector<16xf32>
        %mul3A_667 = arith.mulf %sub3A_666, %sub3A_666 : vector<16xf32>
        %add3A_668 = arith.addf %add3A_632, %mul3A_667 : vector<16xf32>
        %get3A_669 = arith.index_cast %scan3A_480 : i32 to index
        %get3A_670 = arith.constant 320 : index
        %get3A_671 = tpu.vector_load %arg16[%get3A_669, %get3A_670] {strides = array<i32>} : memref<8x512xf32, #tpu.memory_space<vmem>>, vector<16xf32>,
        %get3A_672 = arith.index_cast %scan3A_480 : i32 to index
        %get3A_673 = arith.constant 320 : index
        %get3A_674 = tpu.vector_load %arg20[%get3A_672, %get3A_673] {strides = array<i32>} : memref<8x512xf32, #tpu.memory_space<vmem>>, vector<16xf32>,
        %sub3A_675 = arith.subf %get3A_671, %get3A_674 : vector<16xf32>
        %mul3A_676 = arith.mulf %sub3A_675, %sub3A_675 : vector<16xf32>
        %add3A_677 = arith.addf %add3A_641, %mul3A_676 : vector<16xf32>
        %get3A_678 = arith.index_cast %scan3A_480 : i32 to index
        %get3A_679 = arith.constant 336 : index
        %get3A_680 = tpu.vector_load %arg16[%get3A_678, %get3A_679] {strides = array<i32>} : memref<8x512xf32, #tpu.memory_space<vmem>>, vector<16xf32>,
        %get3A_681 = arith.index_cast %scan3A_480 : i32 to index
        %get3A_682 = arith.constant 336 : index
        %get3A_683 = tpu.vector_load %arg20[%get3A_681, %get3A_682] {strides = array<i32>} : memref<8x512xf32, #tpu.memory_space<vmem>>, vector<16xf32>,
        %sub3A_684 = arith.subf %get3A_680, %get3A_683 : vector<16xf32>
        %mul3A_685 = arith.mulf %sub3A_684, %sub3A_684 : vector<16xf32>
        %add3A_686 = arith.addf %add3A_650, %mul3A_685 : vector<16xf32>
        %get3A_687 = arith.index_cast %scan3A_480 : i32 to index
        %get3A_688 = arith.constant 352 : index
        %get3A_689 = tpu.vector_load %arg16[%get3A_687, %get3A_688] {strides = array<i32>} : memref<8x512xf32, #tpu.memory_space<vmem>>, vector<16xf32>,
        %get3A_690 = arith.index_cast %scan3A_480 : i32 to index
        %get3A_691 = arith.constant 352 : index
        %get3A_692 = tpu.vector_load %arg20[%get3A_690, %get3A_691] {strides = array<i32>} : memref<8x512xf32, #tpu.memory_space<vmem>>, vector<16xf32>,
        %sub3A_693 = arith.subf %get3A_689, %get3A_692 : vector<16xf32>
        %mul3A_694 = arith.mulf %sub3A_693, %sub3A_693 : vector<16xf32>
        %add3A_695 = arith.addf %add3A_659, %mul3A_694 : vector<16xf32>
        %get3A_696 = arith.index_cast %scan3A_480 : i32 to index
        %get3A_697 = arith.constant 368 : index
        %get3A_698 = tpu.vector_load %arg16[%get3A_696, %get3A_697] {strides = array<i32>} : memref<8x512xf32, #tpu.memory_space<vmem>>, vector<16xf32>,
        %get3A_699 = arith.index_cast %scan3A_480 : i32 to index
        %get3A_700 = arith.constant 368 : index
        %get3A_701 = tpu.vector_load %arg20[%get3A_699, %get3A_700] {strides = array<i32>} : memref<8x512xf32, #tpu.memory_space<vmem>>, vector<16xf32>,
        %sub3A_702 = arith.subf %get3A_698, %get3A_701 : vector<16xf32>
        %mul3A_703 = arith.mulf %sub3A_702, %sub3A_702 : vector<16xf32>
        %add3A_704 = arith.addf %add3A_668, %mul3A_703 : vector<16xf32>
        %get3A_705 = arith.index_cast %scan3A_480 : i32 to index
        %get3A_706 = arith.constant 384 : index
        %get3A_707 = tpu.vector_load %arg16[%get3A_705, %get3A_706] {strides = array<i32>} : memref<8x512xf32, #tpu.memory_space<vmem>>, vector<16xf32>,
        %get3A_708 = arith.index_cast %scan3A_480 : i32 to index
        %get3A_709 = arith.constant 384 : index
        %get3A_710 = tpu.vector_load %arg20[%get3A_708, %get3A_709] {strides = array<i32>} : memref<8x512xf32, #tpu.memory_space<vmem>>, vector<16xf32>,
        %sub3A_711 = arith.subf %get3A_707, %get3A_710 : vector<16xf32>
        %mul3A_712 = arith.mulf %sub3A_711, %sub3A_711 : vector<16xf32>
        %add3A_713 = arith.addf %add3A_677, %mul3A_712 : vector<16xf32>
        %get3A_714 = arith.index_cast %scan3A_480 : i32 to index
        %get3A_715 = arith.constant 400 : index
        %get3A_716 = tpu.vector_load %arg16[%get3A_714, %get3A_715] {strides = array<i32>} : memref<8x512xf32, #tpu.memory_space<vmem>>, vector<16xf32>,
        %get3A_717 = arith.index_cast %scan3A_480 : i32 to index
        %get3A_718 = arith.constant 400 : index
        %get3A_719 = tpu.vector_load %arg20[%get3A_717, %get3A_718] {strides = array<i32>} : memref<8x512xf32, #tpu.memory_space<vmem>>, vector<16xf32>,
        %sub3A_720 = arith.subf %get3A_716, %get3A_719 : vector<16xf32>
        %mul3A_721 = arith.mulf %sub3A_720, %sub3A_720 : vector<16xf32>
        %add3A_722 = arith.addf %add3A_686, %mul3A_721 : vector<16xf32>
        %get3A_723 = arith.index_cast %scan3A_480 : i32 to index
        %get3A_724 = arith.constant 416 : index
        %get3A_725 = tpu.vector_load %arg16[%get3A_723, %get3A_724] {strides = array<i32>} : memref<8x512xf32, #tpu.memory_space<vmem>>, vector<16xf32>,
        %get3A_726 = arith.index_cast %scan3A_480 : i32 to index
        %get3A_727 = arith.constant 416 : index
        %get3A_728 = tpu.vector_load %arg20[%get3A_726, %get3A_727] {strides = array<i32>} : memref<8x512xf32, #tpu.memory_space<vmem>>, vector<16xf32>,
        %sub3A_729 = arith.subf %get3A_725, %get3A_728 : vector<16xf32>
        %mul3A_730 = arith.mulf %sub3A_729, %sub3A_729 : vector<16xf32>
        %add3A_731 = arith.addf %add3A_695, %mul3A_730 : vector<16xf32>
        %get3A_732 = arith.index_cast %scan3A_480 : i32 to index
        %get3A_733 = arith.constant 432 : index
        %get3A_734 = tpu.vector_load %arg16[%get3A_732, %get3A_733] {strides = array<i32>} : memref<8x512xf32, #tpu.memory_space<vmem>>, vector<16xf32>,
        %get3A_735 = arith.index_cast %scan3A_480 : i32 to index
        %get3A_736 = arith.constant 432 : index
        %get3A_737 = tpu.vector_load %arg20[%get3A_735, %get3A_736] {strides = array<i32>} : memref<8x512xf32, #tpu.memory_space<vmem>>, vector<16xf32>,
        %sub3A_738 = arith.subf %get3A_734, %get3A_737 : vector<16xf32>
        %mul3A_739 = arith.mulf %sub3A_738, %sub3A_738 : vector<16xf32>
        %add3A_740 = arith.addf %add3A_704, %mul3A_739 : vector<16xf32>
        %get3A_741 = arith.index_cast %scan3A_480 : i32 to index
        %get3A_742 = arith.constant 448 : index
        %get3A_743 = tpu.vector_load %arg16[%get3A_741, %get3A_742] {strides = array<i32>} : memref<8x512xf32, #tpu.memory_space<vmem>>, vector<16xf32>,
        %get3A_744 = arith.index_cast %scan3A_480 : i32 to index
        %get3A_745 = arith.constant 448 : index
        %get3A_746 = tpu.vector_load %arg20[%get3A_744, %get3A_745] {strides = array<i32>} : memref<8x512xf32, #tpu.memory_space<vmem>>, vector<16xf32>,
        %sub3A_747 = arith.subf %get3A_743, %get3A_746 : vector<16xf32>
        %mul3A_748 = arith.mulf %sub3A_747, %sub3A_747 : vector<16xf32>
        %add3A_749 = arith.addf %add3A_713, %mul3A_748 : vector<16xf32>
        %get3A_750 = arith.index_cast %scan3A_480 : i32 to index
        %get3A_751 = arith.constant 464 : index
        %get3A_752 = tpu.vector_load %arg16[%get3A_750, %get3A_751] {strides = array<i32>} : memref<8x512xf32, #tpu.memory_space<vmem>>, vector<16xf32>,
        %get3A_753 = arith.index_cast %scan3A_480 : i32 to index
        %get3A_754 = arith.constant 464 : index
        %get3A_755 = tpu.vector_load %arg20[%get3A_753, %get3A_754] {strides = array<i32>} : memref<8x512xf32, #tpu.memory_space<vmem>>, vector<16xf32>,
        %sub3A_756 = arith.subf %get3A_752, %get3A_755 : vector<16xf32>
        %mul3A_757 = arith.mulf %sub3A_756, %sub3A_756 : vector<16xf32>
        %add3A_758 = arith.addf %add3A_722, %mul3A_757 : vector<16xf32>
        %get3A_759 = arith.index_cast %scan3A_480 : i32 to index
        %get3A_760 = arith.constant 480 : index
        %get3A_761 = tpu.vector_load %arg16[%get3A_759, %get3A_760] {strides = array<i32>} : memref<8x512xf32, #tpu.memory_space<vmem>>, vector<16xf32>,
        %get3A_762 = arith.index_cast %scan3A_480 : i32 to index
        %get3A_763 = arith.constant 480 : index
        %get3A_764 = tpu.vector_load %arg20[%get3A_762, %get3A_763] {strides = array<i32>} : memref<8x512xf32, #tpu.memory_space<vmem>>, vector<16xf32>,
        %sub3A_765 = arith.subf %get3A_761, %get3A_764 : vector<16xf32>
        %mul3A_766 = arith.mulf %sub3A_765, %sub3A_765 : vector<16xf32>
        %add3A_767 = arith.addf %add3A_731, %mul3A_766 : vector<16xf32>
        %get3A_768 = arith.index_cast %scan3A_480 : i32 to index
        %get3A_769 = arith.constant 496 : index
        %get3A_770 = tpu.vector_load %arg16[%get3A_768, %get3A_769] {strides = array<i32>} : memref<8x512xf32, #tpu.memory_space<vmem>>, vector<16xf32>,
        %get3A_771 = arith.index_cast %scan3A_480 : i32 to index
        %get3A_772 = arith.constant 496 : index
        %get3A_773 = tpu.vector_load %arg20[%get3A_771, %get3A_772] {strides = array<i32>} : memref<8x512xf32, #tpu.memory_space<vmem>>, vector<16xf32>,
        %sub3A_774 = arith.subf %get3A_770, %get3A_773 : vector<16xf32>
        %mul3A_775 = arith.mulf %sub3A_774, %sub3A_774 : vector<16xf32>
        %add3A_776 = arith.addf %add3A_740, %mul3A_775 : vector<16xf32>
        %add3A_777 = arith.addf %add3A_749, %add3A_758 : vector<16xf32>
        %add3A_778 = arith.addf %add3A_767, %add3A_776 : vector<16xf32>
        %add3A_779 = arith.addf %add3A_777, %add3A_778 : vector<16xf32>
        %mul3A_780 = arith.constant 8 : i32
        %mul3A_781 = arith.muli %add3A_427, %mul3A_780 : i32
        %broadcast_in_dim3A_782 = vector.broadcast %mul3A_781 : i32 to vector<16xi32>
        %add3A_783 = vector.broadcast %scan3A_480 : i32 to vector<16xi32>
        %add3A_784 = arith.addi %broadcast_in_dim3A_782, %add3A_783 : vector<16xi32>
        %gather3A = tpu.vector_load_idx %arg13[%add3A_784] : memref<512xf32, #tpu.memory_space<vmem>>[vector<16xi32>], vector<16xf32>,
        %mul3A_785 = arith.mulf %add3A_779, %gather3A : vector<16xf32>
        %add3A_786 = arith.addf %scan3A_481, %mul3A_785 : vector<16xf32>
        scf.yield %add3A_786 : vector<16xf32>
      }
      %scan3A_451 = arith.constant 8 : i32
      %mul3A_452 = arith.constant 4 : i32
      %mul3A_453 = arith.muli %scan3A_370, %mul3A_452 : i32
      %add3A_454 = arith.constant 3 : i32
      %add3A_455 = arith.addi %mul3A_453, %add3A_454 : i32
      %add3A_456 = arith.constant 4 : i32
      %add3A_457 = arith.addi %add3A_455, %add3A_456 : i32
      %sub3A_458 = arith.constant 1 : i32
      %sub3A_459 = arith.subi %add3A_457, %sub3A_458 : i32
      %lt3A_460 = arith.constant 64 : i32
      %lt3A_461 = arith.cmpi slt, %sub3A_459, %lt3A_460 : i32
      %convert_element_type3A_462 = arith.extui %lt3A_461 : i1 to i32
      %cond3A_463 = arith.constant 0 : i32
      %cond3A_464 = arith.cmpi ne, %convert_element_type3A_462, %cond3A_463 : i32
      scf.if %cond3A_464 {
        %mul3A_480 = arith.constant 8 : i32
        %mul3A_481 = arith.muli %sub3A_459, %mul3A_480 : i32
        %add3A_482 = arith.addi %mul3A_2, %mul3A_481 : i32
        %dma_start3A_483 = arith.constant 0 : i32
        %dma_start3A_484 = tpu.memref_slice %arg2[%add3A_482, %dma_start3A_483] : memref<16384x512xf32, #tpu.memory_space<hbm>> -> memref<8x512xf32, #tpu.memory_space<hbm>>
        %dma_start3A_485 = arith.constant 0 : i32
        %dma_start3A_486 = tpu.memref_slice %arg2[%add3A_482, %dma_start3A_485] : memref<16384x512xf32, #tpu.memory_space<hbm>> -> memref<8x512xf32, #tpu.memory_space<hbm>>
        tpu.enqueue_dma source(%dma_start3A_486 : memref<8x512xf32, #tpu.memory_space<hbm>>) target(%arg16 : memref<8x512xf32, #tpu.memory_space<vmem>>) target_semaphore(%arg26 : memref<!tpu.dma_semaphore, #tpu.memory_space<semaphore_mem>>)
        %mul3A_487 = arith.constant 8 : i32
        %mul3A_488 = arith.muli %sub3A_459, %mul3A_487 : i32
        %dma_start3A_489 = tpu.memref_slice %arg11[%mul3A_488] : memref<512xi32, #tpu.memory_space<vmem>> -> memref<8xi32, #tpu.memory_space<vmem>>
        %dma_start3A_490 = arith.constant 0 : i32
        %dma_start3A_491 = arith.constant 0 : i32
        %dma_start3A_492 = tpu.memref_slice %arg4[%dma_start3A_490, %dma_start3A_491] : memref<10000x512xf32, #tpu.memory_space<hbm>> -> memref<10000x512xf32, #tpu.memory_space<hbm>>
        tpu.enqueue_indirect_dma source(%dma_start3A_492 : memref<10000x512xf32, #tpu.memory_space<hbm>>) target(%arg20 : memref<8x512xf32, #tpu.memory_space<vmem>>) offsets(%dma_start3A_489 : memref<8xi32, #tpu.memory_space<vmem>>) semaphore(%arg30 : memref<!tpu.dma_semaphore, #tpu.memory_space<semaphore_mem>>)
      } else {
      }
      %dma_wait3A_465 = arith.constant 0 : i32
      %dma_wait3A_466 = tpu.memref_slice %arg2[%mul3A_2, %dma_wait3A_465] : memref<16384x512xf32, #tpu.memory_space<hbm>> -> memref<8x512xf32, #tpu.memory_space<hbm>>
      %dma_wait3A_467 = arith.constant 0 : i32
      %dma_wait3A_468 = tpu.memref_slice %arg2[%mul3A_2, %dma_wait3A_467] : memref<16384x512xf32, #tpu.memory_space<hbm>> -> memref<8x512xf32, #tpu.memory_space<hbm>>
      tpu.wait_dma2 semaphore(%arg27 : memref<!tpu.dma_semaphore, #tpu.memory_space<semaphore_mem>>) src(%dma_wait3A_468 : memref<8x512xf32, #tpu.memory_space<hbm>>) dst(%arg17 : memref<8x512xf32, #tpu.memory_space<vmem>>)
      %dma_wait3A_469 = arith.constant 0 : i32
      %dma_wait3A_470 = tpu.memref_slice %arg11[%dma_wait3A_469] : memref<512xi32, #tpu.memory_space<vmem>> -> memref<8xi32, #tpu.memory_space<vmem>>
      %dma_wait3A_471 = arith.constant 0 : i32
      %dma_wait3A_472 = arith.constant 0 : i32
      %dma_wait3A_473 = tpu.memref_slice %arg4[%dma_wait3A_471, %dma_wait3A_472] : memref<10000x512xf32, #tpu.memory_space<hbm>> -> memref<10000x512xf32, #tpu.memory_space<hbm>>
      tpu.wait_indirect_dma semaphore(%arg31 : memref<!tpu.dma_semaphore, #tpu.memory_space<semaphore_mem>>) src(%dma_wait3A_473 : memref<10000x512xf32, #tpu.memory_space<hbm>>) dst(%arg21 : memref<8x512xf32, #tpu.memory_space<vmem>>)
      %scan3A_474 = arith.constant 0 : i32
      %scan3A_475 = arith.constant 8 : i32
      %scan3A_476 = arith.addi %scan3A_474, %scan3A_475 : i32
      %scan3A_477 = arith.constant 1 : i32
      %scan3A_478 = scf.for %scan3A_480 = %scan3A_474 to %scan3A_476 step %scan3A_477 iter_args(%scan3A_481 = %scan3A_450) -> (vector<16xf32>)  : i32 {
        %broadcast_in_dim3A_482 = arith.constant 0.000000e+00 : f32
        %broadcast_in_dim3A_483 = vector.broadcast %broadcast_in_dim3A_482 : f32 to vector<16xf32>
        %broadcast_in_dim3A_484 = arith.constant 0.000000e+00 : f32
        %broadcast_in_dim3A_485 = vector.broadcast %broadcast_in_dim3A_484 : f32 to vector<16xf32>
        %broadcast_in_dim3A_486 = arith.constant 0.000000e+00 : f32
        %broadcast_in_dim3A_487 = vector.broadcast %broadcast_in_dim3A_486 : f32 to vector<16xf32>
        %broadcast_in_dim3A_488 = arith.constant 0.000000e+00 : f32
        %broadcast_in_dim3A_489 = vector.broadcast %broadcast_in_dim3A_488 : f32 to vector<16xf32>
        %get3A = arith.index_cast %scan3A_480 : i32 to index
        %get3A_490 = arith.constant 0 : index
        %get3A_491 = tpu.vector_load %arg17[%get3A, %get3A_490] {strides = array<i32>} : memref<8x512xf32, #tpu.memory_space<vmem>>, vector<16xf32>,
        %get3A_492 = arith.index_cast %scan3A_480 : i32 to index
        %get3A_493 = arith.constant 0 : index
        %get3A_494 = tpu.vector_load %arg21[%get3A_492, %get3A_493] {strides = array<i32>} : memref<8x512xf32, #tpu.memory_space<vmem>>, vector<16xf32>,
        %sub3A_495 = arith.subf %get3A_491, %get3A_494 : vector<16xf32>
        %mul3A_496 = arith.mulf %sub3A_495, %sub3A_495 : vector<16xf32>
        %add3A_497 = arith.addf %broadcast_in_dim3A_483, %mul3A_496 : vector<16xf32>
        %get3A_498 = arith.index_cast %scan3A_480 : i32 to index
        %get3A_499 = arith.constant 16 : index
        %get3A_500 = tpu.vector_load %arg17[%get3A_498, %get3A_499] {strides = array<i32>} : memref<8x512xf32, #tpu.memory_space<vmem>>, vector<16xf32>,
        %get3A_501 = arith.index_cast %scan3A_480 : i32 to index
        %get3A_502 = arith.constant 16 : index
        %get3A_503 = tpu.vector_load %arg21[%get3A_501, %get3A_502] {strides = array<i32>} : memref<8x512xf32, #tpu.memory_space<vmem>>, vector<16xf32>,
        %sub3A_504 = arith.subf %get3A_500, %get3A_503 : vector<16xf32>
        %mul3A_505 = arith.mulf %sub3A_504, %sub3A_504 : vector<16xf32>
        %add3A_506 = arith.addf %broadcast_in_dim3A_485, %mul3A_505 : vector<16xf32>
        %get3A_507 = arith.index_cast %scan3A_480 : i32 to index
        %get3A_508 = arith.constant 32 : index
        %get3A_509 = tpu.vector_load %arg17[%get3A_507, %get3A_508] {strides = array<i32>} : memref<8x512xf32, #tpu.memory_space<vmem>>, vector<16xf32>,
        %get3A_510 = arith.index_cast %scan3A_480 : i32 to index
        %get3A_511 = arith.constant 32 : index
        %get3A_512 = tpu.vector_load %arg21[%get3A_510, %get3A_511] {strides = array<i32>} : memref<8x512xf32, #tpu.memory_space<vmem>>, vector<16xf32>,
        %sub3A_513 = arith.subf %get3A_509, %get3A_512 : vector<16xf32>
        %mul3A_514 = arith.mulf %sub3A_513, %sub3A_513 : vector<16xf32>
        %add3A_515 = arith.addf %broadcast_in_dim3A_487, %mul3A_514 : vector<16xf32>
        %get3A_516 = arith.index_cast %scan3A_480 : i32 to index
        %get3A_517 = arith.constant 48 : index
        %get3A_518 = tpu.vector_load %arg17[%get3A_516, %get3A_517] {strides = array<i32>} : memref<8x512xf32, #tpu.memory_space<vmem>>, vector<16xf32>,
        %get3A_519 = arith.index_cast %scan3A_480 : i32 to index
        %get3A_520 = arith.constant 48 : index
        %get3A_521 = tpu.vector_load %arg21[%get3A_519, %get3A_520] {strides = array<i32>} : memref<8x512xf32, #tpu.memory_space<vmem>>, vector<16xf32>,
        %sub3A_522 = arith.subf %get3A_518, %get3A_521 : vector<16xf32>
        %mul3A_523 = arith.mulf %sub3A_522, %sub3A_522 : vector<16xf32>
        %add3A_524 = arith.addf %broadcast_in_dim3A_489, %mul3A_523 : vector<16xf32>
        %get3A_525 = arith.index_cast %scan3A_480 : i32 to index
        %get3A_526 = arith.constant 64 : index
        %get3A_527 = tpu.vector_load %arg17[%get3A_525, %get3A_526] {strides = array<i32>} : memref<8x512xf32, #tpu.memory_space<vmem>>, vector<16xf32>,
        %get3A_528 = arith.index_cast %scan3A_480 : i32 to index
        %get3A_529 = arith.constant 64 : index
        %get3A_530 = tpu.vector_load %arg21[%get3A_528, %get3A_529] {strides = array<i32>} : memref<8x512xf32, #tpu.memory_space<vmem>>, vector<16xf32>,
        %sub3A_531 = arith.subf %get3A_527, %get3A_530 : vector<16xf32>
        %mul3A_532 = arith.mulf %sub3A_531, %sub3A_531 : vector<16xf32>
        %add3A_533 = arith.addf %add3A_497, %mul3A_532 : vector<16xf32>
        %get3A_534 = arith.index_cast %scan3A_480 : i32 to index
        %get3A_535 = arith.constant 80 : index
        %get3A_536 = tpu.vector_load %arg17[%get3A_534, %get3A_535] {strides = array<i32>} : memref<8x512xf32, #tpu.memory_space<vmem>>, vector<16xf32>,
        %get3A_537 = arith.index_cast %scan3A_480 : i32 to index
        %get3A_538 = arith.constant 80 : index
        %get3A_539 = tpu.vector_load %arg21[%get3A_537, %get3A_538] {strides = array<i32>} : memref<8x512xf32, #tpu.memory_space<vmem>>, vector<16xf32>,
        %sub3A_540 = arith.subf %get3A_536, %get3A_539 : vector<16xf32>
        %mul3A_541 = arith.mulf %sub3A_540, %sub3A_540 : vector<16xf32>
        %add3A_542 = arith.addf %add3A_506, %mul3A_541 : vector<16xf32>
        %get3A_543 = arith.index_cast %scan3A_480 : i32 to index
        %get3A_544 = arith.constant 96 : index
        %get3A_545 = tpu.vector_load %arg17[%get3A_543, %get3A_544] {strides = array<i32>} : memref<8x512xf32, #tpu.memory_space<vmem>>, vector<16xf32>,
        %get3A_546 = arith.index_cast %scan3A_480 : i32 to index
        %get3A_547 = arith.constant 96 : index
        %get3A_548 = tpu.vector_load %arg21[%get3A_546, %get3A_547] {strides = array<i32>} : memref<8x512xf32, #tpu.memory_space<vmem>>, vector<16xf32>,
        %sub3A_549 = arith.subf %get3A_545, %get3A_548 : vector<16xf32>
        %mul3A_550 = arith.mulf %sub3A_549, %sub3A_549 : vector<16xf32>
        %add3A_551 = arith.addf %add3A_515, %mul3A_550 : vector<16xf32>
        %get3A_552 = arith.index_cast %scan3A_480 : i32 to index
        %get3A_553 = arith.constant 112 : index
        %get3A_554 = tpu.vector_load %arg17[%get3A_552, %get3A_553] {strides = array<i32>} : memref<8x512xf32, #tpu.memory_space<vmem>>, vector<16xf32>,
        %get3A_555 = arith.index_cast %scan3A_480 : i32 to index
        %get3A_556 = arith.constant 112 : index
        %get3A_557 = tpu.vector_load %arg21[%get3A_555, %get3A_556] {strides = array<i32>} : memref<8x512xf32, #tpu.memory_space<vmem>>, vector<16xf32>,
        %sub3A_558 = arith.subf %get3A_554, %get3A_557 : vector<16xf32>
        %mul3A_559 = arith.mulf %sub3A_558, %sub3A_558 : vector<16xf32>
        %add3A_560 = arith.addf %add3A_524, %mul3A_559 : vector<16xf32>
        %get3A_561 = arith.index_cast %scan3A_480 : i32 to index
        %get3A_562 = arith.constant 128 : index
        %get3A_563 = tpu.vector_load %arg17[%get3A_561, %get3A_562] {strides = array<i32>} : memref<8x512xf32, #tpu.memory_space<vmem>>, vector<16xf32>,
        %get3A_564 = arith.index_cast %scan3A_480 : i32 to index
        %get3A_565 = arith.constant 128 : index
        %get3A_566 = tpu.vector_load %arg21[%get3A_564, %get3A_565] {strides = array<i32>} : memref<8x512xf32, #tpu.memory_space<vmem>>, vector<16xf32>,
        %sub3A_567 = arith.subf %get3A_563, %get3A_566 : vector<16xf32>
        %mul3A_568 = arith.mulf %sub3A_567, %sub3A_567 : vector<16xf32>
        %add3A_569 = arith.addf %add3A_533, %mul3A_568 : vector<16xf32>
        %get3A_570 = arith.index_cast %scan3A_480 : i32 to index
        %get3A_571 = arith.constant 144 : index
        %get3A_572 = tpu.vector_load %arg17[%get3A_570, %get3A_571] {strides = array<i32>} : memref<8x512xf32, #tpu.memory_space<vmem>>, vector<16xf32>,
        %get3A_573 = arith.index_cast %scan3A_480 : i32 to index
        %get3A_574 = arith.constant 144 : index
        %get3A_575 = tpu.vector_load %arg21[%get3A_573, %get3A_574] {strides = array<i32>} : memref<8x512xf32, #tpu.memory_space<vmem>>, vector<16xf32>,
        %sub3A_576 = arith.subf %get3A_572, %get3A_575 : vector<16xf32>
        %mul3A_577 = arith.mulf %sub3A_576, %sub3A_576 : vector<16xf32>
        %add3A_578 = arith.addf %add3A_542, %mul3A_577 : vector<16xf32>
        %get3A_579 = arith.index_cast %scan3A_480 : i32 to index
        %get3A_580 = arith.constant 160 : index
        %get3A_581 = tpu.vector_load %arg17[%get3A_579, %get3A_580] {strides = array<i32>} : memref<8x512xf32, #tpu.memory_space<vmem>>, vector<16xf32>,
        %get3A_582 = arith.index_cast %scan3A_480 : i32 to index
        %get3A_583 = arith.constant 160 : index
        %get3A_584 = tpu.vector_load %arg21[%get3A_582, %get3A_583] {strides = array<i32>} : memref<8x512xf32, #tpu.memory_space<vmem>>, vector<16xf32>,
        %sub3A_585 = arith.subf %get3A_581, %get3A_584 : vector<16xf32>
        %mul3A_586 = arith.mulf %sub3A_585, %sub3A_585 : vector<16xf32>
        %add3A_587 = arith.addf %add3A_551, %mul3A_586 : vector<16xf32>
        %get3A_588 = arith.index_cast %scan3A_480 : i32 to index
        %get3A_589 = arith.constant 176 : index
        %get3A_590 = tpu.vector_load %arg17[%get3A_588, %get3A_589] {strides = array<i32>} : memref<8x512xf32, #tpu.memory_space<vmem>>, vector<16xf32>,
        %get3A_591 = arith.index_cast %scan3A_480 : i32 to index
        %get3A_592 = arith.constant 176 : index
        %get3A_593 = tpu.vector_load %arg21[%get3A_591, %get3A_592] {strides = array<i32>} : memref<8x512xf32, #tpu.memory_space<vmem>>, vector<16xf32>,
        %sub3A_594 = arith.subf %get3A_590, %get3A_593 : vector<16xf32>
        %mul3A_595 = arith.mulf %sub3A_594, %sub3A_594 : vector<16xf32>
        %add3A_596 = arith.addf %add3A_560, %mul3A_595 : vector<16xf32>
        %get3A_597 = arith.index_cast %scan3A_480 : i32 to index
        %get3A_598 = arith.constant 192 : index
        %get3A_599 = tpu.vector_load %arg17[%get3A_597, %get3A_598] {strides = array<i32>} : memref<8x512xf32, #tpu.memory_space<vmem>>, vector<16xf32>,
        %get3A_600 = arith.index_cast %scan3A_480 : i32 to index
        %get3A_601 = arith.constant 192 : index
        %get3A_602 = tpu.vector_load %arg21[%get3A_600, %get3A_601] {strides = array<i32>} : memref<8x512xf32, #tpu.memory_space<vmem>>, vector<16xf32>,
        %sub3A_603 = arith.subf %get3A_599, %get3A_602 : vector<16xf32>
        %mul3A_604 = arith.mulf %sub3A_603, %sub3A_603 : vector<16xf32>
        %add3A_605 = arith.addf %add3A_569, %mul3A_604 : vector<16xf32>
        %get3A_606 = arith.index_cast %scan3A_480 : i32 to index
        %get3A_607 = arith.constant 208 : index
        %get3A_608 = tpu.vector_load %arg17[%get3A_606, %get3A_607] {strides = array<i32>} : memref<8x512xf32, #tpu.memory_space<vmem>>, vector<16xf32>,
        %get3A_609 = arith.index_cast %scan3A_480 : i32 to index
        %get3A_610 = arith.constant 208 : index
        %get3A_611 = tpu.vector_load %arg21[%get3A_609, %get3A_610] {strides = array<i32>} : memref<8x512xf32, #tpu.memory_space<vmem>>, vector<16xf32>,
        %sub3A_612 = arith.subf %get3A_608, %get3A_611 : vector<16xf32>
        %mul3A_613 = arith.mulf %sub3A_612, %sub3A_612 : vector<16xf32>
        %add3A_614 = arith.addf %add3A_578, %mul3A_613 : vector<16xf32>
        %get3A_615 = arith.index_cast %scan3A_480 : i32 to index
        %get3A_616 = arith.constant 224 : index
        %get3A_617 = tpu.vector_load %arg17[%get3A_615, %get3A_616] {strides = array<i32>} : memref<8x512xf32, #tpu.memory_space<vmem>>, vector<16xf32>,
        %get3A_618 = arith.index_cast %scan3A_480 : i32 to index
        %get3A_619 = arith.constant 224 : index
        %get3A_620 = tpu.vector_load %arg21[%get3A_618, %get3A_619] {strides = array<i32>} : memref<8x512xf32, #tpu.memory_space<vmem>>, vector<16xf32>,
        %sub3A_621 = arith.subf %get3A_617, %get3A_620 : vector<16xf32>
        %mul3A_622 = arith.mulf %sub3A_621, %sub3A_621 : vector<16xf32>
        %add3A_623 = arith.addf %add3A_587, %mul3A_622 : vector<16xf32>
        %get3A_624 = arith.index_cast %scan3A_480 : i32 to index
        %get3A_625 = arith.constant 240 : index
        %get3A_626 = tpu.vector_load %arg17[%get3A_624, %get3A_625] {strides = array<i32>} : memref<8x512xf32, #tpu.memory_space<vmem>>, vector<16xf32>,
        %get3A_627 = arith.index_cast %scan3A_480 : i32 to index
        %get3A_628 = arith.constant 240 : index
        %get3A_629 = tpu.vector_load %arg21[%get3A_627, %get3A_628] {strides = array<i32>} : memref<8x512xf32, #tpu.memory_space<vmem>>, vector<16xf32>,
        %sub3A_630 = arith.subf %get3A_626, %get3A_629 : vector<16xf32>
        %mul3A_631 = arith.mulf %sub3A_630, %sub3A_630 : vector<16xf32>
        %add3A_632 = arith.addf %add3A_596, %mul3A_631 : vector<16xf32>
        %get3A_633 = arith.index_cast %scan3A_480 : i32 to index
        %get3A_634 = arith.constant 256 : index
        %get3A_635 = tpu.vector_load %arg17[%get3A_633, %get3A_634] {strides = array<i32>} : memref<8x512xf32, #tpu.memory_space<vmem>>, vector<16xf32>,
        %get3A_636 = arith.index_cast %scan3A_480 : i32 to index
        %get3A_637 = arith.constant 256 : index
        %get3A_638 = tpu.vector_load %arg21[%get3A_636, %get3A_637] {strides = array<i32>} : memref<8x512xf32, #tpu.memory_space<vmem>>, vector<16xf32>,
        %sub3A_639 = arith.subf %get3A_635, %get3A_638 : vector<16xf32>
        %mul3A_640 = arith.mulf %sub3A_639, %sub3A_639 : vector<16xf32>
        %add3A_641 = arith.addf %add3A_605, %mul3A_640 : vector<16xf32>
        %get3A_642 = arith.index_cast %scan3A_480 : i32 to index
        %get3A_643 = arith.constant 272 : index
        %get3A_644 = tpu.vector_load %arg17[%get3A_642, %get3A_643] {strides = array<i32>} : memref<8x512xf32, #tpu.memory_space<vmem>>, vector<16xf32>,
        %get3A_645 = arith.index_cast %scan3A_480 : i32 to index
        %get3A_646 = arith.constant 272 : index
        %get3A_647 = tpu.vector_load %arg21[%get3A_645, %get3A_646] {strides = array<i32>} : memref<8x512xf32, #tpu.memory_space<vmem>>, vector<16xf32>,
        %sub3A_648 = arith.subf %get3A_644, %get3A_647 : vector<16xf32>
        %mul3A_649 = arith.mulf %sub3A_648, %sub3A_648 : vector<16xf32>
        %add3A_650 = arith.addf %add3A_614, %mul3A_649 : vector<16xf32>
        %get3A_651 = arith.index_cast %scan3A_480 : i32 to index
        %get3A_652 = arith.constant 288 : index
        %get3A_653 = tpu.vector_load %arg17[%get3A_651, %get3A_652] {strides = array<i32>} : memref<8x512xf32, #tpu.memory_space<vmem>>, vector<16xf32>,
        %get3A_654 = arith.index_cast %scan3A_480 : i32 to index
        %get3A_655 = arith.constant 288 : index
        %get3A_656 = tpu.vector_load %arg21[%get3A_654, %get3A_655] {strides = array<i32>} : memref<8x512xf32, #tpu.memory_space<vmem>>, vector<16xf32>,
        %sub3A_657 = arith.subf %get3A_653, %get3A_656 : vector<16xf32>
        %mul3A_658 = arith.mulf %sub3A_657, %sub3A_657 : vector<16xf32>
        %add3A_659 = arith.addf %add3A_623, %mul3A_658 : vector<16xf32>
        %get3A_660 = arith.index_cast %scan3A_480 : i32 to index
        %get3A_661 = arith.constant 304 : index
        %get3A_662 = tpu.vector_load %arg17[%get3A_660, %get3A_661] {strides = array<i32>} : memref<8x512xf32, #tpu.memory_space<vmem>>, vector<16xf32>,
        %get3A_663 = arith.index_cast %scan3A_480 : i32 to index
        %get3A_664 = arith.constant 304 : index
        %get3A_665 = tpu.vector_load %arg21[%get3A_663, %get3A_664] {strides = array<i32>} : memref<8x512xf32, #tpu.memory_space<vmem>>, vector<16xf32>,
        %sub3A_666 = arith.subf %get3A_662, %get3A_665 : vector<16xf32>
        %mul3A_667 = arith.mulf %sub3A_666, %sub3A_666 : vector<16xf32>
        %add3A_668 = arith.addf %add3A_632, %mul3A_667 : vector<16xf32>
        %get3A_669 = arith.index_cast %scan3A_480 : i32 to index
        %get3A_670 = arith.constant 320 : index
        %get3A_671 = tpu.vector_load %arg17[%get3A_669, %get3A_670] {strides = array<i32>} : memref<8x512xf32, #tpu.memory_space<vmem>>, vector<16xf32>,
        %get3A_672 = arith.index_cast %scan3A_480 : i32 to index
        %get3A_673 = arith.constant 320 : index
        %get3A_674 = tpu.vector_load %arg21[%get3A_672, %get3A_673] {strides = array<i32>} : memref<8x512xf32, #tpu.memory_space<vmem>>, vector<16xf32>,
        %sub3A_675 = arith.subf %get3A_671, %get3A_674 : vector<16xf32>
        %mul3A_676 = arith.mulf %sub3A_675, %sub3A_675 : vector<16xf32>
        %add3A_677 = arith.addf %add3A_641, %mul3A_676 : vector<16xf32>
        %get3A_678 = arith.index_cast %scan3A_480 : i32 to index
        %get3A_679 = arith.constant 336 : index
        %get3A_680 = tpu.vector_load %arg17[%get3A_678, %get3A_679] {strides = array<i32>} : memref<8x512xf32, #tpu.memory_space<vmem>>, vector<16xf32>,
        %get3A_681 = arith.index_cast %scan3A_480 : i32 to index
        %get3A_682 = arith.constant 336 : index
        %get3A_683 = tpu.vector_load %arg21[%get3A_681, %get3A_682] {strides = array<i32>} : memref<8x512xf32, #tpu.memory_space<vmem>>, vector<16xf32>,
        %sub3A_684 = arith.subf %get3A_680, %get3A_683 : vector<16xf32>
        %mul3A_685 = arith.mulf %sub3A_684, %sub3A_684 : vector<16xf32>
        %add3A_686 = arith.addf %add3A_650, %mul3A_685 : vector<16xf32>
        %get3A_687 = arith.index_cast %scan3A_480 : i32 to index
        %get3A_688 = arith.constant 352 : index
        %get3A_689 = tpu.vector_load %arg17[%get3A_687, %get3A_688] {strides = array<i32>} : memref<8x512xf32, #tpu.memory_space<vmem>>, vector<16xf32>,
        %get3A_690 = arith.index_cast %scan3A_480 : i32 to index
        %get3A_691 = arith.constant 352 : index
        %get3A_692 = tpu.vector_load %arg21[%get3A_690, %get3A_691] {strides = array<i32>} : memref<8x512xf32, #tpu.memory_space<vmem>>, vector<16xf32>,
        %sub3A_693 = arith.subf %get3A_689, %get3A_692 : vector<16xf32>
        %mul3A_694 = arith.mulf %sub3A_693, %sub3A_693 : vector<16xf32>
        %add3A_695 = arith.addf %add3A_659, %mul3A_694 : vector<16xf32>
        %get3A_696 = arith.index_cast %scan3A_480 : i32 to index
        %get3A_697 = arith.constant 368 : index
        %get3A_698 = tpu.vector_load %arg17[%get3A_696, %get3A_697] {strides = array<i32>} : memref<8x512xf32, #tpu.memory_space<vmem>>, vector<16xf32>,
        %get3A_699 = arith.index_cast %scan3A_480 : i32 to index
        %get3A_700 = arith.constant 368 : index
        %get3A_701 = tpu.vector_load %arg21[%get3A_699, %get3A_700] {strides = array<i32>} : memref<8x512xf32, #tpu.memory_space<vmem>>, vector<16xf32>,
        %sub3A_702 = arith.subf %get3A_698, %get3A_701 : vector<16xf32>
        %mul3A_703 = arith.mulf %sub3A_702, %sub3A_702 : vector<16xf32>
        %add3A_704 = arith.addf %add3A_668, %mul3A_703 : vector<16xf32>
        %get3A_705 = arith.index_cast %scan3A_480 : i32 to index
        %get3A_706 = arith.constant 384 : index
        %get3A_707 = tpu.vector_load %arg17[%get3A_705, %get3A_706] {strides = array<i32>} : memref<8x512xf32, #tpu.memory_space<vmem>>, vector<16xf32>,
        %get3A_708 = arith.index_cast %scan3A_480 : i32 to index
        %get3A_709 = arith.constant 384 : index
        %get3A_710 = tpu.vector_load %arg21[%get3A_708, %get3A_709] {strides = array<i32>} : memref<8x512xf32, #tpu.memory_space<vmem>>, vector<16xf32>,
        %sub3A_711 = arith.subf %get3A_707, %get3A_710 : vector<16xf32>
        %mul3A_712 = arith.mulf %sub3A_711, %sub3A_711 : vector<16xf32>
        %add3A_713 = arith.addf %add3A_677, %mul3A_712 : vector<16xf32>
        %get3A_714 = arith.index_cast %scan3A_480 : i32 to index
        %get3A_715 = arith.constant 400 : index
        %get3A_716 = tpu.vector_load %arg17[%get3A_714, %get3A_715] {strides = array<i32>} : memref<8x512xf32, #tpu.memory_space<vmem>>, vector<16xf32>,
        %get3A_717 = arith.index_cast %scan3A_480 : i32 to index
        %get3A_718 = arith.constant 400 : index
        %get3A_719 = tpu.vector_load %arg21[%get3A_717, %get3A_718] {strides = array<i32>} : memref<8x512xf32, #tpu.memory_space<vmem>>, vector<16xf32>,
        %sub3A_720 = arith.subf %get3A_716, %get3A_719 : vector<16xf32>
        %mul3A_721 = arith.mulf %sub3A_720, %sub3A_720 : vector<16xf32>
        %add3A_722 = arith.addf %add3A_686, %mul3A_721 : vector<16xf32>
        %get3A_723 = arith.index_cast %scan3A_480 : i32 to index
        %get3A_724 = arith.constant 416 : index
        %get3A_725 = tpu.vector_load %arg17[%get3A_723, %get3A_724] {strides = array<i32>} : memref<8x512xf32, #tpu.memory_space<vmem>>, vector<16xf32>,
        %get3A_726 = arith.index_cast %scan3A_480 : i32 to index
        %get3A_727 = arith.constant 416 : index
        %get3A_728 = tpu.vector_load %arg21[%get3A_726, %get3A_727] {strides = array<i32>} : memref<8x512xf32, #tpu.memory_space<vmem>>, vector<16xf32>,
        %sub3A_729 = arith.subf %get3A_725, %get3A_728 : vector<16xf32>
        %mul3A_730 = arith.mulf %sub3A_729, %sub3A_729 : vector<16xf32>
        %add3A_731 = arith.addf %add3A_695, %mul3A_730 : vector<16xf32>
        %get3A_732 = arith.index_cast %scan3A_480 : i32 to index
        %get3A_733 = arith.constant 432 : index
        %get3A_734 = tpu.vector_load %arg17[%get3A_732, %get3A_733] {strides = array<i32>} : memref<8x512xf32, #tpu.memory_space<vmem>>, vector<16xf32>,
        %get3A_735 = arith.index_cast %scan3A_480 : i32 to index
        %get3A_736 = arith.constant 432 : index
        %get3A_737 = tpu.vector_load %arg21[%get3A_735, %get3A_736] {strides = array<i32>} : memref<8x512xf32, #tpu.memory_space<vmem>>, vector<16xf32>,
        %sub3A_738 = arith.subf %get3A_734, %get3A_737 : vector<16xf32>
        %mul3A_739 = arith.mulf %sub3A_738, %sub3A_738 : vector<16xf32>
        %add3A_740 = arith.addf %add3A_704, %mul3A_739 : vector<16xf32>
        %get3A_741 = arith.index_cast %scan3A_480 : i32 to index
        %get3A_742 = arith.constant 448 : index
        %get3A_743 = tpu.vector_load %arg17[%get3A_741, %get3A_742] {strides = array<i32>} : memref<8x512xf32, #tpu.memory_space<vmem>>, vector<16xf32>,
        %get3A_744 = arith.index_cast %scan3A_480 : i32 to index
        %get3A_745 = arith.constant 448 : index
        %get3A_746 = tpu.vector_load %arg21[%get3A_744, %get3A_745] {strides = array<i32>} : memref<8x512xf32, #tpu.memory_space<vmem>>, vector<16xf32>,
        %sub3A_747 = arith.subf %get3A_743, %get3A_746 : vector<16xf32>
        %mul3A_748 = arith.mulf %sub3A_747, %sub3A_747 : vector<16xf32>
        %add3A_749 = arith.addf %add3A_713, %mul3A_748 : vector<16xf32>
        %get3A_750 = arith.index_cast %scan3A_480 : i32 to index
        %get3A_751 = arith.constant 464 : index
        %get3A_752 = tpu.vector_load %arg17[%get3A_750, %get3A_751] {strides = array<i32>} : memref<8x512xf32, #tpu.memory_space<vmem>>, vector<16xf32>,
        %get3A_753 = arith.index_cast %scan3A_480 : i32 to index
        %get3A_754 = arith.constant 464 : index
        %get3A_755 = tpu.vector_load %arg21[%get3A_753, %get3A_754] {strides = array<i32>} : memref<8x512xf32, #tpu.memory_space<vmem>>, vector<16xf32>,
        %sub3A_756 = arith.subf %get3A_752, %get3A_755 : vector<16xf32>
        %mul3A_757 = arith.mulf %sub3A_756, %sub3A_756 : vector<16xf32>
        %add3A_758 = arith.addf %add3A_722, %mul3A_757 : vector<16xf32>
        %get3A_759 = arith.index_cast %scan3A_480 : i32 to index
        %get3A_760 = arith.constant 480 : index
        %get3A_761 = tpu.vector_load %arg17[%get3A_759, %get3A_760] {strides = array<i32>} : memref<8x512xf32, #tpu.memory_space<vmem>>, vector<16xf32>,
        %get3A_762 = arith.index_cast %scan3A_480 : i32 to index
        %get3A_763 = arith.constant 480 : index
        %get3A_764 = tpu.vector_load %arg21[%get3A_762, %get3A_763] {strides = array<i32>} : memref<8x512xf32, #tpu.memory_space<vmem>>, vector<16xf32>,
        %sub3A_765 = arith.subf %get3A_761, %get3A_764 : vector<16xf32>
        %mul3A_766 = arith.mulf %sub3A_765, %sub3A_765 : vector<16xf32>
        %add3A_767 = arith.addf %add3A_731, %mul3A_766 : vector<16xf32>
        %get3A_768 = arith.index_cast %scan3A_480 : i32 to index
        %get3A_769 = arith.constant 496 : index
        %get3A_770 = tpu.vector_load %arg17[%get3A_768, %get3A_769] {strides = array<i32>} : memref<8x512xf32, #tpu.memory_space<vmem>>, vector<16xf32>,
        %get3A_771 = arith.index_cast %scan3A_480 : i32 to index
        %get3A_772 = arith.constant 496 : index
        %get3A_773 = tpu.vector_load %arg21[%get3A_771, %get3A_772] {strides = array<i32>} : memref<8x512xf32, #tpu.memory_space<vmem>>, vector<16xf32>,
        %sub3A_774 = arith.subf %get3A_770, %get3A_773 : vector<16xf32>
        %mul3A_775 = arith.mulf %sub3A_774, %sub3A_774 : vector<16xf32>
        %add3A_776 = arith.addf %add3A_740, %mul3A_775 : vector<16xf32>
        %add3A_777 = arith.addf %add3A_749, %add3A_758 : vector<16xf32>
        %add3A_778 = arith.addf %add3A_767, %add3A_776 : vector<16xf32>
        %add3A_779 = arith.addf %add3A_777, %add3A_778 : vector<16xf32>
        %mul3A_780 = arith.constant 8 : i32
        %mul3A_781 = arith.muli %add3A_455, %mul3A_780 : i32
        %broadcast_in_dim3A_782 = vector.broadcast %mul3A_781 : i32 to vector<16xi32>
        %add3A_783 = vector.broadcast %scan3A_480 : i32 to vector<16xi32>
        %add3A_784 = arith.addi %broadcast_in_dim3A_782, %add3A_783 : vector<16xi32>
        %gather3A = tpu.vector_load_idx %arg13[%add3A_784] : memref<512xf32, #tpu.memory_space<vmem>>[vector<16xi32>], vector<16xf32>,
        %mul3A_785 = arith.mulf %add3A_779, %gather3A : vector<16xf32>
        %add3A_786 = arith.addf %scan3A_481, %mul3A_785 : vector<16xf32>
        scf.yield %add3A_786 : vector<16xf32>
      }
      %scan3A_479 = arith.constant 8 : i32
      scf.yield %scan3A_478 : vector<16xf32>
    }
    %scan3A_368 = arith.constant 16 : i32
    %swap3A = arith.constant 0 : index
    %swap3A_369 = tpu.vector_load %arg22[%swap3A] {strides = array<i32>} : memref<16xf32, #tpu.memory_space<vmem>>, vector<16xf32>,
    tpu.vector_store %arg22[%swap3A], %scan3A_367 {strides = array<i32>} : memref<16xf32, #tpu.memory_space<vmem>>, vector<16xf32>,
    "tpu.region"() ({
      %run_scoped3A = tpu.sem_alloc : memref<!tpu.dma_semaphore, #tpu.memory_space<semaphore_mem>>
      %dma_start3A_370 = arith.constant 0 : i32
      %dma_start3A_371 = tpu.memref_slice %arg7[%add3A, %dma_start3A_370] : memref<32x16xf32, #tpu.memory_space<hbm>> -> memref<1x16xf32, #tpu.memory_space<hbm>>
      %dma_start3A_372 = tpu.memref_squeeze %dma_start3A_371 : memref<1x16xf32, #tpu.memory_space<hbm>> -> memref<16xf32, #tpu.memory_space<hbm>>
      %dma_start3A_373 = arith.constant 0 : i32
      %dma_start3A_374 = tpu.memref_slice %arg7[%add3A, %dma_start3A_373] : memref<32x16xf32, #tpu.memory_space<hbm>> -> memref<1x16xf32, #tpu.memory_space<hbm>>
      %dma_start3A_375 = tpu.memref_squeeze %dma_start3A_374 : memref<1x16xf32, #tpu.memory_space<hbm>> -> memref<16xf32, #tpu.memory_space<hbm>>
      tpu.enqueue_dma source(%arg22 : memref<16xf32, #tpu.memory_space<vmem>>) target(%dma_start3A_375 : memref<16xf32, #tpu.memory_space<hbm>>) target_semaphore(%run_scoped3A : memref<!tpu.dma_semaphore, #tpu.memory_space<semaphore_mem>>)
      %dma_wait3A_376 = arith.constant 0 : i32
      %dma_wait3A_377 = tpu.memref_slice %arg7[%add3A, %dma_wait3A_376] : memref<32x16xf32, #tpu.memory_space<hbm>> -> memref<1x16xf32, #tpu.memory_space<hbm>>
      %dma_wait3A_378 = tpu.memref_squeeze %dma_wait3A_377 : memref<1x16xf32, #tpu.memory_space<hbm>> -> memref<16xf32, #tpu.memory_space<hbm>>
      %dma_wait3A_379 = arith.constant 0 : i32
      %dma_wait3A_380 = tpu.memref_slice %arg7[%add3A, %dma_wait3A_379] : memref<32x16xf32, #tpu.memory_space<hbm>> -> memref<1x16xf32, #tpu.memory_space<hbm>>
      %dma_wait3A_381 = tpu.memref_squeeze %dma_wait3A_380 : memref<1x16xf32, #tpu.memory_space<hbm>> -> memref<16xf32, #tpu.memory_space<hbm>>
      tpu.wait_dma2 semaphore(%run_scoped3A : memref<!tpu.dma_semaphore, #tpu.memory_space<semaphore_mem>>) src(%arg22 : memref<16xf32, #tpu.memory_space<vmem>>) dst(%dma_wait3A_381 : memref<16xf32, #tpu.memory_space<hbm>>)
      tpu.yield
    }) : () -> ()
    return
  }
}

</mosaic_0001>

<sc_bundles>
// kernel: kernel.3.cloned.1.call-start
scs
__scs_entry_jumppad:
0x0: {  	(pc) =	sbr.rel $0x88, $3  }
0x1: {  	(tag) =	ssettag $0x0;
	lr =	simm.s32 $0x1  }
0x2: {  	[smem:$0x3F9D] =	sst lr;
	_ =	strace $0xD0000000  }
0x3: {  	_ = 	snop  }
0x4: {  	_ = 	snop  }
0x5: {  	_ = 	snop  }
0x6: {  	_ = 	snop  }
0x7: {  	_ = 	snop  }
__scs_overlays_trampoline_lowered:
0x8: {  	[smem:$0x3FAC] =	sst s0  }
0x9: {  	[smem:$0x3FAD] =	sst s1  }
0xa: {  	[smem:$0x3FAE] =	sst s2  }
0xb: {  	[smem:$0x3FAF] =	sst s3  }
0xc: {  	[smem:$0x3FB0] =	sst s4  }
0xd: {  	[smem:$0x3FB1] =	sst s5  }
0xe: {  	[smem:$0x3FB2] =	sst s6  }
0xf: {  	[smem:$0x3FB3] =	sst s7  }
0x10: {  	[smem:$0x3FB4] =	sst s8  }
0x11: {  	[smem:$0x3FB5] =	sst s9;
	s0 =	simm.s32 @!p0 $0x0  }
0x12: {  	s1 =	sld [smem:$0x3F9B];
	s0 =	simm.s32 @p0 $0x1  }
0x13: {  	[smem:$0x3FB6] =	sst s0;
	s0 =	simm.s32 @!p1 $0x0  }
0x14: {  	s2 =	sld [smem:$0x3F9A];
	s0 =	simm.s32 @p1 $0x1  }
0x15: {  	[smem:$0x3FB7] =	sst s0;
	s0 =	simm.s32 @!p2 $0x0  }
0x16: {  	s3 =	sld [smem:$0x3FDB];
	s0 =	simm.s32 @p2 $0x1  }
0x17: {  	s4 =	simm.s32 $0x1BF5;
	[smem:$0x3FB9] =	sst s0  }
0x18: {  	s0 =	sld [smem:$0x3F9C];
	_ =	swait.ge [sflag:s4], $0x0  }
0x19: {  	s7 =	sld [smem:$0x3F9D]  }
0x1a: {  	s8 =	sadd.s32 $0xFFFFE003, lr  }
0x1b: {  	s9 =	sadd.s32 $0xFFFFFEF7, lr;
	s5 =	simm.s32 $0xFFFFFFFF;
	p2 =	slt.u32 s8, $0xFFFFF086  }
0x1c: {  	p1 =	slt.u32 s9, $0xF7A;
	s5 =	simm.s32 @!p2 $0x0  }
0x1d: {  	s5 =	simm.s32 @p1 $0x1;
	p0 =	seq.s32 s7, s2  }
0x1e: {  	s7 =	smul.u32 @!p0 $0xF7A, s2;
	p2 =	seq.s32 @!p0 s5, $0x0  }
0x1f: {  	s9 =	smul.u32 $0xF7A, s1;
	s8 =	simm.s32 @!p0 $0x1BF5;
	p2 =	por !p2, p0  }
0x20: {  	[sflag:s8] =	ssyncset.s32 @!p0 $0xFFFFF086;
	s6 =	sadd.s32 @!p0 s3, s7;
	s7 =	simm.s32 @!p0 $0x108  }
0x21: {  	s3 =	sadd.s32 s3, s9;
	s6 =	sadd.s32 @!p0 $0x88, s6;
	s7 =	simm.s32 @p2 $0x1082  }
0x22: {  	[simem:s7], [sflag:s8] =	dma.local @!p0 [hbm:s6], $0xF7A  }
0x23: {  	s9 =	sor.u32 $0xD0000000, s2;
	s6 =	simm.s32 $0x108;
	_ =	swait.ge @!p0 [sflag:s8], $0x0  }
0x24: {  	s3 =	sadd.s32 $0x88, s3;
	s6 =	simm.s32 @!p1 $0x1082;
	[sflag:s4] =	ssyncset.s32 $0xFFFFF086  }
0x25: {  	[simem:s6], [sflag:s4] =	dma.local [hbm:s3], $0xF7A  }
0x26: {  	[smem:$0x3F9D] =	sst s1;
	(tag) =	ssettag s2;
	_ =	strace s9  }
0x27: {  	s1 =	sld [smem:$0x3FAD]  }
0x28: {  	s2 =	sld [smem:$0x3FAE]  }
0x29: {  	s4 =	sld [smem:$0x3FB0]  }
0x2a: {  	p0 =	seq.s32 s5, $0x0;
	s5 =	sld [smem:$0x3FB1]  }
0x2b: {  	s6 =	sld [smem:$0x3FB2]  }
0x2c: {  	s7 =	sld [smem:$0x3FB3]  }
0x2d: {  	s3 =	simm.s32 $0x108;
	s8 =	sld [smem:$0x3FB4]  }
0x2e: {  	s3 =	simm.s32 @!p0 $0x1082;
	s9 =	sld [smem:$0x3FB5]  }
0x2f: {  	lr =	sadd.s32 s0, s3;
	s0 =	sld [smem:$0x3FAC]  }
0x30: {  	s3 =	sld [smem:$0x3FAF]  }
0x31: {  	[smem:$0x3FB8] =	sst s10  }
0x32: {  	s10 =	sld [smem:$0x3FB6];
	_ =	sdelay $0x3  }
0x33: {  	p0 =	seq.s32 s10, $0x1;
	s10 =	sld [smem:$0x3FB8];
	_ =	sdelay $0x3  }
0x34: {  	[smem:$0x3FB8] =	sst s10  }
0x35: {  	s10 =	sld [smem:$0x3FB7];
	_ =	sdelay $0x3  }
0x36: {  	p1 =	seq.s32 s10, $0x1;
	s10 =	sld [smem:$0x3FB8];
	_ =	sdelay $0x3  }
0x37: {  	[smem:$0x3FB8] =	sst s10  }
0x38: {  	s10 =	sld [smem:$0x3FB9]  }
0x39: {  	_ = 	snop;
	(pc) =	sbr.ind lr, $3  }
0x3a: {  	_ = 	snop  }
0x3b: {  	_ = 	snop  }
0x3c: {  	p2 =	seq.s32 s10, $0x1;
	s10 =	sld [smem:$0x3FB8]  }
0x3d: {  	_ =	shalt  }
0x3e: {  	_ =	shalt  }
0x3f: {  	_ =	shalt  }
0x40: {  	_ =	shalt  }
0x41: {  	_ =	shalt  }
0x42: {  	_ =	shalt  }
0x43: {  	_ =	shalt  }
0x44: {  	_ =	shalt  }
0x45: {  	_ =	shalt  }
0x46: {  	_ =	shalt  }
0x47: {  	_ =	shalt  }
0x48: {  	_ =	shalt  }
0x49: {  	_ =	shalt  }
0x4a: {  	_ =	shalt  }
0x4b: {  	_ =	shalt  }
0x4c: {  	_ =	shalt  }
0x4d: {  	_ =	shalt  }
0x4e: {  	_ =	shalt  }
0x4f: {  	_ =	shalt  }
0x50: {  	_ =	shalt  }
0x51: {  	_ =	shalt  }
0x52: {  	_ =	shalt  }
0x53: {  	_ =	shalt  }
0x54: {  	_ =	shalt  }
0x55: {  	_ =	shalt  }
0x56: {  	_ =	shalt  }
0x57: {  	_ =	shalt  }
0x58: {  	_ =	shalt  }
0x59: {  	_ =	shalt  }
0x5a: {  	_ =	shalt  }
0x5b: {  	_ =	shalt  }
0x5c: {  	_ =	shalt  }
0x5d: {  	_ =	shalt  }
0x5e: {  	_ =	shalt  }
0x5f: {  	_ =	shalt  }
0x60: {  	_ =	shalt  }
0x61: {  	_ =	shalt  }
0x62: {  	_ =	shalt  }
0x63: {  	_ =	shalt  }
0x64: {  	_ =	shalt  }
0x65: {  	_ =	shalt  }
0x66: {  	_ =	shalt  }
0x67: {  	_ =	shalt  }
0x68: {  	_ =	shalt  }
0x69: {  	_ =	shalt  }
0x6a: {  	_ =	shalt  }
0x6b: {  	_ =	shalt  }
0x6c: {  	_ =	shalt  }
0x6d: {  	_ =	shalt  }
0x6e: {  	_ =	shalt  }
0x6f: {  	_ =	shalt  }
0x70: {  	_ =	shalt  }
0x71: {  	_ =	shalt  }
0x72: {  	_ =	shalt  }
0x73: {  	_ =	shalt  }
0x74: {  	_ =	shalt  }
0x75: {  	_ =	shalt  }
0x76: {  	_ =	shalt  }
0x77: {  	_ =	shalt  }
0x78: {  	_ =	shalt  }
0x79: {  	_ =	shalt  }
0x7a: {  	_ =	shalt  }
0x7b: {  	_ =	shalt  }
0x7c: {  	_ =	shalt  }
0x7d: {  	_ =	shalt  }
0x7e: {  	_ =	shalt  }
0x7f: {  	_ =	shalt  }
0x80: {  	_ =	shalt  }
0x81: {  	_ =	shalt  }
0x82: {  	_ =	shalt  }
0x83: {  	_ =	shalt  }
0x84: {  	_ =	shalt  }
0x85: {  	_ =	shalt  }
0x86: {  	_ =	shalt  }
0x87: {  	_ =	shalt  }
.Lfunc_end0:
.L_simem_size_0:
called_computation_lowered:
.L_overlay_start_0:
0x88: {  	s2 =	sld [smem:$0x3FD9]  }
0x89: {  	s3 =	sld [smem:$0x3FFE];
	_ =	sdelay $0x1  }
0x8a: {  	s1 =	srdreg.scid  }
0x8b: {  	s0 =	sand.u32 $0x1, s1  }
0x8c: {  	s14 =	sshll.u32 s0, $0xA;
	s2 =	sadd.s32 s3, s2  }
0x8d: {  	s2 =	sadd.s32 s2, s14  }
0x8e: {  	[smem:$0x3FC4] =	sst s2  }
0x8f: {  	_ = 	snop  }
0x90: {  	s2 =	sld [smem:$0x3FD0]  }
0x91: {  	s15 =	sld [smem:$0x3FC9]  }
0x92: {  	s4 =	sld [smem:$0x3FC8]  }
0x93: {  	s6 =	simm.s32 $0xA;
	s7 =	simm.s32 $0x10;
	s5 =	sld [smem:$0x3FC7]  }
0x94: {  	[smem:s7], [sflag:s6] =	dma.local [hbm:s2], $0x1  }
0x95: {  	_ =	swait.eq [sflag:s6], $0x1  }
0x96: {  	[sflag:s6] =	ssyncset.done $0x0  }
0x97: {  	[sflag:s6] =	ssyncadd.s32 $0xFFFFFFFF  }
0x98: {  	s16 =	sld [smem:$0x11];
	(tm) =	ssettm $0x1  }
0x99: {  	s17 =	sld [smem:$0x3FFB];
	_ =	sdelay $0x3  }
0x9a: {  	_ =	strace s17  }
0x9b: {  	s6 =	sld [smem:$0x3FFC];
	_ =	sdelay $0x3  }
0x9c: {  	_ =	strace s6  }
0x9d: {  	s6 =	sld [smem:$0x3FFD];
	_ =	sdelay $0x3  }
0x9e: {  	_ =	strace s6  }
0x9f: {  	_ =	strace $0x8FFFFFFF  }
0xa0: {  	s18 =	sld [smem:$0x3FDB];
	_ =	sdelay $0x1  }
0xa1: {  	s19 =	simm.s32 $_scs_section_size  }
0xa2: {  	s8 =	simm.s32 $_size__tile_overlayer_lowered;
	s9 =	simm.s32 $_tile_overlayer_lowered  }
0xa3: {  	s22 =	simm.s32 $0x1BFF;
	s21 =	sshll.u32 s9, $0x1;
	s6 =	sadd.s32 s19, s18  }
0xa4: {  	s10 =	simm.s32 $0x0;
	s20 =	sshll.u32 s8, $0x1;
	s8 =	sadd.s32 s21, s6  }
0xa5: {  	[timem:s10], [sflag:s22] =	dma.local [hbm:s8], s20  }
0xa6: {  	_ =	swait.ge [sflag:s22], s20  }
0xa7: {  	s7 =	ssub.s32 $0x0, s20;
	[sflag:s22] =	ssyncset.done $0x0  }
0xa8: {  	[sflag:s22] =	ssyncadd.s32 s7;
	_ =	sdelay $0x1  }
0xa9: {  	s23 =	simm.s32 $0x1B8B  }
0xaa: {  	_ =	swait.ge [sflag:s23], $0x1  }
0xab: {  	[sflag:s23] =	ssyncset.done $0x0  }
0xac: {  	s25 =	simm.s32 $0x1B8E;
	s24 =	sld [smem:$0x3FFE];
	[sflag:s23] =	ssyncadd.s32 $0xFFFFFFFF  }
0xad: {  	s26 =	simm.s32 $execute0_lowered;
	[smem:$0x3FD2] =	sst s25  }
0xae: {  	s8 =	sshll.u32 s26, $0x1;
	_ =	strace $0x80000046;
	[dreg:$0x1] =	wrdreg $0xFFFFFFFF  }
0xaf: {  	s28 =	simm.s32 $_size_execute0_lowered;
	s6 =	sadd.s32 s6, s8;
	[dreg:$0x0] =	wrdreg $0x0  }
0xb0: {  	s8 =	sshll.u32 s28, $0x1;
	[dreg:$0x2] =	wrdreg s6  }
0xb1: {  	[dreg:$0x3] =	wrdreg s8  }
0xb2: {  	[dreg:$0x4] =	wrdreg $0xC0  }
0xb3: {  	_ =	task [dreg:s10], $0x5FFFF  }
0xb4: {  	[dreg:$0x1] =	wrdreg $0xFFFFFFFF  }
0xb5: {  	[dreg:$0x0] =	wrdreg $0x60  }
0xb6: {  	[dreg:$0x2] =	wrdreg s15  }
0xb7: {  	[dreg:$0x3] =	wrdreg s4  }
0xb8: {  	[dreg:$0x4] =	wrdreg s5  }
0xb9: {  	[dreg:$0x5] =	wrdreg s16  }
0xba: {  	[dreg:$0x6] =	wrdreg s24  }
0xbb: {  	[dreg:$0x7] =	wrdreg $0x9  }
0xbc: {  	_ =	task.clear_ibuf [dreg:s10], $0x8FFFF;
	_ =	strace $0x90000046  }
0xbd: {  	s29 =	simm.s32 $0x9;
	_ =	strace $0x80000048  }
0xbe: {  	_ =	swait.ge [sflag:s29], $0x1  }
0xbf: {  	[sflag:s29] =	ssyncadd.s32 $0xFFFFFFFF  }
0xc0: {  	_ =	strace $0x90000048  }
0xc1: {  	_ =	sfence  }
0xc2: {  	s30 =	sld [smem:$0x0];
	_ =	sdelay $0x2  }
0xc3: {  	s31 =	sshll.u32 s1, $0xD;
	s1 =	sshrl.u32 s1, $0x2  }
0xc4: {  	s3 =	sand.u32 $0x4000, s31;
	s1 =	sadd.s32 s1, s30  }
0xc5: {  	s0 =	sor.u32 s3, s0;
	s1 =	sshll.u32 s1, $0x11  }
0xc6: {  	s0 =	sor.u32 s1, s0  }
0xc7: {  	s0 =	sadd.s32 $0x8F2B, s0  }
0xc8: {  	[sflag:s0] =	ssyncadd.remote.s32 $0x1  }
0xc9: {  	_ =	sfence.sel $0xFFFF  }
0xca: {  	[dreg:$0x0] =	wrdreg $0xFFFFFFFF;
	(pc) =	sbr.abs _section_cstart, $3  }
0xcb: {  	[dreg:$0x1] =	wrdreg $0xFFFFFFFF  }
0xcc: {  	_ =	task.clear_ibuf [dreg:s10], $0x2FFFF;
	_ =	strace $0x9FFFFFFF  }
0xcd: {  	(tm) =	ssettm $0x7FFFFFFF  }
tec
execute0_lowered:
.L_overlay_start_1:
0x0: {  	(tag) =	ssettag $0x1  }
0x1: {  	s0 =	rddreg [dreg:$0x1];
	s1 =	srdreg.scid  }
0x2: {  	s2 =	rddreg [dreg:$0x3];
	s14 =	stileid.u32  }
0x3: {  	s3 =	rddreg [dreg:$0x4];
	s1 =	sand.u32 $0x1, s1;
	s11 =	smul.u32 $0x1400, s14  }
0x4: {  	s5 =	sshrl.u32 s14, $0x3;
	s6 =	sshll.u32 s14, $0x1;
	s4 =	smul.u32 $0x28000, s1  }
0x5: {  	s9 =	sshll.u32 s14, $0x7;
	s17 =	sadd.s32 $0x10, s2;
	s5 =	smul.u32 $0x14000, s5  }
0x6: {  	s18 =	sadd.s32 $0x20, s2;
	s7 =	ssub.s32 $0x2, s1;
	s6 =	sor.u32 s1, s6  }
0x7: {  	s8 =	sshrl.u32 s7, $0x1;
	s13 =	sshll.u32 s6, $0x6;
	s5 =	sadd.s32 s4, s5  }
0x8: {  	s7 =	ssub.s32 s7, s8;
	s8 =	sadd.s32 s0, s13;
	s4 =	sadd.s32 s11, s4  }
0x9: {  	s0 =	sadd.s32 s0, s9;
	[dreg:$0x6] =	wrdreg s8;
	s16 =	sshrl.u32 s4, $0x3  }
0xa: {  	s21 =	sadd.s32 $0x30, s2;
	[dreg:$0x7] =	wrdreg s0;
	s4 =	sadd.s32 s2, s16  }
0xb: {  	s23 =	sadd.s32 $0x40, s2;
	s19 =	sadd.s32 s16, s17;
	[dreg:$0x9] =	wrdreg s4  }
0xc: {  	s24 =	sadd.s32 $0x50, s2;
	s20 =	sadd.s32 s16, s18;
	[dreg:$0xa] =	wrdreg s19  }
0xd: {  	s29 =	sadd.s32 $0x60, s2;
	s22 =	sadd.s32 s16, s21;
	[dreg:$0xb] =	wrdreg s20  }
0xe: {  	s30 =	sadd.s32 $0x70, s2;
	s25 =	sadd.s32 s16, s23;
	[dreg:$0xc] =	wrdreg s22  }
0xf: {  	s10 =	sand.u32 $0x380, s9;
	s26 =	sadd.s32 s16, s24;
	[dreg:$0xd] =	wrdreg s25  }
0x10: {  	s11 =	simm.s32 $0x3280;
	s12 =	sadd.s32 s16, s29;
	[dreg:$0xe] =	wrdreg s26  }
0x11: {  	s5 =	sor.u32 s10, s5;
	s0 =	sadd.s32 s16, s30;
	[dreg:$0xf] =	wrdreg s12  }
0x12: {  	s5 =	sshrl.u32 s5, $0x3;
	s13 =	sadd.s32 $0x2800, s16;
	[dreg:$0x10] =	wrdreg s0  }
0x13: {  	s16 =	smul.u32 $0x500, s14;
	s14 =	simm.s32 $0x4;
	s22 =	rddreg [dreg:$0x0]  }
0x14: {  	s15 =	sadd.s32 s2, s5;
	s9 =	sadd.s32 s13, s23;
	s23 =	rddreg [dreg:$0x2]  }
0x15: {  	s2 =	sadd.s32 s2, s13;
	s4 =	sadd.s32 s13, s17;
	[dreg:$0x8] =	wrdreg s15  }
0x16: {  	s5 =	sadd.s32 s13, s18;
	s8 =	sadd.s32 s13, s21;
	[dreg:$0x11] =	wrdreg s2  }
0x17: {  	s10 =	sadd.s32 s13, s24;
	s17 =	sadd.s32 s13, s30;
	[dreg:$0x12] =	wrdreg s4  }
0x18: {  	s18 =	sshll.u32 s1, $0x7;
	s19 =	sshll.u32 s6, $0x4;
	[dreg:$0x13] =	wrdreg s5  }
0x19: {  	s1 =	sshll.u32 s1, $0x4;
	s26 =	sshll.u32 s6, $0x9;
	[dreg:$0x14] =	wrdreg s8  }
0x1a: {  	s21 =	sshll.u32 s6, $0xF;
	s25 =	smax.u32 s7, $0x1;
	[dreg:$0x15] =	wrdreg s9  }
0x1b: {  	s6 =	simm.s32 $0x6480;
	s7 =	simm.s32 $0xA480;
	[dreg:$0x16] =	wrdreg s10  }
0x1c: {  	s12 =	simm.s32 $0x3;
	s15 =	sadd.s32 s13, s29;
	[dreg:$0x18] =	wrdreg s17  }
0x1d: {  	s5 =	simm.s32 $0x0;
	s0 =	sor.u32 s18, s16;
	s2 =	sadd.s32 s19, s3  }
0x1e: {  	s3 =	sadd.s32 $0x600, s3;
	s28 =	sadd.s32 s22, s21;
	s31 =	sadd.s32 $0x100, s23  }
0x1f: {  	s4 =	simm.s32 $0x80;
	s8 =	simm.s32 $0xAC80;
	s9 =	simm.s32 $0x2  }
0x20: {  	s10 =	simm.s32 $0x6;
	s13 =	simm.s32 $0x7;
	[dreg:$0x17] =	wrdreg s15  }
0x21: {  	[smem:$0x7FF] =	sst s5;
	s0 =	sshrl.u32 s0, $0x3;
	s20 =	sadd.s32 s3, s1  }
0x22: {  	s16 =	simm.s32 $0x5;
	s0 =	sadd.s32 s3, s0;
	[dreg:$0x1a] =	wrdreg s20  }
0x23: {  	v0 =	vlaneseq.u32;
	s17 =	simm.s32 $0x9;
	s24 =	sadd.s32 $0x1000, s2;
	[dreg:$0x19] =	wrdreg s0  }
0x24: {  	v1 =	vshrl.u32 v0, $0x3;
	v0 =	vand.u32 $0x7, v0;
	s18 =	simm.s32 $0x0;
	_ =	strace $0x80000047;
	[dreg:$0x1b] =	wrdreg s24  }
0x25: {  	s29 =	sadd.s32 $0x200, s28;
	s30 =	sadd.s32 $0x400, s28;
	[dreg:$0x1c] =	wrdreg s25;
	[tilespmem:$0x1FFE0] =	vst v0;
	v0 =	vmul.u32 $0x8, v1  }
0x26: {  	s1 =	simm.s32 $0xA;
	s2 =	simm.s32 $0x1;
	[dreg:$0x1d] =	wrdreg s29  }
0x27: {  	vm0 =	vmmov $0xffff;
	v2 =	vimm.f32 $0.0e+00;
	v3 =	vimm.f32 $1.000000000e+00;
	s15 =	simm.s32 $0x8;
	s3 =	simm.s32 $0xA80;
	[dreg:$0x1e] =	wrdreg s30;
	[tilespmem:$0x1FFF0] =	vst v0  }
.LBB2_1:
0x28: {  	s0 =	rddreg [dreg:$0x6];
	s19 =	simm.s32 $0x680  }
0x29: {  	[tilespmem:s19], [sflag:$0xA] =	stream.linear.gather [hbm4b:s0+s5], $0x200, $0x38;
	[tilespmem:$0xB500] =	vst v63  }
0x2a: {  	_ =	swait.ge [sflag:s1], $0x200  }
0x2b: {  	[sflag:s1] =	ssyncset.done $0x0  }
0x2c: {  	s5 =	simm.s32 $0x0;
	[sflag:s1] =	ssyncadd.s32 $0xFFFFFE00  }
0x2d: {  	s19 =	simm.s32 $0x40;
	v4 =	vld [tilespmem:s5+$0x680]  }
.LBB2_2:
0x2e: {  	_ =	sdelay $0x1  }
0x2f: {  	p0 =	sne.s32 s19, $0x7C0  }
.Ltmp0:
0x30: {  	_ = 	snop;
	(pc) =	sbr.rel @p0 .LBB2_2-.Ltmp0, $4  }
0x31: {  	v5 =	vtrunc.f32 v4  }
0x32: {  	v5 =	vcvt.f32.s32 v5  }
0x33: {  	s20 =	sshra.s32 s19, $0x2  }
0x34: {  	s19 =	sadd.s32 $0x40, s19;
	v4 =	vld [tilespmem:s20+$0x680];
	[tilespmem:s5+$0x880] =	vst v5;
	s5 =	smov.u32 s20  }
0x35: {  	_ =	sdelay $0x3  }
0x36: {  	v4 =	vtrunc.f32 v4  }
0x37: {  	v4 =	vcvt.f32.s32 v4;
	_ =	sdelay $0x1  }
0x38: {  	s0 =	simm.s32 $0x3480;
	[tilespmem:s5+$0x880] =	vst v4;
	s5 =	simm.s32 $0x0  }
0x39: {  	[tilespmem:s0], [sflag:$0x2] =	stream.linear.gather [hbm4b:s28+s5], $0x1000, $0x38;
	[tilespmem:$0xB500] =	vst v63  }
0x3a: {  	v4 =	vld.msk [tilespmem:$0x880], $0xff;
	_ =	sdelay $0x2  }
0x3b: {  	v0 =	vld [tilespmem:$0x1FFE0];
	_ =	sdelay $0x1  }
0x3c: {  	v1 =	vld [tilespmem:$0x1FFF0];
	v5 =	vshll.u32 v4, $0x2  }
0x3d: {  	v4 =	vand.u32 $0x7, v4;
	v5 =	vand.u32 $0xFFFFFFE0, v5  }
0x3e: {  	v4 =	vor.u32 v4, v5  }
0x3f: {  	v4 =	vperm.xlane v4, v0;
	_ =	sdelay $0x1  }
0x40: {  	v4 =	vadd.s32 v1, v4;
	_ =	sdelay $0x3  }
0x41: {  	s25 =	simm.s32 $0x7480  }
0x42: {  	[tilespmem:s25], [sflag:$0x6] =	stream.indirect_vreg.gather [hbm4b:s23+s5], $0x80, v4, vm0, $0xb8;
	[tilespmem:$0xB500] =	vst v63  }
0x43: {  	s29 =	simm.s32 $0x7C80  }
0x44: {  	[tilespmem:s29], [sflag:$0x6] =	stream.indirect_vreg.gather [hbm4b:s31+s5], $0x80, v4, vm0, $0xb8;
	[tilespmem:$0xB500] =	vst v63  }
0x45: {  	s30 =	rddreg [dreg:$0x1d];
	s19 =	simm.s32 $0x4480  }
0x46: {  	[tilespmem:s19], [sflag:$0x3] =	stream.linear.gather [hbm4b:s30+s5], $0x1000, $0x38;
	[tilespmem:$0xB500] =	vst v63  }
0x47: {  	v4 =	vld.msk [tilespmem:$0x888], $0xff;
	_ =	sdelay $0x4  }
0x48: {  	v5 =	vshll.u32 v4, $0x2  }
0x49: {  	v4 =	vand.u32 $0x7, v4;
	v5 =	vand.u32 $0xFFFFFFE0, v5  }
0x4a: {  	v4 =	vor.u32 v4, v5  }
0x4b: {  	v4 =	vperm.xlane v4, v0;
	_ =	sdelay $0x1  }
0x4c: {  	v4 =	vadd.s32 v1, v4;
	_ =	sdelay $0x3  }
0x4d: {  	s19 =	simm.s32 $0x8480  }
0x4e: {  	[tilespmem:s19], [sflag:$0x7] =	stream.indirect_vreg.gather [hbm4b:s23+s5], $0x80, v4, vm0, $0xb8;
	[tilespmem:$0xB500] =	vst v63  }
0x4f: {  	s20 =	simm.s32 $0x8C80  }
0x50: {  	[tilespmem:s20], [sflag:$0x7] =	stream.indirect_vreg.gather [hbm4b:s31+s5], $0x80, v4, vm0, $0xb8;
	[tilespmem:$0xB500] =	vst v63  }
0x51: {  	s21 =	rddreg [dreg:$0x1e];
	s24 =	simm.s32 $0x5480  }
0x52: {  	[tilespmem:s24], [sflag:$0x4] =	stream.linear.gather [hbm4b:s21+s5], $0x1000, $0x38;
	[tilespmem:$0xB500] =	vst v63  }
0x53: {  	v4 =	vld.msk [tilespmem:$0x890], $0xff;
	_ =	sdelay $0x4  }
0x54: {  	v5 =	vshll.u32 v4, $0x2  }
0x55: {  	v4 =	vand.u32 $0x7, v4;
	v5 =	vand.u32 $0xFFFFFFE0, v5  }
0x56: {  	v4 =	vor.u32 v4, v5  }
0x57: {  	v4 =	vperm.xlane v4, v0;
	_ =	sdelay $0x1  }
0x58: {  	v4 =	vadd.s32 v1, v4;
	_ =	sdelay $0x3  }
0x59: {  	s25 =	simm.s32 $0x9480  }
0x5a: {  	[tilespmem:s25], [sflag:$0x8] =	stream.indirect_vreg.gather [hbm4b:s23+s5], $0x80, v4, vm0, $0xb8;
	[tilespmem:$0xB500] =	vst v63  }
0x5b: {  	s29 =	simm.s32 $0x9C80  }
0x5c: {  	[tilespmem:s29], [sflag:$0x8] =	stream.indirect_vreg.gather [hbm4b:s31+s5], $0x80, v4, vm0, $0xb8;
	[tilespmem:$0xB500] =	vst v63  }
0x5d: {  	s30 =	rddreg [dreg:$0x7]  }
0x5e: {  	[tilespmem:s5], [sflag:$0x1] =	stream.linear.gather [hbm4b:s30+s5], $0x400, $0x38;
	[tilespmem:$0xB500] =	vst v63  }
0x5f: {  	s19 =	simm.s32 $0x0;
	s5 =	simm.s32 $0x40  }
.LBB2_4:
0x60: {  	p0 =	sne.s32 s5, $0x9FC0;
	[tilespmem:s19+$0xA80] =	vst v2;
	s19 =	smov.u32 s5;
	s5 =	sadd.s32 $0x40, s5  }
.Ltmp1:
0x61: {  	(pc) =	sbr.rel @p0 .LBB2_4-.Ltmp1, $2  }
0x62: {  	_ =	sdelay $0x2  }
0x63: {  	s19 =	sshra.s32 s19, $0x2  }
0x64: {  	[tilespmem:s19+$0xA80] =	vst v2  }
0x65: {  	_ =	swait.ge [sflag:s2], $0x400  }
0x66: {  	[sflag:s2] =	ssyncset.done $0x0  }
0x67: {  	s5 =	simm.s32 $0xFFFFFFFC;
	s19 =	simm.s32 $0x20;
	[sflag:s2] =	ssyncadd.s32 $0xFFFFFC00  }
.LBB2_6:
0x68: {  	v4 =	vld [tilespmem:s19+$0xFFFFFFE0];
	_ =	sdelay $0x4  }
0x69: {  	v4 =	vtrunc.f32 v4  }
0x6a: {  	v4 =	vcvt.f32.s32 v4;
	_ =	sdelay $0x5  }
0x6b: {  	[tilespmem:v4+s3+$0x0] =	vst.idx.add.f32.msk $0xffff, v3  }
0x6c: {  	v4 =	vld [tilespmem:s19+$0xFFFFFFF0];
	_ =	sdelay $0x4  }
0x6d: {  	v4 =	vtrunc.f32 v4  }
0x6e: {  	v4 =	vcvt.f32.s32 v4;
	_ =	sdelay $0x5  }
0x6f: {  	[tilespmem:v4+s3+$0x0] =	vst.idx.add.f32.msk $0xffff, v3  }
0x70: {  	v4 =	vld [tilespmem:s19+$0x0];
	_ =	sdelay $0x4  }
0x71: {  	v4 =	vtrunc.f32 v4  }
0x72: {  	v4 =	vcvt.f32.s32 v4;
	_ =	sdelay $0x5  }
0x73: {  	[tilespmem:v4+s3+$0x0] =	vst.idx.add.f32.msk $0xffff, v3  }
0x74: {  	v4 =	vld [tilespmem:s19+$0x10];
	_ =	sdelay $0x4  }
0x75: {  	v4 =	vtrunc.f32 v4  }
0x76: {  	s5 =	sadd.s32 $0x4, s5;
	v4 =	vcvt.f32.s32 v4  }
0x77: {  	p0 =	slt.u32 s5, $0x3C  }
.Ltmp2:
0x78: {  	_ = 	snop;
	(pc) =	sbr.rel @p0 .LBB2_6-.Ltmp2, $2  }
0x79: {  	_ =	sdelay $0x2  }
0x7a: {  	s19 =	sadd.s32 $0x40, s19;
	[tilespmem:v4+s3+$0x0] =	vst.idx.add.f32.msk $0xffff, v3  }
0x7b: {  	s5 =	simm.s32 $0x400;
	s19 =	simm.s32 $0xA80;
	s0 =	rddreg [dreg:$0x8]  }
0x7c: {  	[hbm4b:s0+s4] =	stream.strided.scatter [tilespmem:s19], [sflag:$0xA], $0x2800, s5, s4, $0x38;
	[tilespmem:$0xB500] =	vst v63  }
0x7d: {  	_ =	swait.ge [sflag:s1], $0x2800  }
0x7e: {  	[sflag:s1] =	ssyncset.done $0x0  }
0x7f: {  	[sflag:s1] =	ssyncadd.s32 $0xFFFFD800  }
0x80: {  	[bflag:$0x0] =	sbarrier.arrive $0xFFFF  }
0x81: {  	s29 =	rddreg [dreg:$0x9]  }
0x82: {  	[tilespmem:s19], [sflag:$0x1] =	stream.strided.gather [hbm4b:s29+s4], $0x280, s5, s4, $0x38;
	[tilespmem:$0xB500] =	vst v63  }
0x83: {  	s20 =	simm.s32 $0xD00;
	s30 =	rddreg [dreg:$0xa]  }
0x84: {  	[tilespmem:s20], [sflag:$0x1] =	stream.strided.gather [hbm4b:s30+s4], $0x280, s5, s4, $0x38;
	[tilespmem:$0xB500] =	vst v63  }
0x85: {  	s21 =	simm.s32 $0xF80;
	s20 =	rddreg [dreg:$0xb]  }
0x86: {  	[tilespmem:s21], [sflag:$0x1] =	stream.strided.gather [hbm4b:s20+s4], $0x280, s5, s4, $0x38;
	[tilespmem:$0xB500] =	vst v63  }
0x87: {  	s25 =	simm.s32 $0x1200;
	s24 =	rddreg [dreg:$0xc]  }
0x88: {  	[tilespmem:s25], [sflag:$0x1] =	stream.strided.gather [hbm4b:s24+s4], $0x280, s5, s4, $0x38;
	[tilespmem:$0xB500] =	vst v63  }
0x89: {  	s29 =	rddreg [dreg:$0xd];
	s30 =	simm.s32 $0x1480  }
0x8a: {  	[tilespmem:s30], [sflag:$0x1] =	stream.strided.gather [hbm4b:s29+s4], $0x280, s5, s4, $0x38;
	[tilespmem:$0xB500] =	vst v63  }
0x8b: {  	s20 =	rddreg [dreg:$0xe];
	s21 =	simm.s32 $0x1700  }
0x8c: {  	[tilespmem:s21], [sflag:$0x1] =	stream.strided.gather [hbm4b:s20+s4], $0x280, s5, s4, $0x38;
	[tilespmem:$0xB500] =	vst v63  }
0x8d: {  	s24 =	rddreg [dreg:$0xf];
	s25 =	simm.s32 $0x1980  }
0x8e: {  	[tilespmem:s25], [sflag:$0x1] =	stream.strided.gather [hbm4b:s24+s4], $0x280, s5, s4, $0x38;
	[tilespmem:$0xB500] =	vst v63  }
0x8f: {  	s29 =	rddreg [dreg:$0x10];
	s30 =	simm.s32 $0x1C00  }
0x90: {  	[tilespmem:s30], [sflag:$0x1] =	stream.strided.gather [hbm4b:s29+s4], $0x280, s5, s4, $0x38;
	[tilespmem:$0xB500] =	vst v63  }
0x91: {  	s20 =	rddreg [dreg:$0x11];
	s21 =	simm.s32 $0x1E80  }
0x92: {  	[tilespmem:s21], [sflag:$0x1] =	stream.strided.gather [hbm4b:s20+s4], $0x280, s5, s4, $0x38;
	[tilespmem:$0xB500] =	vst v63  }
0x93: {  	s24 =	rddreg [dreg:$0x12];
	s25 =	simm.s32 $0x2100  }
0x94: {  	[tilespmem:s25], [sflag:$0x1] =	stream.strided.gather [hbm4b:s24+s4], $0x280, s5, s4, $0x38;
	[tilespmem:$0xB500] =	vst v63  }
0x95: {  	s29 =	rddreg [dreg:$0x13];
	s30 =	simm.s32 $0x2380  }
0x96: {  	[tilespmem:s30], [sflag:$0x1] =	stream.strided.gather [hbm4b:s29+s4], $0x280, s5, s4, $0x38;
	[tilespmem:$0xB500] =	vst v63  }
0x97: {  	s20 =	rddreg [dreg:$0x14];
	s21 =	simm.s32 $0x2600  }
0x98: {  	[tilespmem:s21], [sflag:$0x1] =	stream.strided.gather [hbm4b:s20+s4], $0x280, s5, s4, $0x38;
	[tilespmem:$0xB500] =	vst v63  }
0x99: {  	s24 =	rddreg [dreg:$0x15];
	s25 =	simm.s32 $0x2880  }
0x9a: {  	[tilespmem:s25], [sflag:$0x1] =	stream.strided.gather [hbm4b:s24+s4], $0x280, s5, s4, $0x38;
	[tilespmem:$0xB500] =	vst v63  }
0x9b: {  	s29 =	rddreg [dreg:$0x16];
	s30 =	simm.s32 $0x2B00  }
0x9c: {  	[tilespmem:s30], [sflag:$0x1] =	stream.strided.gather [hbm4b:s29+s4], $0x280, s5, s4, $0x38;
	[tilespmem:$0xB500] =	vst v63  }
0x9d: {  	s20 =	rddreg [dreg:$0x17];
	s21 =	simm.s32 $0x2D80  }
0x9e: {  	[tilespmem:s21], [sflag:$0x1] =	stream.strided.gather [hbm4b:s20+s4], $0x280, s5, s4, $0x38;
	[tilespmem:$0xB500] =	vst v63  }
0x9f: {  	s24 =	rddreg [dreg:$0x18];
	s25 =	simm.s32 $0x3000  }
0xa0: {  	[tilespmem:s25], [sflag:$0x1] =	stream.strided.gather [hbm4b:s24+s4], $0x280, s5, s4, $0x38;
	[tilespmem:$0xB500] =	vst v63  }
0xa1: {  	_ =	swait.ge [sflag:s2], $0x280  }
0xa2: {  	[sflag:s2] =	ssyncset.done $0x0  }
0xa3: {  	[sflag:s2] =	ssyncadd.s32 $0xFFFFFD80  }
0xa4: {  	_ =	swait.ge [sflag:s2], $0x280  }
0xa5: {  	[sflag:s2] =	ssyncset.done $0x0  }
0xa6: {  	[sflag:s2] =	ssyncadd.s32 $0xFFFFFD80  }
0xa7: {  	_ =	swait.ge [sflag:s2], $0x280  }
0xa8: {  	[sflag:s2] =	ssyncset.done $0x0  }
0xa9: {  	[sflag:s2] =	ssyncadd.s32 $0xFFFFFD80  }
0xaa: {  	_ =	swait.ge [sflag:s2], $0x280  }
0xab: {  	[sflag:s2] =	ssyncset.done $0x0  }
0xac: {  	[sflag:s2] =	ssyncadd.s32 $0xFFFFFD80  }
0xad: {  	_ =	swait.ge [sflag:s2], $0x280  }
0xae: {  	[sflag:s2] =	ssyncset.done $0x0  }
0xaf: {  	[sflag:s2] =	ssyncadd.s32 $0xFFFFFD80  }
0xb0: {  	_ =	swait.ge [sflag:s2], $0x280  }
0xb1: {  	[sflag:s2] =	ssyncset.done $0x0  }
0xb2: {  	[sflag:s2] =	ssyncadd.s32 $0xFFFFFD80  }
0xb3: {  	_ =	swait.ge [sflag:s2], $0x280  }
0xb4: {  	[sflag:s2] =	ssyncset.done $0x0  }
0xb5: {  	[sflag:s2] =	ssyncadd.s32 $0xFFFFFD80  }
0xb6: {  	_ =	swait.ge [sflag:s2], $0x280  }
0xb7: {  	[sflag:s2] =	ssyncset.done $0x0  }
0xb8: {  	[sflag:s2] =	ssyncadd.s32 $0xFFFFFD80  }
0xb9: {  	_ =	swait.ge [sflag:s2], $0x280  }
0xba: {  	[sflag:s2] =	ssyncset.done $0x0  }
0xbb: {  	[sflag:s2] =	ssyncadd.s32 $0xFFFFFD80  }
0xbc: {  	_ =	swait.ge [sflag:s2], $0x280  }
0xbd: {  	[sflag:s2] =	ssyncset.done $0x0  }
0xbe: {  	[sflag:s2] =	ssyncadd.s32 $0xFFFFFD80  }
0xbf: {  	_ =	swait.ge [sflag:s2], $0x280  }
0xc0: {  	[sflag:s2] =	ssyncset.done $0x0  }
0xc1: {  	[sflag:s2] =	ssyncadd.s32 $0xFFFFFD80  }
0xc2: {  	_ =	swait.ge [sflag:s2], $0x280  }
0xc3: {  	[sflag:s2] =	ssyncset.done $0x0  }
0xc4: {  	[sflag:s2] =	ssyncadd.s32 $0xFFFFFD80  }
0xc5: {  	_ =	swait.ge [sflag:s2], $0x280  }
0xc6: {  	[sflag:s2] =	ssyncset.done $0x0  }
0xc7: {  	[sflag:s2] =	ssyncadd.s32 $0xFFFFFD80  }
0xc8: {  	_ =	swait.ge [sflag:s2], $0x280  }
0xc9: {  	[sflag:s2] =	ssyncset.done $0x0  }
0xca: {  	[sflag:s2] =	ssyncadd.s32 $0xFFFFFD80  }
0xcb: {  	_ =	swait.ge [sflag:s2], $0x280  }
0xcc: {  	[sflag:s2] =	ssyncset.done $0x0  }
0xcd: {  	[sflag:s2] =	ssyncadd.s32 $0xFFFFFD80  }
0xce: {  	_ =	swait.ge [sflag:s2], $0x280  }
0xcf: {  	s29 =	simm.s32 $0x0;
	[sflag:s2] =	ssyncset.done $0x0  }
0xd0: {  	s20 =	sand.u32 $0x3F0, s29;
	[sflag:s2] =	ssyncadd.s32 $0xFFFFFD80  }
0xd1: {  	v4 =	vld [tilespmem:s20+$0x2880]  }
0xd2: {  	v5 =	vld [tilespmem:s20+$0x2B00]  }
0xd3: {  	v6 =	vld [tilespmem:s20+$0x1E80]  }
0xd4: {  	v7 =	vld [tilespmem:s20+$0x2100]  }
0xd5: {  	v8 =	vld [tilespmem:s20+$0x2380]  }
0xd6: {  	v9 =	vld [tilespmem:s20+$0xD00]  }
0xd7: {  	v10 =	vld [tilespmem:s19+$0x0]  }
0xd8: {  	v11 =	vld [tilespmem:s20+$0xF80]  }
0xd9: {  	v12 =	vld [tilespmem:s20+$0x1200]  }
0xda: {  	v13 =	vld [tilespmem:s20+$0x1480]  }
0xdb: {  	v14 =	vld [tilespmem:s20+$0x1700]  }
0xdc: {  	v15 =	vld [tilespmem:s20+$0x1980]  }
0xdd: {  	v16 =	vld [tilespmem:s20+$0x1C00]  }
0xde: {  	v17 =	vld [tilespmem:s20+$0x2600]  }
0xdf: {  	v18 =	vld [tilespmem:s20+$0x2D80]  }
0xe0: {  	v19 =	vld [tilespmem:s20+$0x3000]  }
0xe1: {  	v9 =	vadd.f32 v9, v10;
	v10 =	vadd.f32 v12, v11  }
0xe2: {  	v11 =	vadd.f32 v14, v13;
	v12 =	vadd.f32 v16, v15  }
0xe3: {  	v6 =	vadd.f32 v7, v6;
	v7 =	vadd.f32 v17, v8  }
0xe4: {  	v8 =	vadd.f32 v10, v9;
	v9 =	vadd.f32 v12, v11  }
0xe5: {  	v4 =	vadd.f32 v5, v4;
	v5 =	vadd.f32 v19, v18  }
0xe6: {  	v6 =	vadd.f32 v7, v6;
	v8 =	vadd.f32 v9, v8;
	_ =	sdelay $0x1  }
0xe7: {  	v4 =	vadd.f32 v5, v4;
	v6 =	vadd.f32 v6, v8;
	_ =	sdelay $0x1  }
0xe8: {  	v4 =	vadd.f32 v4, v6  }
0xe9: {  	s30 =	simm.s32 $0x10  }
0xea: {  	s21 =	sand.u32 $0x3F0, s30;
	[tilespmem:s5+$0x0] =	vst v4  }
0xeb: {  	v4 =	vld [tilespmem:s21+$0x2880]  }
0xec: {  	v5 =	vld [tilespmem:s21+$0x2B00]  }
0xed: {  	v6 =	vld [tilespmem:s21+$0x1E80]  }
0xee: {  	v7 =	vld [tilespmem:s21+$0x2100]  }
0xef: {  	v8 =	vld [tilespmem:s21+$0x2380]  }
0xf0: {  	s19 =	simm.s32 $0xA90;
	v9 =	vld [tilespmem:s21+$0xD00]  }
0xf1: {  	v10 =	vld [tilespmem:s19+$0x0]  }
0xf2: {  	v11 =	vld [tilespmem:s21+$0xF80]  }
0xf3: {  	v12 =	vld [tilespmem:s21+$0x1200]  }
0xf4: {  	v13 =	vld [tilespmem:s21+$0x1480]  }
0xf5: {  	v14 =	vld [tilespmem:s21+$0x1700]  }
0xf6: {  	s20 =	simm.s32 $0x20;
	v15 =	vld [tilespmem:s21+$0x1980]  }
.LBB2_8:
0xf7: {  	p0 =	sne.s32 s20, $0x270;
	v16 =	vld [tilespmem:s21+$0x1C00]  }
0xf8: {  	v17 =	vld [tilespmem:s21+$0x2600]  }
0xf9: {  	v18 =	vld [tilespmem:s21+$0x2D80]  }
0xfa: {  	v19 =	vld [tilespmem:s21+$0x3000]  }
0xfb: {  	v9 =	vadd.f32 v9, v10;
	v10 =	vadd.f32 v12, v11  }
0xfc: {  	v11 =	vadd.f32 v14, v13;
	v12 =	vadd.f32 v16, v15  }
0xfd: {  	v6 =	vadd.f32 v7, v6;
	v7 =	vadd.f32 v17, v8  }
0xfe: {  	v8 =	vadd.f32 v10, v9;
	v9 =	vadd.f32 v12, v11  }
0xff: {  	v4 =	vadd.f32 v5, v4;
	v5 =	vadd.f32 v19, v18  }
0x100: {  	v6 =	vadd.f32 v7, v6;
	v8 =	vadd.f32 v9, v8;
	_ =	sdelay $0x1  }
0x101: {  	v4 =	vadd.f32 v5, v4;
	v6 =	vadd.f32 v6, v8;
	_ =	sdelay $0x1  }
0x102: {  	v4 =	vadd.f32 v4, v6  }
0x103: {  	s5 =	sadd.s32 $0x10, s5  }
0x104: {  	s21 =	sand.u32 $0x3F0, s20;
	[tilespmem:s5+$0x0] =	vst v4  }
0x105: {  	v4 =	vld [tilespmem:s21+$0x2880]  }
0x106: {  	v5 =	vld [tilespmem:s21+$0x2B00]  }
0x107: {  	v6 =	vld [tilespmem:s21+$0x1E80]  }
0x108: {  	v7 =	vld [tilespmem:s21+$0x2100]  }
0x109: {  	v8 =	vld [tilespmem:s21+$0x2380]  }
0x10a: {  	s19 =	sadd.s32 $0x10, s19;
	v9 =	vld [tilespmem:s21+$0xD00]  }
0x10b: {  	v10 =	vld [tilespmem:s19+$0x0]  }
.Ltmp3:
0x10c: {  	v11 =	vld [tilespmem:s21+$0xF80];
	(pc) =	sbr.rel @p0 .LBB2_8-.Ltmp3, $4  }
0x10d: {  	v12 =	vld [tilespmem:s21+$0x1200]  }
0x10e: {  	v13 =	vld [tilespmem:s21+$0x1480]  }
0x10f: {  	v14 =	vld [tilespmem:s21+$0x1700]  }
0x110: {  	s20 =	sadd.s32 $0x10, s20;
	v15 =	vld [tilespmem:s21+$0x1980]  }
0x111: {  	v16 =	vld [tilespmem:s21+$0x1C00]  }
0x112: {  	v17 =	vld [tilespmem:s21+$0x2600]  }
0x113: {  	v18 =	vld [tilespmem:s21+$0x2D80]  }
0x114: {  	v19 =	vld [tilespmem:s21+$0x3000]  }
0x115: {  	v9 =	vadd.f32 v9, v10;
	v56 =	vadd.f32 v12, v11  }
0x116: {  	v57 =	vadd.f32 v14, v13;
	v58 =	vadd.f32 v16, v15  }
0x117: {  	v6 =	vadd.f32 v7, v6;
	v60 =	vadd.f32 v56, v9  }
0x118: {  	v59 =	vadd.f32 v17, v8;
	v61 =	vadd.f32 v58, v57  }
0x119: {  	v4 =	vadd.f32 v5, v4;
	v62 =	vadd.f32 v19, v18  }
0x11a: {  	v6 =	vadd.f32 v59, v6;
	v8 =	vadd.f32 v61, v60;
	_ =	sdelay $0x1  }
0x11b: {  	v4 =	vadd.f32 v62, v4;
	v6 =	vadd.f32 v6, v8;
	_ =	sdelay $0x1  }
0x11c: {  	v4 =	vadd.f32 v4, v6  }
0x11d: {  	s5 =	sadd.s32 $0x10, s5  }
0x11e: {  	s0 =	rddreg [dreg:$0x19];
	s29 =	simm.s32 $0x100;
	s19 =	simm.s32 $0x400;
	[tilespmem:s5+$0x0] =	vst v4  }
0x11f: {  	[hbm4b:s0+s4] =	stream.strided.scatter [tilespmem:s19], [sflag:$0xA], $0x280, s29, s4, $0x38;
	[tilespmem:$0xB500] =	vst v63  }
0x120: {  	_ =	swait.ge [sflag:s1], $0x280  }
0x121: {  	[sflag:s1] =	ssyncset.done $0x0  }
0x122: {  	[sflag:s1] =	ssyncadd.s32 $0xFFFFFD80  }
0x123: {  	[bflag:$0x0] =	sbarrier.arrive $0xFFFF  }
0x124: {  	s30 =	rddreg [dreg:$0x1a]  }
0x125: {  	[tilespmem:s3], [sflag:$0xA] =	stream.strided.gather [hbm4b:s30+s4], $0x2800, s29, s4, $0x38;
	[tilespmem:$0xB500] =	vst v63  }
0x126: {  	_ =	swait.ge [sflag:s1], $0x2800  }
0x127: {  	[sflag:s1] =	ssyncset.done $0x0  }
0x128: {  	s5 =	simm.s32 $0x0;
	[sflag:s1] =	ssyncadd.s32 $0xFFFFD800  }
0x129: {  	v63 =	vld [tilespmem:s5+$0x880];
	_ =	sdelay $0x7  }
0x12a: {  	v4 =	vld.idx.msk [tilespmem:v63+s3+$0x0], $0xffff;
	_ =	sdelay $0x4  }
0x12b: {  	(erf) = vrcp.f32 v4;
	_ =	sdelay $0x1  }
0x12c: {  	s21 =	simm.s32 $0x10;
	s20 =	simm.s32 $0x80;
	s19 =	simm.s32 $0x0  }
.LBB2_10:
0x12d: {  	p0 =	sne.s32 s20, $0x7C0;
	v4 =	vld [tilespmem:s21+$0x880];
	_ =	sdelay $0x5  }
0x12e: {  	v5 =	vpop (erf)  }
0x12f: {  	[tilespmem:s5+$0x3280] =	vst v5;
	s5 =	smov.u32 s21  }
0x130: {  	v4 =	vld.idx.msk [tilespmem:v4+s3+$0x0], $0xffff;
	_ =	sdelay $0x3  }
.Ltmp4:
0x131: {  	(pc) =	sbr.rel @p0 .LBB2_10-.Ltmp4, $3  }
0x132: {  	_ = 	snop  }
0x133: {  	(erf) = vrcp.f32 v4;
	_ =	sdelay $0x1  }
0x134: {  	s21 =	sshra.s32 s20, $0x2;
	s20 =	sadd.s32 $0x40, s20  }
0x135: {  	v4 =	vld [tilespmem:s21+$0x880];
	_ =	sdelay $0x5  }
0x136: {  	v5 =	vpop (erf)  }
0x137: {  	[tilespmem:s5+$0x3280] =	vst v5  }
0x138: {  	v4 =	vld.idx.msk [tilespmem:v4+s3+$0x0], $0xffff;
	_ =	sdelay $0x4  }
0x139: {  	(erf) = vrcp.f32 v4;
	_ =	sdelay $0x8  }
0x13a: {  	v4 =	vpop (erf)  }
0x13b: {  	[tilespmem:s21+$0x3280] =	vst v4;
	v4 =	vimm.f32 $0.0e+00  }
.LBB2_12:
0x13c: {  	s24 =	sshll.u32 s19, $0x5  }
0x13d: {  	s20 =	sor.u32 $0x18, s24  }
0x13e: {  	s5 =	sadd.s32 s26, s20  }
0x13f: {  	s5 =	sshll.u32 s5, $0x6  }
0x140: {  	s21 =	simm.s32 $0x0;
	s5 =	sadd.s32 s22, s5  }
0x141: {  	[tilespmem:s6], [sflag:$0x5] =	stream.linear.gather [hbm4b:s5+s21], $0x1000, $0x38;
	[tilespmem:$0xB500] =	vst v63  }
0x142: {  	v5 =	vld.msk [tilespmem:s24+$0x898], $0xff;
	_ =	sdelay $0x2  }
0x143: {  	v0 =	vld [tilespmem:$0x1FFE0];
	_ =	sdelay $0x1  }
0x144: {  	v63 =	vld [tilespmem:$0x1FFF0];
	v6 =	vshll.u32 v5, $0x2  }
0x145: {  	v5 =	vand.u32 $0x7, v5;
	v6 =	vand.u32 $0xFFFFFFE0, v6  }
0x146: {  	v5 =	vor.u32 v5, v6  }
0x147: {  	v5 =	vperm.xlane v5, v0;
	_ =	sdelay $0x1  }
0x148: {  	v5 =	vadd.s32 v63, v5;
	_ =	sdelay $0x4  }
0x149: {  	[tilespmem:s7], [sflag:$0x9] =	stream.indirect_vreg.gather [hbm4b:s23+s21], $0x80, v5, vm0, $0xb8;
	[tilespmem:$0xB500] =	vst v63  }
0x14a: {  	_ = 	snop  }
0x14b: {  	[tilespmem:s8], [sflag:$0x9] =	stream.indirect_vreg.gather [hbm4b:s31+s21], $0x80, v5, vm0, $0xb8;
	[tilespmem:$0xB500] =	vst v63  }
0x14c: {  	_ =	swait.ge [sflag:s9], $0x1000  }
0x14d: {  	[sflag:s9] =	ssyncset.done $0x0  }
0x14e: {  	[sflag:s9] =	ssyncadd.s32 $0xFFFFF000  }
0x14f: {  	_ =	swait.ge [sflag:s10], $0x1000  }
0x150: {  	[sflag:s10] =	ssyncset.done $0x0  }
0x151: {  	s25 =	simm.s32 $0x3C80;
	[sflag:s10] =	ssyncadd.s32 $0xFFFFF000  }
0x152: {  	s5 =	simm.s32 $0x7C80;
	v5 =	vld [tilespmem:s25+$0x440]  }
0x153: {  	v6 =	vld [tilespmem:s5+$0x440]  }
0x154: {  	v7 =	vld [tilespmem:s25+$0x450]  }
0x155: {  	v8 =	vld [tilespmem:s5+$0x450]  }
0x156: {  	v9 =	vld [tilespmem:s25+$0x460]  }
0x157: {  	v10 =	vld [tilespmem:s5+$0x460]  }
0x158: {  	v11 =	vld [tilespmem:s25+$0x470]  }
0x159: {  	v12 =	vld [tilespmem:s5+$0x470]  }
0x15a: {  	v13 =	vld [tilespmem:s25+$0x400]  }
0x15b: {  	v14 =	vld [tilespmem:s5+$0x400]  }
0x15c: {  	v15 =	vld [tilespmem:s25+$0x410]  }
0x15d: {  	v16 =	vld [tilespmem:s5+$0x410]  }
0x15e: {  	v19 =	vld [tilespmem:s25+$0x420]  }
0x15f: {  	v20 =	vld [tilespmem:s5+$0x420]  }
0x160: {  	v21 =	vld [tilespmem:s25+$0x430]  }
0x161: {  	v22 =	vld [tilespmem:s5+$0x430]  }
0x162: {  	v23 =	vld [tilespmem:s25+$0x40]  }
0x163: {  	v24 =	vld [tilespmem:s5+$0x40]  }
0x164: {  	v25 =	vld [tilespmem:s25+$0x50]  }
0x165: {  	v26 =	vld [tilespmem:s5+$0x50]  }
0x166: {  	v27 =	vld [tilespmem:s25+$0x60]  }
0x167: {  	v30 =	vld [tilespmem:s5+$0x60]  }
0x168: {  	v31 =	vld [tilespmem:s25+$0x70]  }
0x169: {  	v32 =	vld [tilespmem:s5+$0x70]  }
0x16a: {  	v33 =	vld [tilespmem:s25+$0x0]  }
0x16b: {  	v34 =	vld [tilespmem:s5+$0x0]  }
0x16c: {  	v35 =	vld [tilespmem:s25+$0x10]  }
0x16d: {  	v36 =	vld [tilespmem:s5+$0x10]  }
0x16e: {  	v37 =	vld [tilespmem:s25+$0x20]  }
0x16f: {  	v38 =	vld [tilespmem:s5+$0x20]  }
0x170: {  	v39 =	vld [tilespmem:s25+$0x30]  }
0x171: {  	v40 =	vld [tilespmem:s5+$0x30]  }
0x172: {  	v41 =	vld [tilespmem:s25+$0xFFFFFC40]  }
0x173: {  	v42 =	vld [tilespmem:s5+$0xFFFFFC40]  }
0x174: {  	v43 =	vld [tilespmem:s25+$0xFFFFFC50]  }
0x175: {  	v44 =	vld [tilespmem:s5+$0xFFFFFC50]  }
0x176: {  	v45 =	vld [tilespmem:s25+$0xFFFFFC60]  }
0x177: {  	v46 =	vld [tilespmem:s5+$0xFFFFFC60]  }
0x178: {  	v47 =	vld [tilespmem:s25+$0xFFFFFC70]  }
0x179: {  	v48 =	vld [tilespmem:s5+$0xFFFFFC70]  }
0x17a: {  	v49 =	vld [tilespmem:s25+$0xFFFFFC00]  }
0x17b: {  	v50 =	vld [tilespmem:s5+$0xFFFFFC00]  }
0x17c: {  	v51 =	vld [tilespmem:s25+$0xFFFFFC10]  }
0x17d: {  	v52 =	vld [tilespmem:s5+$0xFFFFFC10]  }
0x17e: {  	v17 =	vld [tilespmem:s25+$0xFFFFFC20]  }
0x17f: {  	v18 =	vld [tilespmem:s5+$0xFFFFFC20]  }
0x180: {  	v53 =	vld [tilespmem:s25+$0xFFFFF800]  }
0x181: {  	v54 =	vld [tilespmem:s5+$0xFFFFF800]  }
0x182: {  	v55 =	vld [tilespmem:s25+$0xFFFFF810];
	v56 =	vsub.f32 v5, v6;
	v57 =	vsub.f32 v7, v8  }
0x183: {  	v58 =	vld [tilespmem:s5+$0xFFFFF810];
	v6 =	vsub.f32 v9, v10;
	v5 =	vsub.f32 v11, v12  }
0x184: {  	v59 =	vld [tilespmem:s25+$0xFFFFF820];
	v14 =	vsub.f32 v13, v14;
	v15 =	vsub.f32 v15, v16  }
0x185: {  	v60 =	vld [tilespmem:s5+$0xFFFFF820];
	v8 =	vsub.f32 v19, v20;
	v7 =	vsub.f32 v21, v22  }
0x186: {  	v28 =	vld [tilespmem:s25+$0xFFFFF830];
	v19 =	vsub.f32 v23, v24;
	v61 =	vsub.f32 v25, v26  }
0x187: {  	v29 =	vld [tilespmem:s5+$0xFFFFF830];
	v12 =	vsub.f32 v27, v30;
	v9 =	vsub.f32 v31, v32  }
0x188: {  	v30 =	vld [tilespmem:s25+$0xFFFFF840];
	v24 =	vsub.f32 v33, v34;
	v23 =	vsub.f32 v35, v36  }
0x189: {  	v34 =	vld [tilespmem:s5+$0xFFFFF840];
	v16 =	vsub.f32 v37, v38;
	v13 =	vsub.f32 v39, v40  }
0x18a: {  	v33 =	vld [tilespmem:s25+$0xFFFFF850];
	v26 =	vsub.f32 v41, v42;
	v25 =	vsub.f32 v43, v44  }
0x18b: {  	s30 =	sadd.s32 $0x0, s24;
	v35 =	vld [tilespmem:s5+$0xFFFFF850];
	v22 =	vsub.f32 v45, v46;
	v21 =	vsub.f32 v47, v48  }
0x18c: {  	v36 =	vld [tilespmem:s25+$0xFFFFF860];
	v32 =	vsub.f32 v49, v50;
	v31 =	vsub.f32 v51, v52;
	v27 =	vmov s30  }
0x18d: {  	v37 =	vsub.f32 v53, v54;
	v38 =	vld [tilespmem:s5+$0xFFFFF860];
	v10 =	vmul.f32 v56, v56;
	v11 =	vmul.f32 v57, v57  }
0x18e: {  	v40 =	vsub.f32 v55, v58;
	v39 =	vld [tilespmem:s25+$0xFFFFF870];
	v14 =	vmul.f32 v14, v14;
	v15 =	vmul.f32 v15, v15  }
0x18f: {  	s29 =	simm.s32 $0x1;
	v41 =	vsub.f32 v59, v60;
	v42 =	vld [tilespmem:s5+$0xFFFFF870];
	v20 =	vmul.f32 v19, v19;
	v19 =	vmul.f32 v61, v61  }
.LBB2_13:
0x190: {  	p0 =	sne.s32 s29, $0x7;
	v28 =	vsub.f32 v28, v29;
	v29 =	vld [tilespmem:s25+$0xFFFFFC30];
	v43 =	vmul.f32 v24, v24;
	v44 =	vmul.f32 v23, v23  }
0x191: {  	v30 =	vsub.f32 v30, v34;
	v45 =	vmul.f32 v26, v26;
	v46 =	vmul.f32 v25, v25;
	s25 =	sadd.s32 $0x80, s25;
	v34 =	vld [tilespmem:s5+$0xFFFFFC30]  }
0x192: {  	v33 =	vsub.f32 v33, v35;
	v32 =	vmul.f32 v32, v32;
	v35 =	vmul.f32 v31, v31;
	s5 =	sadd.s32 $0x80, s5;
	v23 =	vld [tilespmem:s25+$0x440]  }
0x193: {  	v31 =	vmul.f32 v37, v37;
	v37 =	vmul.f32 v40, v40;
	v36 =	vsub.f32 v36, v38;
	v24 =	vld [tilespmem:s5+$0x440]  }
0x194: {  	v38 =	vmul.f32 v41, v41;
	v40 =	vmul.f32 v28, v28;
	v25 =	vld [tilespmem:s25+$0x450];
	v39 =	vsub.f32 v39, v42  }
0x195: {  	v17 =	vsub.f32 v17, v18;
	v30 =	vmul.f32 v30, v30;
	v33 =	vmul.f32 v33, v33;
	v26 =	vld [tilespmem:s5+$0x450]  }
0x196: {  	v18 =	vmul.f32 v36, v36;
	v28 =	vld [tilespmem:s25+$0x460];
	v36 =	vmul.f32 v39, v39;
	v34 =	vsub.f32 v29, v34  }
0x197: {  	v17 =	vmul.f32 v17, v17;
	v33 =	vadd.f32 v33, v37;
	v39 =	vadd.f32 v30, v31;
	v29 =	vld [tilespmem:s5+$0x460]  }
0x198: {  	v18 =	vadd.f32 v18, v38;
	v30 =	vld [tilespmem:s25+$0x470];
	v36 =	vadd.f32 v36, v40;
	v34 =	vmul.f32 v34, v34  }
0x199: {  	v22 =	vmul.f32 v22, v22;
	v33 =	vadd.f32 v35, v33;
	v32 =	vadd.f32 v32, v39;
	v31 =	vld [tilespmem:s5+$0x470]  }
0x19a: {  	v21 =	vmul.f32 v21, v21;
	v17 =	vadd.f32 v17, v18;
	v35 =	vld [tilespmem:s25+$0x400];
	v18 =	vadd.f32 v34, v36  }
0x19b: {  	v16 =	vmul.f32 v16, v16;
	v33 =	vadd.f32 v46, v33;
	v32 =	vadd.f32 v45, v32;
	v34 =	vld [tilespmem:s5+$0x400]  }
0x19c: {  	v13 =	vmul.f32 v13, v13;
	v17 =	vadd.f32 v22, v17;
	v36 =	vld [tilespmem:s25+$0x410];
	v18 =	vadd.f32 v21, v18  }
0x19d: {  	v12 =	vmul.f32 v12, v12;
	v22 =	vadd.f32 v43, v32;
	v32 =	vadd.f32 v44, v33;
	v21 =	vld [tilespmem:s5+$0x410]  }
0x19e: {  	v9 =	vmul.f32 v9, v9;
	v16 =	vadd.f32 v16, v17;
	v33 =	vld [tilespmem:s25+$0x420];
	v13 =	vadd.f32 v13, v18  }
0x19f: {  	v8 =	vmul.f32 v8, v8;
	v17 =	vadd.f32 v20, v22;
	v18 =	vadd.f32 v19, v32;
	v37 =	vld [tilespmem:s5+$0x420]  }
0x1a0: {  	v7 =	vmul.f32 v7, v7;
	v12 =	vadd.f32 v12, v16;
	v19 =	vld [tilespmem:s25+$0x430];
	v9 =	vadd.f32 v9, v13  }
0x1a1: {  	v6 =	vmul.f32 v6, v6;
	v14 =	vadd.f32 v14, v17;
	v15 =	vadd.f32 v15, v18;
	v13 =	vld [tilespmem:s5+$0x430]  }
0x1a2: {  	v5 =	vmul.f32 v5, v5;
	v8 =	vadd.f32 v8, v12;
	v16 =	vld [tilespmem:s25+$0x40];
	v7 =	vadd.f32 v7, v9  }
0x1a3: {  	v10 =	vadd.f32 v10, v14;
	v11 =	vadd.f32 v11, v15;
	v9 =	vld [tilespmem:s5+$0x40]  }
0x1a4: {  	v6 =	vadd.f32 v6, v8;
	v5 =	vadd.f32 v5, v7;
	v7 =	vld.idx.msk [tilespmem:v27+s11+$0x0], $0xffff  }
0x1a5: {  	v12 =	vld [tilespmem:s25+$0x50]  }
0x1a6: {  	v8 =	vadd.f32 v11, v10;
	v14 =	vld [tilespmem:s5+$0x50];
	v5 =	vadd.f32 v5, v6  }
0x1a7: {  	v10 =	vld [tilespmem:s25+$0x60]  }
0x1a8: {  	v11 =	vld [tilespmem:s5+$0x60];
	v5 =	vadd.f32 v5, v8  }
0x1a9: {  	v15 =	vld [tilespmem:s25+$0x70]  }
0x1aa: {  	v20 =	vld [tilespmem:s5+$0x70];
	v5 =	vmul.f32 v5, v7  }
0x1ab: {  	v22 =	vld [tilespmem:s25+$0x0]  }
0x1ac: {  	v27 =	vld [tilespmem:s5+$0x0];
	v4 =	vadd.f32 v5, v4  }
0x1ad: {  	v32 =	vld [tilespmem:s25+$0x10]  }
0x1ae: {  	v38 =	vld [tilespmem:s5+$0x10]  }
0x1af: {  	v39 =	vld [tilespmem:s25+$0x20]  }
0x1b0: {  	v40 =	vld [tilespmem:s5+$0x20]  }
0x1b1: {  	v41 =	vld [tilespmem:s25+$0x30]  }
0x1b2: {  	v42 =	vld [tilespmem:s5+$0x30]  }
0x1b3: {  	v43 =	vld [tilespmem:s25+$0xFFFFFC40]  }
0x1b4: {  	v44 =	vld [tilespmem:s5+$0xFFFFFC40]  }
0x1b5: {  	v45 =	vld [tilespmem:s25+$0xFFFFFC50]  }
0x1b6: {  	v46 =	vld [tilespmem:s5+$0xFFFFFC50]  }
0x1b7: {  	v47 =	vld [tilespmem:s25+$0xFFFFFC60]  }
0x1b8: {  	v48 =	vld [tilespmem:s5+$0xFFFFFC60]  }
0x1b9: {  	v49 =	vld [tilespmem:s25+$0xFFFFFC70]  }
0x1ba: {  	v50 =	vld [tilespmem:s5+$0xFFFFFC70]  }
0x1bb: {  	v51 =	vld [tilespmem:s25+$0xFFFFFC00]  }
0x1bc: {  	v52 =	vld [tilespmem:s5+$0xFFFFFC00]  }
0x1bd: {  	v53 =	vld [tilespmem:s25+$0xFFFFFC10]  }
0x1be: {  	v54 =	vld [tilespmem:s5+$0xFFFFFC10]  }
0x1bf: {  	v17 =	vld [tilespmem:s25+$0xFFFFFC20]  }
0x1c0: {  	v18 =	vld [tilespmem:s5+$0xFFFFFC20]  }
0x1c1: {  	v55 =	vld [tilespmem:s25+$0xFFFFF800]  }
0x1c2: {  	v56 =	vld [tilespmem:s5+$0xFFFFF800]  }
0x1c3: {  	v58 =	vsub.f32 v23, v24;
	v59 =	vsub.f32 v25, v26;
	v57 =	vld [tilespmem:s25+$0xFFFFF810]  }
0x1c4: {  	v6 =	vsub.f32 v28, v29;
	v5 =	vsub.f32 v30, v31;
	v60 =	vld [tilespmem:s5+$0xFFFFF810]  }
0x1c5: {  	v62 =	vsub.f32 v35, v34;
	v63 =	vsub.f32 v36, v21;
	v61 =	vld [tilespmem:s25+$0xFFFFF820]  }
0x1c6: {  	v8 =	vsub.f32 v33, v37;
	v7 =	vsub.f32 v19, v13;
	v0 =	vld [tilespmem:s5+$0xFFFFF820]  }
0x1c7: {  	v19 =	vsub.f32 v16, v9;
	v1 =	vsub.f32 v12, v14;
	v28 =	vld [tilespmem:s25+$0xFFFFF830]  }
0x1c8: {  	v12 =	vsub.f32 v10, v11;
	v9 =	vsub.f32 v15, v20;
	v29 =	vld [tilespmem:s5+$0xFFFFF830]  }
0x1c9: {  	v24 =	vsub.f32 v22, v27;
	v23 =	vsub.f32 v32, v38;
	v30 =	vld [tilespmem:s25+$0xFFFFF840]  }
0x1ca: {  	v16 =	vsub.f32 v39, v40;
	v13 =	vsub.f32 v41, v42;
	v34 =	vld [tilespmem:s5+$0xFFFFF840]  }
0x1cb: {  	v26 =	vsub.f32 v43, v44;
	v25 =	vsub.f32 v45, v46;
	v33 =	vld [tilespmem:s25+$0xFFFFF850]  }
.Ltmp5:
0x1cc: {  	s21 =	sadd.s32 s24, s29;
	v22 =	vsub.f32 v47, v48;
	v21 =	vsub.f32 v49, v50;
	v35 =	vld [tilespmem:s5+$0xFFFFF850];
	(pc) =	sbr.rel @p0 .LBB2_13-.Ltmp5, $4  }
0x1cd: {  	v27 =	vmov s21;
	v32 =	vsub.f32 v51, v52;
	v31 =	vsub.f32 v53, v54;
	v36 =	vld [tilespmem:s25+$0xFFFFF860]  }
0x1ce: {  	v10 =	vmul.f32 v58, v58;
	v11 =	vmul.f32 v59, v59;
	v37 =	vsub.f32 v55, v56;
	v38 =	vld [tilespmem:s5+$0xFFFFF860]  }
0x1cf: {  	v14 =	vmul.f32 v62, v62;
	v15 =	vmul.f32 v63, v63;
	v40 =	vsub.f32 v57, v60;
	v39 =	vld [tilespmem:s25+$0xFFFFF870]  }
0x1d0: {  	s29 =	sadd.s32 $0x1, s29;
	v20 =	vmul.f32 v19, v19;
	v19 =	vmul.f32 v1, v1;
	v41 =	vsub.f32 v61, v0;
	v42 =	vld [tilespmem:s5+$0xFFFFF870]  }
0x1d1: {  	p0 =	seq.s32 s19, $0xF  }
0x1d2: {  	s21 =	sadd.s32 @!p0 s26, s24  }
0x1d3: {  	s21 =	sshll.u32 @!p0 s21, $0x6  }
0x1d4: {  	v0 =	vld [tilespmem:s25+$0xFFFFFC30];
	s25 =	sadd.s32 @!p0 s22, s21  }
0x1d5: {  	v1 =	vld [tilespmem:s5+$0xFFFFFC30];
	s29 =	simm.s32 @!p0 $0x3480;
	s21 =	simm.s32 @!p0 $0x0;
	s5 =	sadd.s32 @!p0 $0x800, s25  }
0x1d6: {  	v27 =	vld.idx.msk [tilespmem:v27+s11+$0x0], $0xffff;
	[tilespmem:s29], [sflag:$0x2] =	stream.linear.gather @!p0 [hbm4b:s5+s21], $0x1000, $0x38  }
0x1d7: {  	v43 =	vld.msk @!p0 [tilespmem:s24+$0x8A0], $0xff;
	_ =	sdelay $0x4  }
0x1d8: {  	v44 =	vshll.u32 @!p0 v43, $0x2  }
0x1d9: {  	v45 =	vlaneseq.u32 @!p0;
	v43 =	vand.u32 @!p0 $0x7, v43;
	v44 =	vand.u32 @!p0 $0xFFFFFFE0, v44  }
0x1da: {  	v43 =	vor.u32 @!p0 v43, v44;
	v44 =	vand.u32 @!p0 $0x7, v45;
	v45 =	vshrl.u32 @!p0 v45, $0x3  }
0x1db: {  	v43 =	vperm.xlane @!p0 v43, v44;
	v44 =	vmul.u32 @!p0 $0x8, v45;
	_ =	sdelay $0x1  }
0x1dc: {  	v43 =	vadd.s32 @!p0 v44, v43;
	_ =	sdelay $0x3  }
0x1dd: {  	vm1 =	vmmov @!p0 $0xffff;
	s5 =	simm.s32 @!p0 $0x7480  }
0x1de: {  	[tilespmem:s5], [sflag:$0x6] =	stream.indirect_vreg.gather @!p0 [hbm4b:s23+s21], $0x80, v43, vm1, $0xb8;
	[tilespmem:$0xB500] =	vst v63  }
0x1df: {  	s5 =	simm.s32 @!p0 $0x7C80  }
0x1e0: {  	[tilespmem:s5], [sflag:$0x6] =	stream.indirect_vreg.gather @!p0 [hbm4b:s31+s21], $0x80, v43, vm1, $0xb8;
	[tilespmem:$0xB500] =	vst v63  }
0x1e1: {  	_ =	swait.ge [sflag:s12], $0x1000  }
0x1e2: {  	[sflag:s12] =	ssyncset.done $0x0  }
0x1e3: {  	[sflag:s12] =	ssyncadd.s32 $0xFFFFF000  }
0x1e4: {  	_ =	swait.ge [sflag:s13], $0x1000  }
0x1e5: {  	[sflag:s13] =	ssyncset.done $0x0  }
0x1e6: {  	s29 =	simm.s32 $0x4C80;
	[sflag:s13] =	ssyncadd.s32 $0xFFFFF000  }
0x1e7: {  	s5 =	simm.s32 $0x8C80;
	v43 =	vld [tilespmem:s29+$0x440]  }
0x1e8: {  	v44 =	vld [tilespmem:s5+$0x440]  }
0x1e9: {  	v45 =	vld [tilespmem:s29+$0x450]  }
0x1ea: {  	v46 =	vld [tilespmem:s5+$0x450]  }
0x1eb: {  	v47 =	vld [tilespmem:s29+$0x460]  }
0x1ec: {  	v48 =	vld [tilespmem:s5+$0x460]  }
0x1ed: {  	v49 =	vld [tilespmem:s29+$0x470]  }
0x1ee: {  	v50 =	vld [tilespmem:s5+$0x470]  }
0x1ef: {  	v51 =	vld [tilespmem:s29+$0x400]  }
0x1f0: {  	v52 =	vld [tilespmem:s5+$0x400]  }
0x1f1: {  	v53 =	vld [tilespmem:s29+$0x410]  }
0x1f2: {  	v54 =	vld [tilespmem:s5+$0x410]  }
0x1f3: {  	v55 =	vld [tilespmem:s29+$0x420]  }
0x1f4: {  	v56 =	vld [tilespmem:s5+$0x420]  }
0x1f5: {  	v57 =	vld [tilespmem:s29+$0x430]  }
0x1f6: {  	v58 =	vld [tilespmem:s5+$0x430]  }
0x1f7: {  	v59 =	vld [tilespmem:s29+$0x40]  }
0x1f8: {  	v60 =	vld [tilespmem:s5+$0x40]  }
0x1f9: {  	v28 =	vsub.f32 v28, v29;
	v29 =	vsub.f32 v30, v34;
	v30 =	vld [tilespmem:s29+$0x50]  }
0x1fa: {  	v33 =	vsub.f32 v33, v35;
	v17 =	vsub.f32 v17, v18;
	v35 =	vld [tilespmem:s5+$0x50]  }
0x1fb: {  	v32 =	vmul.f32 v32, v32;
	v61 =	vmul.f32 v41, v41;
	v63 =	vsub.f32 v39, v42;
	v39 =	vld [tilespmem:s29+$0x60]  }
0x1fc: {  	v62 =	vsub.f32 v36, v38;
	v36 =	vmul.f32 v37, v37;
	v29 =	vmul.f32 v29, v29;
	v41 =	vld [tilespmem:s5+$0x60]  }
0x1fd: {  	v37 =	vmul.f32 v40, v40;
	v18 =	vmul.f32 v33, v33;
	v0 =	vsub.f32 v0, v1;
	v1 =	vld [tilespmem:s29+$0x70]  }
0x1fe: {  	v31 =	vmul.f32 v31, v31;
	v62 =	vmul.f32 v62, v62;
	v29 =	vadd.f32 v29, v36;
	v36 =	vld [tilespmem:s5+$0x70]  }
0x1ff: {  	v28 =	vmul.f32 v28, v28;
	v18 =	vadd.f32 v18, v37;
	v63 =	vmul.f32 v63, v63;
	v37 =	vld [tilespmem:s29+$0x0]  }
0x200: {  	v26 =	vmul.f32 v26, v26;
	v17 =	vmul.f32 v17, v17;
	v33 =	vadd.f32 v62, v61;
	v34 =	vld [tilespmem:s5+$0x0]  }
0x201: {  	v29 =	vadd.f32 v32, v29;
	v0 =	vmul.f32 v0, v0;
	v28 =	vadd.f32 v63, v28;
	v32 =	vld [tilespmem:s29+$0x10]  }
0x202: {  	v25 =	vmul.f32 v25, v25;
	v18 =	vadd.f32 v31, v18;
	v17 =	vadd.f32 v17, v33;
	v33 =	vld [tilespmem:s5+$0x10]  }
0x203: {  	v22 =	vmul.f32 v22, v22;
	v24 =	vmul.f32 v24, v24;
	v0 =	vadd.f32 v0, v28;
	v28 =	vld [tilespmem:s29+$0x20]  }
0x204: {  	v21 =	vmul.f32 v21, v21;
	v26 =	vadd.f32 v26, v29;
	v18 =	vadd.f32 v25, v18;
	v25 =	vld [tilespmem:s5+$0x20]  }
0x205: {  	v23 =	vmul.f32 v23, v23;
	v16 =	vmul.f32 v16, v16;
	v17 =	vadd.f32 v22, v17;
	v22 =	vld [tilespmem:s29+$0x30]  }
0x206: {  	v13 =	vmul.f32 v13, v13;
	v0 =	vadd.f32 v21, v0;
	v21 =	vadd.f32 v24, v26;
	v26 =	vld [tilespmem:s5+$0x30]  }
0x207: {  	v12 =	vmul.f32 v12, v12;
	v18 =	vadd.f32 v23, v18;
	v16 =	vadd.f32 v16, v17;
	v38 =	vld [tilespmem:s29+$0xFFFFFC40]  }
0x208: {  	v9 =	vmul.f32 v9, v9;
	v0 =	vadd.f32 v13, v0;
	v13 =	vadd.f32 v20, v21;
	v20 =	vld [tilespmem:s5+$0xFFFFFC40]  }
0x209: {  	v8 =	vmul.f32 v8, v8;
	v17 =	vadd.f32 v19, v18;
	v19 =	vld [tilespmem:s29+$0xFFFFFC50]  }
0x20a: {  	v7 =	vmul.f32 v7, v7;
	v12 =	vadd.f32 v12, v16;
	v0 =	vadd.f32 v9, v0;
	v21 =	vld [tilespmem:s5+$0xFFFFFC50]  }
0x20b: {  	v6 =	vmul.f32 v6, v6;
	v9 =	vadd.f32 v14, v13;
	v13 =	vadd.f32 v15, v17;
	v14 =	vld [tilespmem:s29+$0xFFFFFC60]  }
0x20c: {  	v5 =	vmul.f32 v5, v5;
	v8 =	vadd.f32 v8, v12;
	v0 =	vadd.f32 v7, v0;
	v15 =	vld [tilespmem:s5+$0xFFFFFC60]  }
0x20d: {  	v7 =	vadd.f32 v10, v9;
	v9 =	vadd.f32 v11, v13;
	v10 =	vld [tilespmem:s29+$0xFFFFFC70]  }
0x20e: {  	v6 =	vadd.f32 v6, v8;
	v0 =	vadd.f32 v5, v0;
	v11 =	vld [tilespmem:s5+$0xFFFFFC70]  }
0x20f: {  	v40 =	vld [tilespmem:s29+$0xFFFFFC00]  }
0x210: {  	v5 =	vadd.f32 v9, v7;
	v0 =	vadd.f32 v0, v6;
	v42 =	vld [tilespmem:s5+$0xFFFFFC00]  }
0x211: {  	v61 =	vld [tilespmem:s29+$0xFFFFFC10]  }
0x212: {  	v0 =	vadd.f32 v0, v5;
	v62 =	vld [tilespmem:s5+$0xFFFFFC10]  }
0x213: {  	v16 =	vld [tilespmem:s29+$0xFFFFFC20]  }
0x214: {  	v0 =	vmul.f32 v0, v27;
	v18 =	vld [tilespmem:s5+$0xFFFFFC20]  }
0x215: {  	v27 =	vld [tilespmem:s29+$0xFFFFF800]  }
0x216: {  	v4 =	vadd.f32 v0, v4;
	v0 =	vld [tilespmem:s5+$0xFFFFF800]  }
0x217: {  	v63 =	vld [tilespmem:s29+$0xFFFFF810];
	v43 =	vsub.f32 v43, v44;
	v44 =	vsub.f32 v45, v46  }
0x218: {  	v29 =	vld [tilespmem:s29+$0xFFFFF830];
	v6 =	vsub.f32 v47, v48;
	v5 =	vsub.f32 v49, v50  }
0x219: {  	v31 =	vld [tilespmem:s29+$0xFFFFF840];
	v47 =	vsub.f32 v51, v52;
	v2 =	vsub.f32 v53, v54  }
0x21a: {  	v45 =	vld [tilespmem:s5+$0xFFFFF810];
	v8 =	vsub.f32 v55, v56;
	v7 =	vsub.f32 v57, v58  }
0x21b: {  	v46 =	vld [tilespmem:s29+$0xFFFFF820];
	v59 =	vsub.f32 v59, v60;
	v60 =	vsub.f32 v30, v35  }
0x21c: {  	v54 =	vld [tilespmem:s5+$0xFFFFF820];
	v12 =	vsub.f32 v39, v41;
	v9 =	vsub.f32 v1, v36  }
0x21d: {  	v30 =	vld [tilespmem:s5+$0xFFFFF830];
	v24 =	vsub.f32 v37, v34;
	v23 =	vsub.f32 v32, v33  }
0x21e: {  	v35 =	vld [tilespmem:s5+$0xFFFFF840];
	v17 =	vsub.f32 v28, v25;
	v13 =	vsub.f32 v22, v26  }
0x21f: {  	v34 =	vld [tilespmem:s29+$0xFFFFF850];
	v26 =	vsub.f32 v38, v20;
	v25 =	vsub.f32 v19, v21  }
0x220: {  	s30 =	sor.u32 $0x8, s24;
	v36 =	vld [tilespmem:s5+$0xFFFFF850];
	v22 =	vsub.f32 v14, v15;
	v21 =	vsub.f32 v10, v11  }
0x221: {  	s0 =	sadd.s32 $0x0, s30;
	v37 =	vld [tilespmem:s29+$0xFFFFF860];
	v33 =	vsub.f32 v40, v42;
	v32 =	vsub.f32 v61, v62;
	v10 =	vmul.f32 v43, v43  }
0x222: {  	v28 =	vmov s0;
	v39 =	vld [tilespmem:s5+$0xFFFFF860];
	v11 =	vmul.f32 v44, v44;
	v14 =	vmul.f32 v47, v47  }
0x223: {  	v38 =	vsub.f32 v27, v0;
	v40 =	vld [tilespmem:s29+$0xFFFFF870];
	v15 =	vmul.f32 v2, v2;
	v20 =	vmul.f32 v59, v59  }
0x224: {  	s21 =	simm.s32 $0x1;
	v43 =	vld [tilespmem:s5+$0xFFFFF870];
	v19 =	vmul.f32 v60, v60;
	v41 =	vsub.f32 v63, v45;
	v42 =	vsub.f32 v46, v54  }
.LBB2_15:
0x225: {  	p1 =	sne.s32 s21, $0x7;
	v0 =	vsub.f32 v29, v30;
	v1 =	vld [tilespmem:s29+$0xFFFFFC30];
	v44 =	vmul.f32 v24, v24;
	v45 =	vmul.f32 v23, v23  }
0x226: {  	v27 =	vsub.f32 v31, v35;
	v35 =	vmul.f32 v26, v26;
	v46 =	vmul.f32 v25, v25;
	s29 =	sadd.s32 $0x80, s29;
	v29 =	vld [tilespmem:s5+$0xFFFFFC30]  }
0x227: {  	v30 =	vsub.f32 v34, v36;
	v33 =	vmul.f32 v33, v33;
	v32 =	vmul.f32 v32, v32;
	s5 =	sadd.s32 $0x80, s5;
	v23 =	vld [tilespmem:s29+$0x440]  }
0x228: {  	v31 =	vmul.f32 v38, v38;
	v34 =	vmul.f32 v41, v41;
	v36 =	vsub.f32 v37, v39;
	v24 =	vld [tilespmem:s5+$0x440]  }
0x229: {  	v37 =	vmul.f32 v42, v42;
	v0 =	vmul.f32 v0, v0;
	v25 =	vld [tilespmem:s29+$0x450];
	v38 =	vsub.f32 v40, v43  }
0x22a: {  	v16 =	vsub.f32 v16, v18;
	v39 =	vmul.f32 v27, v27;
	v30 =	vmul.f32 v30, v30;
	v26 =	vld [tilespmem:s5+$0x450]  }
0x22b: {  	v18 =	vmul.f32 v36, v36;
	v27 =	vld [tilespmem:s29+$0x460];
	v36 =	vmul.f32 v38, v38;
	v1 =	vsub.f32 v1, v29  }
0x22c: {  	v16 =	vmul.f32 v16, v16;
	v34 =	vadd.f32 v30, v34;
	v38 =	vadd.f32 v39, v31;
	v29 =	vld [tilespmem:s5+$0x460]  }
0x22d: {  	v18 =	vadd.f32 v18, v37;
	v30 =	vld [tilespmem:s29+$0x470];
	v0 =	vadd.f32 v36, v0;
	v1 =	vmul.f32 v1, v1  }
0x22e: {  	v22 =	vmul.f32 v22, v22;
	v32 =	vadd.f32 v32, v34;
	v33 =	vadd.f32 v33, v38;
	v31 =	vld [tilespmem:s5+$0x470]  }
0x22f: {  	v16 =	vadd.f32 v16, v18;
	v34 =	vld [tilespmem:s29+$0x400];
	v0 =	vadd.f32 v1, v0;
	v1 =	vmul.f32 v21, v21  }
0x230: {  	v17 =	vmul.f32 v17, v17;
	v32 =	vadd.f32 v46, v32;
	v18 =	vadd.f32 v35, v33;
	v21 =	vld [tilespmem:s5+$0x400]  }
0x231: {  	v16 =	vadd.f32 v22, v16;
	v33 =	vld [tilespmem:s29+$0x410];
	v0 =	vadd.f32 v1, v0;
	v1 =	vmul.f32 v13, v13  }
0x232: {  	v12 =	vmul.f32 v12, v12;
	v22 =	vadd.f32 v45, v32;
	v18 =	vadd.f32 v44, v18;
	v13 =	vld [tilespmem:s5+$0x410]  }
0x233: {  	v16 =	vadd.f32 v17, v16;
	v32 =	vld [tilespmem:s29+$0x420];
	v0 =	vadd.f32 v1, v0;
	v1 =	vmul.f32 v9, v9  }
0x234: {  	v8 =	vmul.f32 v8, v8;
	v17 =	vadd.f32 v20, v18;
	v18 =	vadd.f32 v19, v22;
	v9 =	vld [tilespmem:s5+$0x420]  }
0x235: {  	v12 =	vadd.f32 v12, v16;
	v19 =	vld [tilespmem:s29+$0x430];
	v0 =	vadd.f32 v1, v0;
	v1 =	vmul.f32 v7, v7  }
0x236: {  	v6 =	vmul.f32 v6, v6;
	v14 =	vadd.f32 v14, v17;
	v15 =	vadd.f32 v15, v18;
	v7 =	vld [tilespmem:s5+$0x430]  }
0x237: {  	v8 =	vadd.f32 v8, v12;
	v17 =	vld [tilespmem:s29+$0x40];
	v0 =	vadd.f32 v1, v0;
	v1 =	vmul.f32 v5, v5  }
0x238: {  	v5 =	vadd.f32 v10, v14;
	v10 =	vadd.f32 v11, v15;
	v12 =	vld [tilespmem:s5+$0x40]  }
0x239: {  	v6 =	vadd.f32 v6, v8;
	v0 =	vadd.f32 v1, v0;
	v1 =	vld.idx.msk [tilespmem:v28+s11+$0x0], $0xffff  }
0x23a: {  	v11 =	vld [tilespmem:s29+$0x50]  }
0x23b: {  	v5 =	vadd.f32 v10, v5;
	v14 =	vld [tilespmem:s5+$0x50];
	v0 =	vadd.f32 v0, v6  }
0x23c: {  	v10 =	vld [tilespmem:s29+$0x60]  }
0x23d: {  	v15 =	vld [tilespmem:s5+$0x60];
	v0 =	vadd.f32 v0, v5  }
0x23e: {  	v20 =	vld [tilespmem:s29+$0x70]  }
0x23f: {  	v22 =	vld [tilespmem:s5+$0x70];
	v0 =	vmul.f32 v0, v1  }
0x240: {  	v1 =	vld [tilespmem:s29+$0x0]  }
0x241: {  	v28 =	vld [tilespmem:s5+$0x0];
	v4 =	vadd.f32 v0, v4  }
0x242: {  	v0 =	vld [tilespmem:s29+$0x10]  }
0x243: {  	v35 =	vld [tilespmem:s5+$0x10]  }
0x244: {  	v36 =	vld [tilespmem:s29+$0x20]  }
0x245: {  	v37 =	vld [tilespmem:s5+$0x20]  }
0x246: {  	v38 =	vld [tilespmem:s29+$0x30]  }
0x247: {  	v39 =	vld [tilespmem:s5+$0x30]  }
0x248: {  	v40 =	vld [tilespmem:s29+$0xFFFFFC40]  }
0x249: {  	v41 =	vld [tilespmem:s5+$0xFFFFFC40]  }
0x24a: {  	v42 =	vld [tilespmem:s29+$0xFFFFFC50]  }
0x24b: {  	v43 =	vld [tilespmem:s5+$0xFFFFFC50]  }
0x24c: {  	v44 =	vld [tilespmem:s29+$0xFFFFFC60]  }
0x24d: {  	v45 =	vld [tilespmem:s5+$0xFFFFFC60]  }
0x24e: {  	v46 =	vld [tilespmem:s29+$0xFFFFFC70]  }
0x24f: {  	v47 =	vld [tilespmem:s5+$0xFFFFFC70]  }
0x250: {  	v48 =	vld [tilespmem:s29+$0xFFFFFC00]  }
0x251: {  	v49 =	vld [tilespmem:s5+$0xFFFFFC00]  }
0x252: {  	v50 =	vld [tilespmem:s29+$0xFFFFFC10]  }
0x253: {  	v51 =	vld [tilespmem:s5+$0xFFFFFC10]  }
0x254: {  	v16 =	vld [tilespmem:s29+$0xFFFFFC20]  }
0x255: {  	v18 =	vld [tilespmem:s5+$0xFFFFFC20]  }
0x256: {  	v52 =	vld [tilespmem:s29+$0xFFFFF800]  }
0x257: {  	v53 =	vld [tilespmem:s5+$0xFFFFF800]  }
0x258: {  	v55 =	vsub.f32 v23, v24;
	v56 =	vsub.f32 v25, v26;
	v54 =	vld [tilespmem:s29+$0xFFFFF810]  }
0x259: {  	v6 =	vsub.f32 v27, v29;
	v5 =	vsub.f32 v30, v31;
	v57 =	vld [tilespmem:s5+$0xFFFFF810]  }
0x25a: {  	v58 =	vsub.f32 v34, v21;
	v59 =	vsub.f32 v33, v13;
	v27 =	vld [tilespmem:s29+$0xFFFFF820]  }
0x25b: {  	v8 =	vsub.f32 v32, v9;
	v7 =	vsub.f32 v19, v7;
	v60 =	vld [tilespmem:s5+$0xFFFFF820]  }
0x25c: {  	v19 =	vsub.f32 v17, v12;
	v61 =	vsub.f32 v11, v14;
	v29 =	vld [tilespmem:s29+$0xFFFFF830]  }
0x25d: {  	v12 =	vsub.f32 v10, v15;
	v9 =	vsub.f32 v20, v22;
	v30 =	vld [tilespmem:s5+$0xFFFFF830]  }
0x25e: {  	v24 =	vsub.f32 v1, v28;
	v23 =	vsub.f32 v0, v35;
	v31 =	vld [tilespmem:s29+$0xFFFFF840]  }
0x25f: {  	v17 =	vsub.f32 v36, v37;
	v13 =	vsub.f32 v38, v39;
	v35 =	vld [tilespmem:s5+$0xFFFFF840]  }
0x260: {  	v26 =	vsub.f32 v40, v41;
	v25 =	vsub.f32 v42, v43;
	v34 =	vld [tilespmem:s29+$0xFFFFF850]  }
.Ltmp6:
0x261: {  	s0 =	sadd.s32 s30, s21;
	v22 =	vsub.f32 v44, v45;
	v21 =	vsub.f32 v46, v47;
	v36 =	vld [tilespmem:s5+$0xFFFFF850];
	(pc) =	sbr.rel @p1 .LBB2_15-.Ltmp6, $4  }
0x262: {  	v28 =	vmov s0;
	v33 =	vsub.f32 v48, v49;
	v32 =	vsub.f32 v50, v51;
	v37 =	vld [tilespmem:s29+$0xFFFFF860]  }
0x263: {  	v11 =	vmul.f32 v56, v56;
	v10 =	vmul.f32 v55, v55;
	v38 =	vsub.f32 v52, v53;
	v39 =	vld [tilespmem:s5+$0xFFFFF860]  }
0x264: {  	v14 =	vmul.f32 v58, v58;
	v15 =	vmul.f32 v59, v59;
	v41 =	vsub.f32 v54, v57;
	v40 =	vld [tilespmem:s29+$0xFFFFF870]  }
0x265: {  	s21 =	sadd.s32 $0x1, s21;
	v20 =	vmul.f32 v19, v19;
	v19 =	vmul.f32 v61, v61;
	v42 =	vsub.f32 v27, v60;
	v43 =	vld [tilespmem:s5+$0xFFFFF870]  }
0x266: {  	_ =	sdelay $0x1  }
0x267: {  	v0 =	vld [tilespmem:s29+$0xFFFFFC30]  }
0x268: {  	v1 =	vld [tilespmem:s5+$0xFFFFFC30];
	s0 =	sadd.s32 @!p0 $0xA00, s25;
	s5 =	simm.s32 @!p0 $0x0;
	s21 =	simm.s32 @!p0 $0x4480  }
0x269: {  	v27 =	vld.idx.msk [tilespmem:v28+s11+$0x0], $0xffff;
	[tilespmem:s21], [sflag:$0x3] =	stream.linear.gather @!p0 [hbm4b:s0+s5], $0x1000, $0x38  }
0x26a: {  	v28 =	vld.msk @!p0 [tilespmem:s24+$0x8A8], $0xff;
	_ =	sdelay $0x4  }
0x26b: {  	v44 =	vshll.u32 @!p0 v28, $0x2  }
0x26c: {  	v45 =	vlaneseq.u32 @!p0;
	v28 =	vand.u32 @!p0 $0x7, v28;
	v44 =	vand.u32 @!p0 $0xFFFFFFE0, v44  }
0x26d: {  	v28 =	vor.u32 @!p0 v28, v44;
	v44 =	vand.u32 @!p0 $0x7, v45;
	v45 =	vshrl.u32 @!p0 v45, $0x3  }
0x26e: {  	v28 =	vperm.xlane @!p0 v28, v44;
	v44 =	vmul.u32 @!p0 $0x8, v45;
	_ =	sdelay $0x1  }
0x26f: {  	v28 =	vadd.s32 @!p0 v44, v28;
	_ =	sdelay $0x3  }
0x270: {  	s0 =	simm.s32 @!p0 $0x8480  }
0x271: {  	[tilespmem:s0], [sflag:$0x7] =	stream.indirect_vreg.gather @!p0 [hbm4b:s23+s5], $0x80, v28, vm1, $0xb8;
	[tilespmem:$0xB500] =	vst v63  }
0x272: {  	s0 =	simm.s32 @!p0 $0x8C80  }
0x273: {  	[tilespmem:s0], [sflag:$0x7] =	stream.indirect_vreg.gather @!p0 [hbm4b:s31+s5], $0x80, v28, vm1, $0xb8;
	[tilespmem:$0xB500] =	vst v63  }
0x274: {  	_ =	swait.ge [sflag:s14], $0x1000  }
0x275: {  	[sflag:s14] =	ssyncset.done $0x0  }
0x276: {  	[sflag:s14] =	ssyncadd.s32 $0xFFFFF000  }
0x277: {  	_ =	swait.ge [sflag:s15], $0x1000  }
0x278: {  	[sflag:s15] =	ssyncset.done $0x0  }
0x279: {  	s5 =	simm.s32 $0x5C80;
	[sflag:s15] =	ssyncadd.s32 $0xFFFFF000  }
0x27a: {  	s29 =	simm.s32 $0x9C80;
	v28 =	vld [tilespmem:s5+$0x440]  }
0x27b: {  	v44 =	vld [tilespmem:s29+$0x440]  }
0x27c: {  	v45 =	vld [tilespmem:s5+$0x450]  }
0x27d: {  	v46 =	vld [tilespmem:s29+$0x450]  }
0x27e: {  	v47 =	vld [tilespmem:s5+$0x460]  }
0x27f: {  	v48 =	vld [tilespmem:s29+$0x460]  }
0x280: {  	v49 =	vld [tilespmem:s5+$0x470]  }
0x281: {  	v50 =	vld [tilespmem:s29+$0x470]  }
0x282: {  	v51 =	vld [tilespmem:s5+$0x400]  }
0x283: {  	v52 =	vld [tilespmem:s29+$0x400]  }
0x284: {  	v53 =	vld [tilespmem:s5+$0x410]  }
0x285: {  	v54 =	vld [tilespmem:s29+$0x410]  }
0x286: {  	v55 =	vld [tilespmem:s5+$0x420]  }
0x287: {  	v56 =	vld [tilespmem:s29+$0x420]  }
0x288: {  	v57 =	vld [tilespmem:s5+$0x430]  }
0x289: {  	v58 =	vld [tilespmem:s29+$0x430]  }
0x28a: {  	v59 =	vld [tilespmem:s5+$0x40]  }
0x28b: {  	v60 =	vld [tilespmem:s29+$0x40]  }
0x28c: {  	v29 =	vsub.f32 v29, v30;
	v30 =	vsub.f32 v31, v35;
	v31 =	vld [tilespmem:s5+$0x50]  }
0x28d: {  	v34 =	vsub.f32 v34, v36;
	v16 =	vsub.f32 v16, v18;
	v33 =	vmul.f32 v33, v33;
	v36 =	vld [tilespmem:s29+$0x50]  }
0x28e: {  	v32 =	vmul.f32 v32, v32;
	v61 =	vmul.f32 v42, v42;
	v63 =	vsub.f32 v40, v43;
	v40 =	vld [tilespmem:s5+$0x60]  }
0x28f: {  	v62 =	vsub.f32 v37, v39;
	v37 =	vmul.f32 v38, v38;
	v30 =	vmul.f32 v30, v30;
	v42 =	vld [tilespmem:s29+$0x60]  }
0x290: {  	v38 =	vmul.f32 v41, v41;
	v18 =	vmul.f32 v34, v34;
	v0 =	vsub.f32 v0, v1;
	v1 =	vld [tilespmem:s5+$0x70]  }
0x291: {  	v26 =	vmul.f32 v26, v26;
	v25 =	vmul.f32 v25, v25;
	v30 =	vadd.f32 v30, v37;
	v37 =	vld [tilespmem:s29+$0x70]  }
0x292: {  	v22 =	vmul.f32 v22, v22;
	v62 =	vmul.f32 v62, v62;
	v18 =	vadd.f32 v18, v38;
	v38 =	vld [tilespmem:s5+$0x0]  }
0x293: {  	v29 =	vmul.f32 v29, v29;
	v63 =	vmul.f32 v63, v63;
	v35 =	vld [tilespmem:s29+$0x0]  }
0x294: {  	v16 =	vmul.f32 v16, v16;
	v34 =	vadd.f32 v62, v61;
	v30 =	vadd.f32 v33, v30;
	v33 =	vld [tilespmem:s5+$0x10]  }
0x295: {  	v18 =	vadd.f32 v32, v18;
	v0 =	vmul.f32 v0, v0;
	v29 =	vadd.f32 v63, v29;
	v32 =	vld [tilespmem:s29+$0x10]  }
0x296: {  	v24 =	vmul.f32 v24, v24;
	v16 =	vadd.f32 v16, v34;
	v26 =	vadd.f32 v26, v30;
	v34 =	vld [tilespmem:s5+$0x20]  }
0x297: {  	v21 =	vmul.f32 v21, v21;
	v18 =	vadd.f32 v25, v18;
	v0 =	vadd.f32 v0, v29;
	v25 =	vld [tilespmem:s29+$0x20]  }
0x298: {  	v23 =	vmul.f32 v23, v23;
	v17 =	vmul.f32 v17, v17;
	v16 =	vadd.f32 v22, v16;
	v22 =	vld [tilespmem:s5+$0x30]  }
0x299: {  	v13 =	vmul.f32 v13, v13;
	v0 =	vadd.f32 v21, v0;
	v21 =	vadd.f32 v24, v26;
	v26 =	vld [tilespmem:s29+$0x30]  }
0x29a: {  	v12 =	vmul.f32 v12, v12;
	v18 =	vadd.f32 v23, v18;
	v16 =	vadd.f32 v17, v16;
	v39 =	vld [tilespmem:s5+$0xFFFFFC40]  }
0x29b: {  	v9 =	vmul.f32 v9, v9;
	v0 =	vadd.f32 v13, v0;
	v13 =	vadd.f32 v20, v21;
	v20 =	vld [tilespmem:s29+$0xFFFFFC40]  }
0x29c: {  	v8 =	vmul.f32 v8, v8;
	v17 =	vadd.f32 v19, v18;
	v19 =	vld [tilespmem:s5+$0xFFFFFC50]  }
0x29d: {  	v7 =	vmul.f32 v7, v7;
	v12 =	vadd.f32 v12, v16;
	v0 =	vadd.f32 v9, v0;
	v21 =	vld [tilespmem:s29+$0xFFFFFC50]  }
0x29e: {  	v6 =	vmul.f32 v6, v6;
	v9 =	vadd.f32 v14, v13;
	v13 =	vadd.f32 v15, v17;
	v14 =	vld [tilespmem:s5+$0xFFFFFC60]  }
0x29f: {  	v5 =	vmul.f32 v5, v5;
	v8 =	vadd.f32 v8, v12;
	v0 =	vadd.f32 v7, v0;
	v15 =	vld [tilespmem:s29+$0xFFFFFC60]  }
0x2a0: {  	v7 =	vadd.f32 v10, v9;
	v9 =	vadd.f32 v11, v13;
	v10 =	vld [tilespmem:s5+$0xFFFFFC70]  }
0x2a1: {  	v6 =	vadd.f32 v6, v8;
	v0 =	vadd.f32 v5, v0;
	v11 =	vld [tilespmem:s29+$0xFFFFFC70]  }
0x2a2: {  	v41 =	vld [tilespmem:s5+$0xFFFFFC00]  }
0x2a3: {  	v5 =	vadd.f32 v9, v7;
	v0 =	vadd.f32 v0, v6;
	v43 =	vld [tilespmem:s29+$0xFFFFFC00]  }
0x2a4: {  	v61 =	vld [tilespmem:s5+$0xFFFFFC10]  }
0x2a5: {  	v0 =	vadd.f32 v0, v5;
	v62 =	vld [tilespmem:s29+$0xFFFFFC10]  }
0x2a6: {  	v16 =	vld [tilespmem:s5+$0xFFFFFC20]  }
0x2a7: {  	v0 =	vmul.f32 v0, v27;
	v18 =	vld [tilespmem:s29+$0xFFFFFC20]  }
0x2a8: {  	v27 =	vld [tilespmem:s5+$0xFFFFF800]  }
0x2a9: {  	v63 =	vld [tilespmem:s5+$0xFFFFF810];
	v4 =	vadd.f32 v0, v4  }
0x2aa: {  	v2 =	vld [tilespmem:s29+$0xFFFFF820];
	v44 =	vsub.f32 v28, v44;
	v45 =	vsub.f32 v45, v46  }
0x2ab: {  	v29 =	vld [tilespmem:s5+$0xFFFFF830];
	v6 =	vsub.f32 v47, v48;
	v5 =	vsub.f32 v49, v50  }
0x2ac: {  	v30 =	vld [tilespmem:s29+$0xFFFFF830];
	v48 =	vsub.f32 v51, v52;
	v49 =	vsub.f32 v53, v54  }
0x2ad: {  	v0 =	vld [tilespmem:s29+$0xFFFFF800];
	v8 =	vsub.f32 v55, v56;
	v7 =	vsub.f32 v57, v58  }
0x2ae: {  	v46 =	vld [tilespmem:s29+$0xFFFFF810];
	v59 =	vsub.f32 v59, v60;
	v60 =	vsub.f32 v31, v36  }
0x2af: {  	v47 =	vld [tilespmem:s5+$0xFFFFF820];
	v12 =	vsub.f32 v40, v42;
	v9 =	vsub.f32 v1, v37  }
0x2b0: {  	v31 =	vld [tilespmem:s5+$0xFFFFF840];
	v24 =	vsub.f32 v38, v35;
	v23 =	vsub.f32 v33, v32  }
0x2b1: {  	v35 =	vld [tilespmem:s29+$0xFFFFF840];
	v17 =	vsub.f32 v34, v25;
	v13 =	vsub.f32 v22, v26  }
0x2b2: {  	v34 =	vld [tilespmem:s5+$0xFFFFF850];
	v26 =	vsub.f32 v39, v20;
	v25 =	vsub.f32 v19, v21  }
0x2b3: {  	s30 =	sor.u32 $0x10, s24;
	v36 =	vld [tilespmem:s29+$0xFFFFF850];
	v22 =	vsub.f32 v14, v15;
	v21 =	vsub.f32 v10, v11  }
0x2b4: {  	s21 =	sadd.s32 $0x0, s30;
	v37 =	vld [tilespmem:s5+$0xFFFFF860];
	v33 =	vsub.f32 v41, v43;
	v32 =	vsub.f32 v61, v62;
	v10 =	vmul.f32 v44, v44  }
0x2b5: {  	v28 =	vmov s21;
	v39 =	vld [tilespmem:s29+$0xFFFFF860];
	v11 =	vmul.f32 v45, v45;
	v14 =	vmul.f32 v48, v48  }
0x2b6: {  	v40 =	vld [tilespmem:s5+$0xFFFFF870];
	v38 =	vsub.f32 v27, v0;
	v15 =	vmul.f32 v49, v49;
	v20 =	vmul.f32 v59, v59  }
0x2b7: {  	v43 =	vld [tilespmem:s29+$0xFFFFF870];
	s21 =	simm.s32 $0x1;
	v19 =	vmul.f32 v60, v60;
	v41 =	vsub.f32 v63, v46;
	v42 =	vsub.f32 v47, v2  }
.LBB2_17:
0x2b8: {  	p1 =	sne.s32 s21, $0x7;
	v0 =	vsub.f32 v29, v30;
	v1 =	vld [tilespmem:s5+$0xFFFFFC30];
	v44 =	vmul.f32 v24, v24;
	v45 =	vmul.f32 v23, v23  }
0x2b9: {  	v27 =	vsub.f32 v31, v35;
	v35 =	vmul.f32 v26, v26;
	v46 =	vmul.f32 v25, v25;
	s5 =	sadd.s32 $0x80, s5;
	v29 =	vld [tilespmem:s29+$0xFFFFFC30]  }
0x2ba: {  	v30 =	vsub.f32 v34, v36;
	v33 =	vmul.f32 v33, v33;
	v32 =	vmul.f32 v32, v32;
	s29 =	sadd.s32 $0x80, s29;
	v23 =	vld [tilespmem:s5+$0x440]  }
0x2bb: {  	v31 =	vmul.f32 v38, v38;
	v34 =	vmul.f32 v41, v41;
	v36 =	vsub.f32 v37, v39;
	v24 =	vld [tilespmem:s29+$0x440]  }
0x2bc: {  	v37 =	vmul.f32 v42, v42;
	v0 =	vmul.f32 v0, v0;
	v25 =	vld [tilespmem:s5+$0x450];
	v38 =	vsub.f32 v40, v43  }
0x2bd: {  	v16 =	vsub.f32 v16, v18;
	v39 =	vmul.f32 v27, v27;
	v30 =	vmul.f32 v30, v30;
	v26 =	vld [tilespmem:s29+$0x450]  }
0x2be: {  	v18 =	vmul.f32 v36, v36;
	v27 =	vld [tilespmem:s5+$0x460];
	v36 =	vmul.f32 v38, v38;
	v1 =	vsub.f32 v1, v29  }
0x2bf: {  	v16 =	vmul.f32 v16, v16;
	v34 =	vadd.f32 v30, v34;
	v38 =	vadd.f32 v39, v31;
	v29 =	vld [tilespmem:s29+$0x460]  }
0x2c0: {  	v18 =	vadd.f32 v18, v37;
	v30 =	vld [tilespmem:s5+$0x470];
	v0 =	vadd.f32 v36, v0;
	v1 =	vmul.f32 v1, v1  }
0x2c1: {  	v22 =	vmul.f32 v22, v22;
	v32 =	vadd.f32 v32, v34;
	v33 =	vadd.f32 v33, v38;
	v31 =	vld [tilespmem:s29+$0x470]  }
0x2c2: {  	v16 =	vadd.f32 v16, v18;
	v34 =	vld [tilespmem:s5+$0x400];
	v0 =	vadd.f32 v1, v0;
	v1 =	vmul.f32 v21, v21  }
0x2c3: {  	v17 =	vmul.f32 v17, v17;
	v32 =	vadd.f32 v46, v32;
	v18 =	vadd.f32 v35, v33;
	v21 =	vld [tilespmem:s29+$0x400]  }
0x2c4: {  	v16 =	vadd.f32 v22, v16;
	v33 =	vld [tilespmem:s5+$0x410];
	v0 =	vadd.f32 v1, v0;
	v1 =	vmul.f32 v13, v13  }
0x2c5: {  	v12 =	vmul.f32 v12, v12;
	v22 =	vadd.f32 v45, v32;
	v18 =	vadd.f32 v44, v18;
	v13 =	vld [tilespmem:s29+$0x410]  }
0x2c6: {  	v16 =	vadd.f32 v17, v16;
	v32 =	vld [tilespmem:s5+$0x420];
	v0 =	vadd.f32 v1, v0;
	v1 =	vmul.f32 v9, v9  }
0x2c7: {  	v8 =	vmul.f32 v8, v8;
	v17 =	vadd.f32 v20, v18;
	v18 =	vadd.f32 v19, v22;
	v9 =	vld [tilespmem:s29+$0x420]  }
0x2c8: {  	v12 =	vadd.f32 v12, v16;
	v19 =	vld [tilespmem:s5+$0x430];
	v0 =	vadd.f32 v1, v0;
	v1 =	vmul.f32 v7, v7  }
0x2c9: {  	v6 =	vmul.f32 v6, v6;
	v14 =	vadd.f32 v14, v17;
	v15 =	vadd.f32 v15, v18;
	v7 =	vld [tilespmem:s29+$0x430]  }
0x2ca: {  	v8 =	vadd.f32 v8, v12;
	v17 =	vld [tilespmem:s5+$0x40];
	v0 =	vadd.f32 v1, v0;
	v1 =	vmul.f32 v5, v5  }
0x2cb: {  	v5 =	vadd.f32 v10, v14;
	v10 =	vadd.f32 v11, v15;
	v12 =	vld [tilespmem:s29+$0x40]  }
0x2cc: {  	v6 =	vadd.f32 v6, v8;
	v0 =	vadd.f32 v1, v0;
	v1 =	vld.idx.msk [tilespmem:v28+s11+$0x0], $0xffff  }
0x2cd: {  	v11 =	vld [tilespmem:s5+$0x50]  }
0x2ce: {  	v5 =	vadd.f32 v10, v5;
	v14 =	vld [tilespmem:s29+$0x50];
	v0 =	vadd.f32 v0, v6  }
0x2cf: {  	v10 =	vld [tilespmem:s5+$0x60]  }
0x2d0: {  	v15 =	vld [tilespmem:s29+$0x60];
	v0 =	vadd.f32 v0, v5  }
0x2d1: {  	v20 =	vld [tilespmem:s5+$0x70]  }
0x2d2: {  	v22 =	vld [tilespmem:s29+$0x70];
	v0 =	vmul.f32 v0, v1  }
0x2d3: {  	v1 =	vld [tilespmem:s5+$0x0]  }
0x2d4: {  	v28 =	vld [tilespmem:s29+$0x0];
	v4 =	vadd.f32 v0, v4  }
0x2d5: {  	v0 =	vld [tilespmem:s5+$0x10]  }
0x2d6: {  	v35 =	vld [tilespmem:s29+$0x10]  }
0x2d7: {  	v36 =	vld [tilespmem:s5+$0x20]  }
0x2d8: {  	v37 =	vld [tilespmem:s29+$0x20]  }
0x2d9: {  	v38 =	vld [tilespmem:s5+$0x30]  }
0x2da: {  	v39 =	vld [tilespmem:s29+$0x30]  }
0x2db: {  	v40 =	vld [tilespmem:s5+$0xFFFFFC40]  }
0x2dc: {  	v41 =	vld [tilespmem:s29+$0xFFFFFC40]  }
0x2dd: {  	v42 =	vld [tilespmem:s5+$0xFFFFFC50]  }
0x2de: {  	v43 =	vld [tilespmem:s29+$0xFFFFFC50]  }
0x2df: {  	v44 =	vld [tilespmem:s5+$0xFFFFFC60]  }
0x2e0: {  	v45 =	vld [tilespmem:s29+$0xFFFFFC60]  }
0x2e1: {  	v46 =	vld [tilespmem:s5+$0xFFFFFC70]  }
0x2e2: {  	v47 =	vld [tilespmem:s29+$0xFFFFFC70]  }
0x2e3: {  	v48 =	vld [tilespmem:s5+$0xFFFFFC00]  }
0x2e4: {  	v49 =	vld [tilespmem:s29+$0xFFFFFC00]  }
0x2e5: {  	v50 =	vld [tilespmem:s5+$0xFFFFFC10]  }
0x2e6: {  	v51 =	vld [tilespmem:s29+$0xFFFFFC10]  }
0x2e7: {  	v16 =	vld [tilespmem:s5+$0xFFFFFC20]  }
0x2e8: {  	v18 =	vld [tilespmem:s29+$0xFFFFFC20]  }
0x2e9: {  	v52 =	vld [tilespmem:s5+$0xFFFFF800]  }
0x2ea: {  	v53 =	vld [tilespmem:s29+$0xFFFFF800]  }
0x2eb: {  	v55 =	vsub.f32 v23, v24;
	v56 =	vsub.f32 v25, v26;
	v54 =	vld [tilespmem:s5+$0xFFFFF810]  }
0x2ec: {  	v6 =	vsub.f32 v27, v29;
	v5 =	vsub.f32 v30, v31;
	v57 =	vld [tilespmem:s29+$0xFFFFF810]  }
0x2ed: {  	v58 =	vsub.f32 v34, v21;
	v59 =	vsub.f32 v33, v13;
	v27 =	vld [tilespmem:s5+$0xFFFFF820]  }
0x2ee: {  	v8 =	vsub.f32 v32, v9;
	v7 =	vsub.f32 v19, v7;
	v60 =	vld [tilespmem:s29+$0xFFFFF820]  }
0x2ef: {  	v19 =	vsub.f32 v17, v12;
	v61 =	vsub.f32 v11, v14;
	v29 =	vld [tilespmem:s5+$0xFFFFF830]  }
0x2f0: {  	v12 =	vsub.f32 v10, v15;
	v9 =	vsub.f32 v20, v22;
	v30 =	vld [tilespmem:s29+$0xFFFFF830]  }
0x2f1: {  	v24 =	vsub.f32 v1, v28;
	v23 =	vsub.f32 v0, v35;
	v31 =	vld [tilespmem:s5+$0xFFFFF840]  }
0x2f2: {  	v17 =	vsub.f32 v36, v37;
	v13 =	vsub.f32 v38, v39;
	v35 =	vld [tilespmem:s29+$0xFFFFF840]  }
0x2f3: {  	v26 =	vsub.f32 v40, v41;
	v25 =	vsub.f32 v42, v43;
	v34 =	vld [tilespmem:s5+$0xFFFFF850]  }
.Ltmp7:
0x2f4: {  	s0 =	sadd.s32 s30, s21;
	v22 =	vsub.f32 v44, v45;
	v21 =	vsub.f32 v46, v47;
	v36 =	vld [tilespmem:s29+$0xFFFFF850];
	(pc) =	sbr.rel @p1 .LBB2_17-.Ltmp7, $4  }
0x2f5: {  	v28 =	vmov s0;
	v33 =	vsub.f32 v48, v49;
	v32 =	vsub.f32 v50, v51;
	v37 =	vld [tilespmem:s5+$0xFFFFF860]  }
0x2f6: {  	v11 =	vmul.f32 v56, v56;
	v10 =	vmul.f32 v55, v55;
	v38 =	vsub.f32 v52, v53;
	v39 =	vld [tilespmem:s29+$0xFFFFF860]  }
0x2f7: {  	v14 =	vmul.f32 v58, v58;
	v15 =	vmul.f32 v59, v59;
	v41 =	vsub.f32 v54, v57;
	v40 =	vld [tilespmem:s5+$0xFFFFF870]  }
0x2f8: {  	s21 =	sadd.s32 $0x1, s21;
	v20 =	vmul.f32 v19, v19;
	v19 =	vmul.f32 v61, v61;
	v42 =	vsub.f32 v27, v60;
	v43 =	vld [tilespmem:s29+$0xFFFFF870]  }
0x2f9: {  	_ =	sdelay $0x1  }
0x2fa: {  	v0 =	vld [tilespmem:s5+$0xFFFFFC30]  }
0x2fb: {  	v1 =	vld [tilespmem:s29+$0xFFFFFC30];
	s0 =	sadd.s32 @!p0 $0xC00, s25;
	s5 =	simm.s32 @!p0 $0x0;
	s21 =	simm.s32 @!p0 $0x5480  }
0x2fc: {  	v27 =	vld.idx.msk [tilespmem:v28+s11+$0x0], $0xffff;
	[tilespmem:s21], [sflag:$0x4] =	stream.linear.gather @!p0 [hbm4b:s0+s5], $0x1000, $0x38  }
0x2fd: {  	v28 =	vld.msk @!p0 [tilespmem:s24+$0x8B0], $0xff;
	_ =	sdelay $0x4  }
0x2fe: {  	v44 =	vshll.u32 @!p0 v28, $0x2  }
0x2ff: {  	v45 =	vlaneseq.u32 @!p0;
	v28 =	vand.u32 @!p0 $0x7, v28;
	v44 =	vand.u32 @!p0 $0xFFFFFFE0, v44  }
0x300: {  	v28 =	vor.u32 @!p0 v28, v44;
	v44 =	vand.u32 @!p0 $0x7, v45;
	v45 =	vshrl.u32 @!p0 v45, $0x3  }
0x301: {  	v28 =	vperm.xlane @!p0 v28, v44;
	v44 =	vmul.u32 @!p0 $0x8, v45;
	_ =	sdelay $0x1  }
0x302: {  	v28 =	vadd.s32 @!p0 v44, v28;
	_ =	sdelay $0x3  }
0x303: {  	s0 =	simm.s32 @!p0 $0x9480  }
0x304: {  	[tilespmem:s0], [sflag:$0x8] =	stream.indirect_vreg.gather @!p0 [hbm4b:s23+s5], $0x80, v28, vm1, $0xb8;
	[tilespmem:$0xB500] =	vst v63  }
0x305: {  	s0 =	simm.s32 @!p0 $0x9C80  }
0x306: {  	[tilespmem:s0], [sflag:$0x8] =	stream.indirect_vreg.gather @!p0 [hbm4b:s31+s5], $0x80, v28, vm1, $0xb8;
	[tilespmem:$0xB500] =	vst v63  }
0x307: {  	_ =	swait.ge [sflag:s16], $0x1000  }
0x308: {  	[sflag:s16] =	ssyncset.done $0x0  }
0x309: {  	[sflag:s16] =	ssyncadd.s32 $0xFFFFF000  }
0x30a: {  	_ =	swait.ge [sflag:s17], $0x1000  }
0x30b: {  	[sflag:s17] =	ssyncset.done $0x0  }
0x30c: {  	s5 =	simm.s32 $0x6C80;
	[sflag:s17] =	ssyncadd.s32 $0xFFFFF000  }
0x30d: {  	s24 =	simm.s32 $0xAC80;
	v28 =	vld [tilespmem:s5+$0x440]  }
0x30e: {  	v44 =	vld [tilespmem:s24+$0x440]  }
0x30f: {  	v45 =	vld [tilespmem:s5+$0x450]  }
0x310: {  	v46 =	vld [tilespmem:s24+$0x450]  }
0x311: {  	v47 =	vld [tilespmem:s5+$0x460]  }
0x312: {  	v48 =	vld [tilespmem:s24+$0x460]  }
0x313: {  	v49 =	vld [tilespmem:s5+$0x470]  }
0x314: {  	v50 =	vld [tilespmem:s24+$0x470]  }
0x315: {  	v51 =	vld [tilespmem:s5+$0x400]  }
0x316: {  	v52 =	vld [tilespmem:s24+$0x400]  }
0x317: {  	v53 =	vld [tilespmem:s5+$0x410]  }
0x318: {  	v54 =	vld [tilespmem:s24+$0x410]  }
0x319: {  	v55 =	vld [tilespmem:s5+$0x420]  }
0x31a: {  	v56 =	vld [tilespmem:s24+$0x420]  }
0x31b: {  	v57 =	vld [tilespmem:s5+$0x430]  }
0x31c: {  	v58 =	vld [tilespmem:s24+$0x430]  }
0x31d: {  	v59 =	vld [tilespmem:s5+$0x40]  }
0x31e: {  	v60 =	vld [tilespmem:s24+$0x40]  }
0x31f: {  	v29 =	vsub.f32 v29, v30;
	v30 =	vsub.f32 v31, v35;
	v31 =	vld [tilespmem:s5+$0x50]  }
0x320: {  	v34 =	vsub.f32 v34, v36;
	v61 =	vmul.f32 v41, v41;
	v16 =	vsub.f32 v16, v18;
	v36 =	vld [tilespmem:s24+$0x50]  }
0x321: {  	v33 =	vmul.f32 v33, v33;
	v32 =	vmul.f32 v32, v32;
	v62 =	vsub.f32 v40, v43;
	v40 =	vld [tilespmem:s5+$0x60]  }
0x322: {  	v2 =	vsub.f32 v37, v39;
	v37 =	vmul.f32 v38, v38;
	v30 =	vmul.f32 v30, v30;
	v18 =	vld [tilespmem:s24+$0x60]  }
0x323: {  	v26 =	vmul.f32 v26, v26;
	v34 =	vmul.f32 v34, v34;
	v0 =	vsub.f32 v0, v1;
	v1 =	vld [tilespmem:s5+$0x70]  }
0x324: {  	v29 =	vmul.f32 v29, v29;
	v30 =	vadd.f32 v30, v37;
	v39 =	vmul.f32 v62, v62;
	v37 =	vld [tilespmem:s24+$0x70]  }
0x325: {  	v63 =	vmul.f32 v42, v42;
	v35 =	vmul.f32 v2, v2;
	v38 =	vld [tilespmem:s5+$0x0]  }
0x326: {  	v25 =	vmul.f32 v25, v25;
	v34 =	vadd.f32 v34, v61;
	v29 =	vadd.f32 v39, v29;
	v39 =	vld [tilespmem:s24+$0x0]  }
0x327: {  	v16 =	vmul.f32 v16, v16;
	v35 =	vadd.f32 v35, v63;
	v30 =	vadd.f32 v33, v30;
	v33 =	vld [tilespmem:s5+$0x10]  }
0x328: {  	v22 =	vmul.f32 v22, v22;
	v32 =	vadd.f32 v32, v34;
	v0 =	vmul.f32 v0, v0;
	v34 =	vld [tilespmem:s24+$0x10]  }
0x329: {  	v24 =	vmul.f32 v24, v24;
	v16 =	vadd.f32 v16, v35;
	v26 =	vadd.f32 v26, v30;
	v30 =	vld [tilespmem:s5+$0x20]  }
0x32a: {  	v21 =	vmul.f32 v21, v21;
	v25 =	vadd.f32 v25, v32;
	v0 =	vadd.f32 v0, v29;
	v32 =	vld [tilespmem:s24+$0x20]  }
0x32b: {  	v23 =	vmul.f32 v23, v23;
	v17 =	vmul.f32 v17, v17;
	v16 =	vadd.f32 v22, v16;
	v35 =	vld [tilespmem:s5+$0x30]  }
0x32c: {  	v13 =	vmul.f32 v13, v13;
	v0 =	vadd.f32 v21, v0;
	v21 =	vadd.f32 v24, v26;
	v24 =	vld [tilespmem:s24+$0x30]  }
0x32d: {  	v22 =	vadd.f32 v23, v25;
	v16 =	vadd.f32 v17, v16;
	v17 =	vld [tilespmem:s5+$0xFFFFFC40]  }
0x32e: {  	v12 =	vmul.f32 v12, v12;
	v9 =	vmul.f32 v9, v9;
	v0 =	vadd.f32 v13, v0;
	v26 =	vld [tilespmem:s24+$0xFFFFFC40]  }
0x32f: {  	v8 =	vmul.f32 v8, v8;
	v19 =	vadd.f32 v19, v22;
	v13 =	vadd.f32 v20, v21;
	v41 =	vld [tilespmem:s5+$0xFFFFFC50]  }
0x330: {  	v7 =	vmul.f32 v7, v7;
	v12 =	vadd.f32 v12, v16;
	v0 =	vadd.f32 v9, v0;
	v9 =	vld [tilespmem:s24+$0xFFFFFC50]  }
0x331: {  	v6 =	vmul.f32 v6, v6;
	v13 =	vadd.f32 v14, v13;
	v14 =	vadd.f32 v15, v19;
	v42 =	vld [tilespmem:s5+$0xFFFFFC60]  }
0x332: {  	v5 =	vmul.f32 v5, v5;
	v8 =	vadd.f32 v8, v12;
	v0 =	vadd.f32 v7, v0;
	v12 =	vld [tilespmem:s24+$0xFFFFFC60]  }
0x333: {  	v7 =	vadd.f32 v10, v13;
	v10 =	vadd.f32 v11, v14;
	v13 =	vld [tilespmem:s5+$0xFFFFFC70]  }
0x334: {  	v6 =	vadd.f32 v6, v8;
	v0 =	vadd.f32 v5, v0;
	v43 =	vld [tilespmem:s24+$0xFFFFFC70]  }
0x335: {  	v61 =	vld [tilespmem:s5+$0xFFFFFC00]  }
0x336: {  	v5 =	vadd.f32 v10, v7;
	v0 =	vadd.f32 v0, v6;
	v62 =	vld [tilespmem:s24+$0xFFFFFC00]  }
0x337: {  	v63 =	vld [tilespmem:s5+$0xFFFFFC10]  }
0x338: {  	v0 =	vadd.f32 v0, v5;
	v3 =	vld [tilespmem:s24+$0xFFFFFC10]  }
0x339: {  	v14 =	vld [tilespmem:s5+$0xFFFFFC20]  }
0x33a: {  	v0 =	vmul.f32 v0, v27;
	v15 =	vld [tilespmem:s24+$0xFFFFFC20]  }
0x33b: {  	v27 =	vld [tilespmem:s5+$0xFFFFF800]  }
0x33c: {  	v2 =	vld [tilespmem:s5+$0xFFFFF810];
	v4 =	vadd.f32 v0, v4  }
0x33d: {  	v20 =	vld [tilespmem:s5+$0xFFFFF830];
	v28 =	vsub.f32 v28, v44;
	v44 =	vsub.f32 v45, v46  }
0x33e: {  	v22 =	vld [tilespmem:s24+$0xFFFFF830];
	v6 =	vsub.f32 v47, v48;
	v5 =	vsub.f32 v49, v50  }
0x33f: {  	v21 =	vld [tilespmem:s5+$0xFFFFF840];
	v47 =	vsub.f32 v51, v52;
	v48 =	vsub.f32 v53, v54  }
0x340: {  	v23 =	vld [tilespmem:s5+$0xFFFFF850];
	v8 =	vsub.f32 v55, v56;
	v7 =	vsub.f32 v57, v58  }
0x341: {  	v0 =	vld [tilespmem:s24+$0xFFFFF800];
	v59 =	vsub.f32 v59, v60;
	v60 =	vsub.f32 v31, v36  }
0x342: {  	v45 =	vld [tilespmem:s24+$0xFFFFF810];
	v11 =	vsub.f32 v40, v18;
	v10 =	vsub.f32 v1, v37  }
0x343: {  	v46 =	vld [tilespmem:s5+$0xFFFFF820];
	v25 =	vsub.f32 v38, v39;
	v29 =	vsub.f32 v33, v34  }
0x344: {  	v54 =	vld [tilespmem:s24+$0xFFFFF820];
	v19 =	vsub.f32 v30, v32;
	v16 =	vsub.f32 v35, v24  }
0x345: {  	v31 =	vld [tilespmem:s24+$0xFFFFF840];
	v33 =	vsub.f32 v17, v26;
	v34 =	vsub.f32 v41, v9  }
0x346: {  	v32 =	vld [tilespmem:s24+$0xFFFFF850];
	v30 =	vsub.f32 v42, v12;
	v26 =	vsub.f32 v13, v43  }
0x347: {  	s30 =	sadd.s32 $0x0, s20;
	v24 =	vld [tilespmem:s5+$0xFFFFF860];
	v37 =	vsub.f32 v61, v62;
	v38 =	vsub.f32 v63, v3;
	v12 =	vmul.f32 v28, v28  }
0x348: {  	v9 =	vmov s30;
	v35 =	vld [tilespmem:s24+$0xFFFFF860];
	v13 =	vmul.f32 v44, v44;
	v17 =	vmul.f32 v47, v47  }
0x349: {  	v36 =	vld [tilespmem:s5+$0xFFFFF870];
	v39 =	vsub.f32 v27, v0;
	v18 =	vmul.f32 v48, v48;
	v27 =	vmul.f32 v59, v59  }
0x34a: {  	s21 =	simm.s32 $0x1;
	v41 =	vld [tilespmem:s24+$0xFFFFF870];
	v28 =	vmul.f32 v60, v60;
	v40 =	vsub.f32 v2, v45;
	v42 =	vsub.f32 v46, v54  }
.LBB2_19:
0x34b: {  	p0 =	sne.s32 s21, $0x7;
	v0 =	vsub.f32 v20, v22;
	v1 =	vld [tilespmem:s5+$0xFFFFFC30];
	v2 =	vmul.f32 v25, v25;
	v3 =	vmul.f32 v29, v29  }
0x34c: {  	v25 =	vsub.f32 v21, v31;
	v33 =	vmul.f32 v33, v33;
	v34 =	vmul.f32 v34, v34;
	s5 =	sadd.s32 $0x80, s5;
	v29 =	vld [tilespmem:s24+$0xFFFFFC30]  }
0x34d: {  	v31 =	vsub.f32 v23, v32;
	v32 =	vmul.f32 v37, v37;
	v37 =	vmul.f32 v38, v38;
	s24 =	sadd.s32 $0x80, s24;
	v20 =	vld [tilespmem:s5+$0x440]  }
0x34e: {  	v38 =	vmul.f32 v39, v39;
	v39 =	vmul.f32 v40, v40;
	v35 =	vsub.f32 v24, v35;
	v21 =	vld [tilespmem:s24+$0x440]  }
0x34f: {  	v40 =	vmul.f32 v42, v42;
	v0 =	vmul.f32 v0, v0;
	v22 =	vld [tilespmem:s5+$0x450];
	v36 =	vsub.f32 v36, v41  }
0x350: {  	v14 =	vsub.f32 v14, v15;
	v31 =	vmul.f32 v31, v31;
	v41 =	vmul.f32 v25, v25;
	v23 =	vld [tilespmem:s24+$0x450]  }
0x351: {  	v15 =	vmul.f32 v35, v35;
	v24 =	vld [tilespmem:s5+$0x460];
	v35 =	vmul.f32 v36, v36;
	v1 =	vsub.f32 v1, v29  }
0x352: {  	v14 =	vmul.f32 v14, v14;
	v36 =	vadd.f32 v41, v38;
	v38 =	vadd.f32 v31, v39;
	v25 =	vld [tilespmem:s24+$0x460]  }
0x353: {  	v15 =	vadd.f32 v15, v40;
	v29 =	vld [tilespmem:s5+$0x470];
	v0 =	vadd.f32 v35, v0;
	v1 =	vmul.f32 v1, v1  }
0x354: {  	v30 =	vmul.f32 v30, v30;
	v32 =	vadd.f32 v32, v36;
	v35 =	vadd.f32 v37, v38;
	v31 =	vld [tilespmem:s24+$0x470]  }
0x355: {  	v14 =	vadd.f32 v14, v15;
	v36 =	vld [tilespmem:s5+$0x400];
	v0 =	vadd.f32 v1, v0;
	v1 =	vmul.f32 v26, v26  }
0x356: {  	v19 =	vmul.f32 v19, v19;
	v15 =	vadd.f32 v33, v32;
	v32 =	vadd.f32 v34, v35;
	v26 =	vld [tilespmem:s24+$0x400]  }
0x357: {  	v14 =	vadd.f32 v30, v14;
	v33 =	vld [tilespmem:s5+$0x410];
	v0 =	vadd.f32 v1, v0;
	v1 =	vmul.f32 v16, v16  }
0x358: {  	v11 =	vmul.f32 v11, v11;
	v2 =	vadd.f32 v2, v15;
	v3 =	vadd.f32 v3, v32;
	v16 =	vld [tilespmem:s24+$0x410]  }
0x359: {  	v14 =	vadd.f32 v19, v14;
	v30 =	vld [tilespmem:s5+$0x420];
	v0 =	vadd.f32 v1, v0;
	v1 =	vmul.f32 v10, v10  }
0x35a: {  	v8 =	vmul.f32 v8, v8;
	v2 =	vadd.f32 v27, v2;
	v3 =	vadd.f32 v28, v3;
	v10 =	vld [tilespmem:s24+$0x420]  }
0x35b: {  	v11 =	vadd.f32 v11, v14;
	v19 =	vld [tilespmem:s5+$0x430];
	v0 =	vadd.f32 v1, v0;
	v1 =	vmul.f32 v7, v7  }
0x35c: {  	v6 =	vmul.f32 v6, v6;
	v2 =	vadd.f32 v17, v2;
	v3 =	vadd.f32 v18, v3;
	v7 =	vld [tilespmem:s24+$0x430]  }
0x35d: {  	v8 =	vadd.f32 v8, v11;
	v17 =	vld [tilespmem:s5+$0x40];
	v0 =	vadd.f32 v1, v0;
	v1 =	vmul.f32 v5, v5  }
0x35e: {  	v2 =	vadd.f32 v12, v2;
	v3 =	vadd.f32 v13, v3;
	v11 =	vld [tilespmem:s24+$0x40]  }
0x35f: {  	v5 =	vadd.f32 v6, v8;
	v0 =	vadd.f32 v1, v0;
	v1 =	vld.idx.msk [tilespmem:v9+s11+$0x0], $0xffff  }
0x360: {  	v9 =	vld [tilespmem:s5+$0x50]  }
0x361: {  	v2 =	vadd.f32 v3, v2;
	v12 =	vld [tilespmem:s24+$0x50];
	v0 =	vadd.f32 v0, v5  }
0x362: {  	v3 =	vld [tilespmem:s5+$0x60]  }
0x363: {  	v13 =	vld [tilespmem:s24+$0x60];
	v0 =	vadd.f32 v0, v2  }
0x364: {  	v2 =	vld [tilespmem:s5+$0x70]  }
0x365: {  	v18 =	vld [tilespmem:s24+$0x70];
	v0 =	vmul.f32 v0, v1  }
0x366: {  	v1 =	vld [tilespmem:s5+$0x0]  }
0x367: {  	v27 =	vld [tilespmem:s24+$0x0];
	v4 =	vadd.f32 v0, v4  }
0x368: {  	v0 =	vld [tilespmem:s5+$0x10]  }
0x369: {  	v28 =	vld [tilespmem:s24+$0x10]  }
0x36a: {  	v32 =	vld [tilespmem:s5+$0x20]  }
0x36b: {  	v34 =	vld [tilespmem:s24+$0x20]  }
0x36c: {  	v35 =	vld [tilespmem:s5+$0x30]  }
0x36d: {  	v37 =	vld [tilespmem:s24+$0x30]  }
0x36e: {  	v38 =	vld [tilespmem:s5+$0xFFFFFC40]  }
0x36f: {  	v39 =	vld [tilespmem:s24+$0xFFFFFC40]  }
0x370: {  	v40 =	vld [tilespmem:s5+$0xFFFFFC50]  }
0x371: {  	v41 =	vld [tilespmem:s24+$0xFFFFFC50]  }
0x372: {  	v42 =	vld [tilespmem:s5+$0xFFFFFC60]  }
0x373: {  	v43 =	vld [tilespmem:s24+$0xFFFFFC60]  }
0x374: {  	v44 =	vld [tilespmem:s5+$0xFFFFFC70]  }
0x375: {  	v45 =	vld [tilespmem:s24+$0xFFFFFC70]  }
0x376: {  	v46 =	vld [tilespmem:s5+$0xFFFFFC00]  }
0x377: {  	v47 =	vld [tilespmem:s24+$0xFFFFFC00]  }
0x378: {  	v48 =	vld [tilespmem:s5+$0xFFFFFC10]  }
0x379: {  	v49 =	vld [tilespmem:s24+$0xFFFFFC10]  }
0x37a: {  	v14 =	vld [tilespmem:s5+$0xFFFFFC20]  }
0x37b: {  	v15 =	vld [tilespmem:s24+$0xFFFFFC20]  }
0x37c: {  	v50 =	vld [tilespmem:s5+$0xFFFFF800]  }
0x37d: {  	v51 =	vld [tilespmem:s24+$0xFFFFF800]  }
0x37e: {  	v53 =	vsub.f32 v20, v21;
	v54 =	vsub.f32 v22, v23;
	v52 =	vld [tilespmem:s5+$0xFFFFF810]  }
0x37f: {  	v6 =	vsub.f32 v24, v25;
	v5 =	vsub.f32 v29, v31;
	v55 =	vld [tilespmem:s24+$0xFFFFF810]  }
0x380: {  	v57 =	vsub.f32 v36, v26;
	v58 =	vsub.f32 v33, v16;
	v56 =	vld [tilespmem:s5+$0xFFFFF820]  }
0x381: {  	v8 =	vsub.f32 v30, v10;
	v7 =	vsub.f32 v19, v7;
	v59 =	vld [tilespmem:s24+$0xFFFFF820]  }
0x382: {  	v60 =	vsub.f32 v17, v11;
	v61 =	vsub.f32 v9, v12;
	v20 =	vld [tilespmem:s5+$0xFFFFF830]  }
0x383: {  	v11 =	vsub.f32 v3, v13;
	v10 =	vsub.f32 v2, v18;
	v22 =	vld [tilespmem:s24+$0xFFFFF830]  }
0x384: {  	v25 =	vsub.f32 v1, v27;
	v29 =	vsub.f32 v0, v28;
	v21 =	vld [tilespmem:s5+$0xFFFFF840]  }
0x385: {  	v19 =	vsub.f32 v32, v34;
	v16 =	vsub.f32 v35, v37;
	v31 =	vld [tilespmem:s24+$0xFFFFF840]  }
0x386: {  	v33 =	vsub.f32 v38, v39;
	v34 =	vsub.f32 v40, v41;
	v23 =	vld [tilespmem:s5+$0xFFFFF850]  }
.Ltmp8:
0x387: {  	s0 =	sadd.s32 s20, s21;
	v30 =	vsub.f32 v42, v43;
	v26 =	vsub.f32 v44, v45;
	v32 =	vld [tilespmem:s24+$0xFFFFF850];
	(pc) =	sbr.rel @p0 .LBB2_19-.Ltmp8, $4  }
0x388: {  	v9 =	vmov s0;
	v37 =	vsub.f32 v46, v47;
	v38 =	vsub.f32 v48, v49;
	v24 =	vld [tilespmem:s5+$0xFFFFF860]  }
0x389: {  	v12 =	vmul.f32 v53, v53;
	v13 =	vmul.f32 v54, v54;
	v39 =	vsub.f32 v50, v51;
	v35 =	vld [tilespmem:s24+$0xFFFFF860]  }
0x38a: {  	v17 =	vmul.f32 v57, v57;
	v18 =	vmul.f32 v58, v58;
	v40 =	vsub.f32 v52, v55;
	v36 =	vld [tilespmem:s5+$0xFFFFF870]  }
0x38b: {  	s21 =	sadd.s32 $0x1, s21;
	v27 =	vmul.f32 v60, v60;
	v28 =	vmul.f32 v61, v61;
	v42 =	vsub.f32 v56, v59;
	v41 =	vld [tilespmem:s24+$0xFFFFF870]  }
0x38c: {  	v2 =	vmul.f32 v25, v25  }
0x38d: {  	v1 =	vld [tilespmem:s5+$0xFFFFFC30];
	v3 =	vmul.f32 v29, v29;
	v43 =	vmul.f32 v33, v33  }
0x38e: {  	v0 =	vsub.f32 v20, v22;
	v63 =	vld [tilespmem:s24+$0xFFFFFC30];
	v44 =	vmul.f32 v34, v34;
	v45 =	vmul.f32 v37, v37  }
0x38f: {  	v62 =	vsub.f32 v21, v31;
	v46 =	vmul.f32 v38, v38;
	v47 =	vmul.f32 v39, v39  }
0x390: {  	v23 =	vsub.f32 v23, v32;
	v48 =	vmul.f32 v40, v40;
	v49 =	vmul.f32 v42, v42  }
0x391: {  	v24 =	vsub.f32 v24, v35;
	v0 =	vmul.f32 v0, v0;
	v50 =	vsub.f32 v36, v41  }
0x392: {  	v14 =	vsub.f32 v14, v15;
	v20 =	vmul.f32 v62, v62;
	v23 =	vmul.f32 v23, v23  }
0x393: {  	v51 =	vmul.f32 v24, v24;
	v1 =	vsub.f32 v1, v63;
	v52 =	vmul.f32 v50, v50  }
0x394: {  	v14 =	vmul.f32 v14, v14;
	v20 =	vadd.f32 v20, v47;
	v53 =	vadd.f32 v23, v48  }
0x395: {  	v15 =	vadd.f32 v51, v49;
	v1 =	vmul.f32 v1, v1;
	v0 =	vadd.f32 v52, v0  }
0x396: {  	v54 =	vmul.f32 v30, v30;
	v20 =	vadd.f32 v45, v20;
	v21 =	vadd.f32 v46, v53  }
0x397: {  	v55 =	vmul.f32 v26, v26;
	v14 =	vadd.f32 v14, v15;
	v0 =	vadd.f32 v1, v0  }
0x398: {  	v19 =	vmul.f32 v19, v19;
	v56 =	vadd.f32 v43, v20;
	v57 =	vadd.f32 v44, v21  }
0x399: {  	v58 =	vmul.f32 v16, v16;
	v14 =	vadd.f32 v54, v14;
	v0 =	vadd.f32 v55, v0  }
0x39a: {  	v11 =	vmul.f32 v11, v11;
	v2 =	vadd.f32 v2, v56;
	v3 =	vadd.f32 v3, v57  }
0x39b: {  	v59 =	vmul.f32 v10, v10;
	v14 =	vadd.f32 v19, v14;
	v0 =	vadd.f32 v58, v0  }
0x39c: {  	v8 =	vmul.f32 v8, v8;
	v2 =	vadd.f32 v27, v2;
	v3 =	vadd.f32 v28, v3  }
0x39d: {  	v61 =	vmul.f32 v7, v7;
	v60 =	vadd.f32 v11, v14;
	v0 =	vadd.f32 v59, v0  }
0x39e: {  	v6 =	vmul.f32 v6, v6;
	v2 =	vadd.f32 v17, v2;
	v3 =	vadd.f32 v18, v3  }
0x39f: {  	v62 =	vmul.f32 v5, v5;
	v7 =	vadd.f32 v8, v60;
	v0 =	vadd.f32 v61, v0  }
0x3a0: {  	v2 =	vadd.f32 v12, v2;
	v3 =	vadd.f32 v13, v3  }
0x3a1: {  	v5 =	vadd.f32 v6, v7;
	v0 =	vadd.f32 v62, v0  }
0x3a2: {  	v63 =	vld.idx.msk [tilespmem:v9+s11+$0x0], $0xffff  }
0x3a3: {  	s19 =	sadd.s32 $0x1, s19;
	v2 =	vadd.f32 v3, v2;
	v0 =	vadd.f32 v0, v5  }
0x3a4: {  	p0 =	sne.s32 s19, $0x10  }
.Ltmp9:
0x3a5: {  	v0 =	vadd.f32 v0, v2;
	(pc) =	sbr.rel @p0 .LBB2_12-.Ltmp9, $3  }
0x3a6: {  	_ = 	snop  }
0x3a7: {  	v0 =	vmul.f32 v0, v63;
	_ =	sdelay $0x1  }
0x3a8: {  	v4 =	vadd.f32 v0, v4  }
0x3a9: {  	_ = 	snop  }
0x3aa: {  	s5 =	simm.s32 $0x0;
	s0 =	rddreg [dreg:$0x1b];
	s19 =	simm.s32 $0xB480;
	[tilespmem:$0xB480] =	vst v4  }
0x3ab: {  	[hbm4b:s0+s5] =	stream.linear.scatter [tilespmem:s19], [sflag:$0xA], $0x80, $0x38;
	[tilespmem:$0xB500] =	vst v63  }
0x3ac: {  	_ =	swait.ge [sflag:s1], $0x80  }
0x3ad: {  	s18 =	sadd.s32 $0x1, s18;
	s30 =	rddreg [dreg:$0x1c]  }
0x3ae: {  	p0 =	sne.s32 s18, s30  }
.Ltmp10:
0x3af: {  	_ = 	snop;
	(pc) =	sbr.rel @p0 .LBB2_1-.Ltmp10, $3  }
0x3b0: {  	_ =	sdelay $0x1  }
0x3b1: {  	[sflag:s1] =	ssyncset.done $0x0  }
0x3b2: {  	v2 =	vimm.f32 $0.0e+00;
	v3 =	vimm.f32 $1.000000000e+00;
	[sflag:s1] =	ssyncadd.s32 $0xFFFFFF80  }
0x3b3: {  	_ =	sfence.sel $0x180000  }
0x3b4: {  	[bflag:$0x0] =	sbarrier.arrive $0xFFFF  }
0x3b5: {  	_ =	strace $0x90000047  }
0x3b6: {  	s0 =	stileid.u32;
	[bflag:$0x2] =	sbarrier.arrive $0xFFFF  }
0x3b7: {  	p0 =	sne.s32 s0, $0x0;
	s0 =	rddreg [dreg:$0x5]  }
0x3b8: {  	s0 =	sadd.s32 @!p0 $0x100000, s0  }
0x3b9: {  	[sflag:s0] =	ssyncadd.tile.s32 @!p0 $0x1;
	_ =	shalt  }
.Lfunc_end2:
_tile_overlayer_lowered:
.L_overlay_start_2:
0x3ba: {  	(tag) =	ssettag $0x2  }
0x3bb: {  	s0 =	rddreg [dreg:$0x0];
	s2 =	stileid.u32  }
0x3bc: {  	s1 =	rddreg [dreg:$0x1];
	p0 =	sne.s32 s2, $0x0  }
0x3bd: {  	s3 =	rddreg [dreg:$0x2];
	[bflag:$0x3] =	sbarrier.arrive $0xFFFF;
	s2 =	simm.s32 @!p0 $0x1C0A  }
0x3be: {  	[timem:s3], [sflag:s2] =	dma.local @!p0 [hbm:s0], s1  }
0x3bf: {  	s0 =	simm.s32 @!p0 $0xA  }
0x3c0: {  	_ =	swait.ge @!p0 [sflag:s0], s1  }
0x3c1: {  	s1 =	ssub.s32 @!p0 $0x0, s1;
	[sflag:s0] =	ssyncset.done @!p0 $0x0  }
0x3c2: {  	[sflag:s0] =	ssyncadd.s32 @!p0 s1  }
0x3c3: {  	[bflag:$0x3] =	sbarrier.arrive $0xFFFF  }
0x3c4: {  	_ =	shalt  }

</sc_bundles>
